<compile_context>
chip_gen: v7x
topology: tpu7x:2x2x1
jax: 0.10.2.dev20260603
libtpu: 0.0.44.dev20260713+nightly
codegen_flags: <defaults>
</compile_context>

<pallas_src>
import functools

import jax
import jax.numpy as jnp
from jax import lax
from jax.experimental import pallas as pl
from jax.experimental.pallas import tpu as pltpu
from jax.experimental.pallas import tpu_sc as plsc

_CHUNK = 128
_BB = 256

_COS_C = (0.9999999969535533, -19.73920657927625, 64.93920774107887,
          -85.45159123705025, 60.17829035794926, -26.003974317084214,
          6.575528195385702)


def _fast_cos(x):
    t = x * jnp.float32(1.0 / (2.0 * 3.141592653589793))
    t = t - jnp.round(t)
    u = t * t
    acc = jnp.full_like(u, jnp.float32(_COS_C[6]))
    for k in range(5, -1, -1):
        acc = acc * u + jnp.float32(_COS_C[k])
    return acc


def _add_body(a_ref, b_ref, o_ref):
    o_ref[...] = a_ref[...] + b_ref[...]


def _sc_gather(combined, edge_features, src_idx, ngh_idx, ef_idx):
    n_nodes, d = combined.shape
    n_edges, de = edge_features.shape
    b = src_idx.shape[0]
    r = ngh_idx.shape[0]
    info = plsc.get_sparse_core_info()
    nc, ns = info.num_cores, info.num_subcores
    nw = nc * ns
    src_per_w = b // nw
    ngh_per_w = r // nw
    n_src = src_per_w // _CHUNK
    n_ngh = ngh_per_w // _CHUNK
    mesh = plsc.VectorSubcoreMesh(core_axis_name="c", subcore_axis_name="s")

    @functools.partial(
        pl.kernel,
        out_type=(
            jax.ShapeDtypeStruct((b, d), jnp.float32),
            jax.ShapeDtypeStruct((r, d), jnp.float32),
            jax.ShapeDtypeStruct((r, de), jnp.float32),
        ),
        mesh=mesh,
        scratch_types=[
            pltpu.VMEM((ngh_per_w,), jnp.int32),
            pltpu.VMEM((ngh_per_w,), jnp.int32),
            pltpu.VMEM((src_per_w,), jnp.int32),
            pltpu.VMEM((_CHUNK, d), jnp.float32),
            pltpu.VMEM((_CHUNK, d), jnp.float32),
            pltpu.VMEM((_CHUNK, de), jnp.float32),
            pltpu.VMEM((_CHUNK, de), jnp.float32),
            pltpu.SemaphoreType.DMA,
            pltpu.SemaphoreType.DMA,
        ],
        compiler_params=pltpu.CompilerParams(use_tc_tiling_on_sc=False),
    )
    def k(comb_hbm, ef_hbm, sidx_hbm, nidx_hbm, eidx_hbm,
          src_out, ngh_out, ef_out,
          nidx_v, eidx_v, sidx_v, buf0, buf1, efb0, efb1, sem0, sem1):
        wid = lax.axis_index("s") * nc + lax.axis_index("c")
        nbase = wid * ngh_per_w
        sbase = wid * src_per_w
        pltpu.sync_copy(nidx_hbm.at[pl.ds(nbase, ngh_per_w)], nidx_v)
        pltpu.sync_copy(eidx_hbm.at[pl.ds(nbase, ngh_per_w)], eidx_v)
        pltpu.sync_copy(sidx_hbm.at[pl.ds(sbase, src_per_w)], sidx_v)

        def ngh_pair(j, c):
            o0 = j * (2 * _CHUNK)
            o1 = o0 + _CHUNK
            cp0 = pltpu.async_copy(
                comb_hbm.at[nidx_v.at[pl.ds(o0, _CHUNK)]], buf0, sem0)
            cp1 = pltpu.async_copy(
                comb_hbm.at[nidx_v.at[pl.ds(o1, _CHUNK)]], buf1, sem1)
            cp0.wait()
            pltpu.sync_copy(buf0, ngh_out.at[pl.ds(nbase + o0, _CHUNK)])
            cp1.wait()
            pltpu.sync_copy(buf1, ngh_out.at[pl.ds(nbase + o1, _CHUNK)])
            return c
        lax.fori_loop(0, n_ngh // 2, ngh_pair, 0, unroll=False)

        def ef_pair(j, c):
            o0 = j * (2 * _CHUNK)
            o1 = o0 + _CHUNK
            cp0 = pltpu.async_copy(
                ef_hbm.at[eidx_v.at[pl.ds(o0, _CHUNK)]], efb0, sem0)
            cp1 = pltpu.async_copy(
                ef_hbm.at[eidx_v.at[pl.ds(o1, _CHUNK)]], efb1, sem1)
            cp0.wait()
            pltpu.sync_copy(efb0, ef_out.at[pl.ds(nbase + o0, _CHUNK)])
            cp1.wait()
            pltpu.sync_copy(efb1, ef_out.at[pl.ds(nbase + o1, _CHUNK)])
            return c
        lax.fori_loop(0, n_ngh // 2, ef_pair, 0, unroll=False)

        def src_chunk(j, c):
            o0 = j * _CHUNK
            cp0 = pltpu.async_copy(
                comb_hbm.at[sidx_v.at[pl.ds(o0, _CHUNK)]], buf0, sem0)
            cp0.wait()
            pltpu.sync_copy(buf0, src_out.at[pl.ds(sbase + o0, _CHUNK)])
            return c
        lax.fori_loop(0, n_src, src_chunk, 0, unroll=False)

    return k(combined, edge_features, src_idx, ngh_idx, ef_idx)


def _attn_body(ts_ref, et_ref, eidx_ref, src_ref, ngh_ref, ef_ref,
               tw_ref, tb_ref, wq_ref, wkv_ref, fc1_ref, f1b_ref,
               fc2_ref, f2b_ref, o_ref):
    f32 = jnp.float32
    ngh_n, bb, d = ngh_ref.shape
    de = ef_ref.shape[2]
    dt = tw_ref.shape[1]
    dh = d // 2
    src = src_ref[...]
    tw = tw_ref[...]
    tb = tb_ref[...]
    qb = jnp.dot(jnp.cos(tb), wq_ref[d:, :], preferred_element_type=f32)
    q = jnp.dot(src, wq_ref[:d, :], preferred_element_type=f32) + qb
    delta = ts_ref[...] - et_ref[...]
    mask = jnp.where(eidx_ref[...] == 0, -1e10, 0.0).astype(f32)
    q0 = q[:, :dh]
    q1 = q[:, dh:]
    scale = f32(1.0) / jnp.sqrt(f32(dh))
    vs = []
    s0l = []
    s1l = []
    for n in range(ngh_n):
        ete = _fast_cos(delta[:, n:n + 1] * tw + tb)
        kv = (jnp.dot(ngh_ref[n], wkv_ref[:d, :], preferred_element_type=f32)
              + jnp.dot(ete, wkv_ref[d:d + dt, :], preferred_element_type=f32)
              + jnp.dot(ef_ref[n], wkv_ref[d + dt:, :],
                        preferred_element_type=f32))
        kk = kv[:, :d]
        vs.append(kv[:, d:])
        s0l.append(jnp.sum(q0 * kk[:, :dh], axis=1, keepdims=True))
        s1l.append(jnp.sum(q1 * kk[:, dh:], axis=1, keepdims=True))
    s0 = jnp.concatenate(s0l, axis=1) * scale + mask
    s1 = jnp.concatenate(s1l, axis=1) * scale + mask

    def _softmax(s):
        m = jnp.max(s, axis=1, keepdims=True)
        e = jnp.exp(s - m)
        return e / jnp.sum(e, axis=1, keepdims=True)

    a0 = _softmax(s0)
    a1 = _softmax(s1)
    acc = jnp.zeros((bb, d), dtype=f32)
    for n in range(ngh_n):
        acc = acc + jnp.concatenate(
            [a0[:, n:n + 1] * vs[n][:, :dh], a1[:, n:n + 1] * vs[n][:, dh:]],
            axis=1)
    h = (jnp.dot(acc, fc1_ref[:d, :], preferred_element_type=f32)
         + jnp.dot(src, fc1_ref[d:, :], preferred_element_type=f32)
         + f1b_ref[...])
    h = jnp.maximum(h, f32(0.0))
    o_ref[...] = jnp.dot(h, fc2_ref[...], preferred_element_type=f32) + f2b_ref[...]


def _attn_specs(b, ngh, d, de, dt):
    bb = _BB
    grid = (b // bb,)
    full = lambda i: (0, 0)
    in_specs = [
        pl.BlockSpec((bb, 1), lambda i: (i, 0)),
        pl.BlockSpec((bb, ngh), lambda i: (i, 0)),
        pl.BlockSpec((bb, ngh), lambda i: (i, 0)),
        pl.BlockSpec((bb, d), lambda i: (i, 0)),
        pl.BlockSpec((ngh, bb, d), lambda i: (0, i, 0)),
        pl.BlockSpec((ngh, bb, de), lambda i: (0, i, 0)),
        pl.BlockSpec((1, dt), full),
        pl.BlockSpec((1, dt), full),
        pl.BlockSpec((d + dt, d), full),
        pl.BlockSpec((d + dt + de, 2 * d), full),
        pl.BlockSpec((2 * d, d), full),
        pl.BlockSpec((1, d), full),
        pl.BlockSpec((d, d), full),
        pl.BlockSpec((1, d), full),
    ]
    out_spec = pl.BlockSpec((bb, d), lambda i: (i, 0))
    return grid, in_specs, out_spec


def kernel(node_features, edge_features, memory, source_nodes, timestamps,
           neighbors, edge_idxs, edge_times, time_w, time_b, Wq, Wk, Wv,
           fc1_w, fc1_b, fc2_w, fc2_b):
    n_nodes, d = node_features.shape
    n_edges, de = edge_features.shape
    b, ngh = neighbors.shape
    dt = time_w.shape[0]

    combined = pl.pallas_call(
        _add_body,
        out_shape=jax.ShapeDtypeStruct((n_nodes, d), jnp.float32),
    )(node_features, memory)

    src_idx = source_nodes.astype(jnp.int32)
    ngh_idx = neighbors.T.reshape(-1).astype(jnp.int32)
    ef_idx = edge_idxs.T.reshape(-1).astype(jnp.int32)
    src_rows, ngh_rows, ef_rows = _sc_gather(
        combined, edge_features, src_idx, ngh_idx, ef_idx)
    ngh3 = ngh_rows.reshape(ngh, b, d)
    ef3 = ef_rows.reshape(ngh, b, de)

    grid, in_specs, out_spec = _attn_specs(b, ngh, d, de, dt)
    wkv = jnp.concatenate([Wk, Wv], axis=1)
    out = pl.pallas_call(
        _attn_body,
        grid=grid,
        in_specs=in_specs,
        out_specs=out_spec,
        out_shape=jax.ShapeDtypeStruct((b, d), jnp.float32),
    )(timestamps[:, None], edge_times, edge_idxs, src_rows, ngh3, ef3,
      time_w[None, :], time_b[None, :], Wq, wkv, fc1_w, fc1_b[None, :],
      fc2_w, fc2_b[None, :])
    return out

# --- scband reference (transcript-rebuilt; emitter-appended) ---
"""Pipeline reference for scband-graph-embedding-25486335934962 (READ-ONLY COPY).

The authoritative reference and input builder live on the scoring server;
editing this copy changes nothing except your own understanding.
"""

import jax, jax.numpy as jnp
import numpy as np


def _time_encode(t, w, b):
    # TGN TimeEncode: cos(t * w + b), t scalar per position -> [..., d_time]
    return jnp.cos(t[..., None] * w + b)


def setup_inputs(seed: int = 0) -> dict:
    key = jax.random.key(seed)
    ks = jax.random.split(key, 20)
    N = 10000; E = 320000; B = 16384; NGH = 20
    D = 128; DE = 16; DT = 128; H = 2; DH = 64
    node_features = jax.random.normal(ks[0], (N, D), dtype=jnp.float32)
    edge_features = jax.random.normal(ks[1], (E, DE), dtype=jnp.float32)
    memory = jax.random.normal(ks[2], (N, D), dtype=jnp.float32)
    source_nodes = jax.random.randint(ks[3], (B,), 0, N)
    timestamps = jax.random.uniform(ks[4], (B,), dtype=jnp.float32)
    neighbors = jax.random.randint(ks[5], (B, NGH), 0, N)
    edge_idxs = jax.random.randint(ks[6], (B, NGH), 0, E)
    edge_times = jax.random.uniform(ks[7], (B, NGH), dtype=jnp.float32)
    # learned params
    time_w = jax.random.normal(ks[8], (DT,), dtype=jnp.float32)
    time_b = jax.random.normal(ks[9], (DT,), dtype=jnp.float32)
    Wq = jax.random.normal(ks[10], (D + DT, H * DH), dtype=jnp.float32) / np.sqrt(D + DT)
    Wk = jax.random.normal(ks[11], (D + DT + DE, H * DH), dtype=jnp.float32) / np.sqrt(D + DT + DE)
    Wv = jax.random.normal(ks[12], (D + DT + DE, H * DH), dtype=jnp.float32) / np.sqrt(D + DT + DE)
    fc1_w = jax.random.normal(ks[13], (H * DH + D, D), dtype=jnp.float32) / np.sqrt(H * DH + D)
    fc1_b = jnp.zeros((D,), dtype=jnp.float32)
    fc2_w = jax.random.normal(ks[14], (D, D), dtype=jnp.float32) / np.sqrt(D)
    fc2_b = jnp.zeros((D,), dtype=jnp.float32)
    return {
        'node_features': node_features, 'edge_features': edge_features, 'memory': memory,
        'source_nodes': source_nodes, 'timestamps': timestamps, 'neighbors': neighbors,
        'edge_idxs': edge_idxs, 'edge_times': edge_times,
        'time_w': time_w, 'time_b': time_b, 'Wq': Wq, 'Wk': Wk, 'Wv': Wv,
        'fc1_w': fc1_w, 'fc1_b': fc1_b, 'fc2_w': fc2_w, 'fc2_b': fc2_b,
    }


def reference(node_features, edge_features, memory, source_nodes, timestamps,
              neighbors, edge_idxs, edge_times, time_w, time_b, Wq, Wk, Wv,
              fc1_w, fc1_b, fc2_w, fc2_b):
    H = 2; DH = 64
    B = source_nodes.shape[0]
    # source node embedding (layer-0 path): features + memory
    src_time_emb = _time_encode(jnp.zeros_like(timestamps), time_w, time_b)  # [B, DT]
    src_feat = node_features[source_nodes] + memory[source_nodes]            # [B, D]
    # layer-0 recursion for neighbors: features + memory (gather)
    ngh_feat = node_features[neighbors] + memory[neighbors]                  # [B, NGH, D]
    # temporal edge embeddings
    edge_deltas = timestamps[:, None] - edge_times                           # [B, NGH]
    edge_time_emb = _time_encode(edge_deltas, time_w, time_b)                # [B, NGH, DT]
    edge_f = edge_features[edge_idxs]                                        # [B, NGH, DE]
    # mask out padding (edge_idx == 0)
    mask = jnp.where(edge_idxs == 0, -1e10, 0.0).astype(jnp.float32)         # [B, NGH]
    # temporal multi-head attention aggregate
    query = jnp.concatenate([src_feat, src_time_emb], axis=-1)               # [B, D+DT]
    key_ = jnp.concatenate([ngh_feat, edge_time_emb, edge_f], axis=-1)       # [B, NGH, D+DT+DE]
    q = (query @ Wq).reshape(B, H, DH)
    k = (key_ @ Wk).reshape(B, -1, H, DH)
    v = (key_ @ Wv).reshape(B, -1, H, DH)
    scores = jnp.einsum('bhd,bnhd->bhn', q, k) / jnp.sqrt(jnp.float32(DH))
    scores = scores + mask[:, None, :]
    attn = jax.nn.softmax(scores, axis=-1)                                   # [B, H, NGH]
    attn_out = jnp.einsum('bhn,bnhd->bhd', attn, v).reshape(B, H * DH)
    # merger MLP (skip connection on source features)
    h = jnp.concatenate([attn_out, src_feat], axis=-1) @ fc1_w + fc1_b
    h = jax.nn.relu(h)
    emb = h @ fc2_w + fc2_b                                                  # [B, D]
    return emb

if __name__ == "__main__":
    import jax
    _d = setup_inputs()
    print(jax.jit(kernel)(*tuple(_d.values())))

</pallas_src>

<mosaic_0001>
#map = affine_map<(d0, d1) -> (0, 0)>
#map1 = affine_map<(d0, d1) -> (0)>
module attributes {stable_mosaic.version = 14 : i64} {
  func.func @k(%arg0: i32, %arg1: i32, %arg2: memref<10000x128xf32, #tpu.memory_space<hbm>>, %arg3: memref<320000x16xf32, #tpu.memory_space<hbm>>, %arg4: memref<16384xi32, #tpu.memory_space<hbm>>, %arg5: memref<327680xi32, #tpu.memory_space<hbm>>, %arg6: memref<327680xi32, #tpu.memory_space<hbm>>, %arg7: memref<16384x128xf32, #tpu.memory_space<hbm>>, %arg8: memref<327680x128xf32, #tpu.memory_space<hbm>>, %arg9: memref<327680x16xf32, #tpu.memory_space<hbm>>, %arg10: memref<10240xi32, #tpu.memory_space<vmem>>, %arg11: memref<10240xi32, #tpu.memory_space<vmem>>, %arg12: memref<512xi32, #tpu.memory_space<vmem>>, %arg13: memref<128x128xf32, #tpu.memory_space<vmem>>, %arg14: memref<128x128xf32, #tpu.memory_space<vmem>>, %arg15: memref<128x16xf32, #tpu.memory_space<vmem>>, %arg16: memref<128x16xf32, #tpu.memory_space<vmem>>, %arg17: memref<!tpu.dma_semaphore, #tpu.memory_space<semaphore_mem>>, %arg18: memref<!tpu.dma_semaphore, #tpu.memory_space<semaphore_mem>>) attributes {dimension_semantics = [#tpu.dimension_semantics<core_parallel>, #tpu.dimension_semantics<subcore_parallel>], iteration_bounds = array<i64: 2, 16>, scalar_prefetch = 0 : i64, scratch_operands = 9 : i64, tpu.core_type = #tpu.core_type<sc_vector_subcore>, window_params = [{transform_indices = #map}, {transform_indices = #map}, {transform_indices = #map1}, {transform_indices = #map1}, {transform_indices = #map1}, {transform_indices = #map}, {transform_indices = #map}, {transform_indices = #map}]} {
    %mul3A = arith.constant 2 : i32
    %mul3A_0 = arith.muli %arg1, %mul3A : i32
    %add3A = arith.addi %mul3A_0, %arg0 : i32
    %mul3A_1 = arith.constant 10240 : i32
    %mul3A_2 = arith.muli %add3A, %mul3A_1 : i32
    %mul3A_3 = arith.constant 512 : i32
    %mul3A_4 = arith.muli %add3A, %mul3A_3 : i32
    "tpu.region"() ({
      %run_scoped3A = tpu.sem_alloc : memref<!tpu.dma_semaphore, #tpu.memory_space<semaphore_mem>>
      %dma_start3A = tpu.memref_slice %arg5[%mul3A_2] : memref<327680xi32, #tpu.memory_space<hbm>> -> memref<10240xi32, #tpu.memory_space<hbm>>
      %dma_start3A_22 = tpu.memref_slice %arg5[%mul3A_2] : memref<327680xi32, #tpu.memory_space<hbm>> -> memref<10240xi32, #tpu.memory_space<hbm>>
      tpu.enqueue_dma source(%dma_start3A_22 : memref<10240xi32, #tpu.memory_space<hbm>>) target(%arg10 : memref<10240xi32, #tpu.memory_space<vmem>>) target_semaphore(%run_scoped3A : memref<!tpu.dma_semaphore, #tpu.memory_space<semaphore_mem>>)
      %dma_wait3A = tpu.memref_slice %arg5[%mul3A_2] : memref<327680xi32, #tpu.memory_space<hbm>> -> memref<10240xi32, #tpu.memory_space<hbm>>
      %dma_wait3A_23 = tpu.memref_slice %arg5[%mul3A_2] : memref<327680xi32, #tpu.memory_space<hbm>> -> memref<10240xi32, #tpu.memory_space<hbm>>
      tpu.wait_dma2 semaphore(%run_scoped3A : memref<!tpu.dma_semaphore, #tpu.memory_space<semaphore_mem>>) src(%dma_wait3A_23 : memref<10240xi32, #tpu.memory_space<hbm>>) dst(%arg10 : memref<10240xi32, #tpu.memory_space<vmem>>)
      tpu.yield
    }) : () -> ()
    "tpu.region"() ({
      %run_scoped3A = tpu.sem_alloc : memref<!tpu.dma_semaphore, #tpu.memory_space<semaphore_mem>>
      %dma_start3A = tpu.memref_slice %arg6[%mul3A_2] : memref<327680xi32, #tpu.memory_space<hbm>> -> memref<10240xi32, #tpu.memory_space<hbm>>
      %dma_start3A_22 = tpu.memref_slice %arg6[%mul3A_2] : memref<327680xi32, #tpu.memory_space<hbm>> -> memref<10240xi32, #tpu.memory_space<hbm>>
      tpu.enqueue_dma source(%dma_start3A_22 : memref<10240xi32, #tpu.memory_space<hbm>>) target(%arg11 : memref<10240xi32, #tpu.memory_space<vmem>>) target_semaphore(%run_scoped3A : memref<!tpu.dma_semaphore, #tpu.memory_space<semaphore_mem>>)
      %dma_wait3A = tpu.memref_slice %arg6[%mul3A_2] : memref<327680xi32, #tpu.memory_space<hbm>> -> memref<10240xi32, #tpu.memory_space<hbm>>
      %dma_wait3A_23 = tpu.memref_slice %arg6[%mul3A_2] : memref<327680xi32, #tpu.memory_space<hbm>> -> memref<10240xi32, #tpu.memory_space<hbm>>
      tpu.wait_dma2 semaphore(%run_scoped3A : memref<!tpu.dma_semaphore, #tpu.memory_space<semaphore_mem>>) src(%dma_wait3A_23 : memref<10240xi32, #tpu.memory_space<hbm>>) dst(%arg11 : memref<10240xi32, #tpu.memory_space<vmem>>)
      tpu.yield
    }) : () -> ()
    "tpu.region"() ({
      %run_scoped3A = tpu.sem_alloc : memref<!tpu.dma_semaphore, #tpu.memory_space<semaphore_mem>>
      %dma_start3A = tpu.memref_slice %arg4[%mul3A_4] : memref<16384xi32, #tpu.memory_space<hbm>> -> memref<512xi32, #tpu.memory_space<hbm>>
      %dma_start3A_22 = tpu.memref_slice %arg4[%mul3A_4] : memref<16384xi32, #tpu.memory_space<hbm>> -> memref<512xi32, #tpu.memory_space<hbm>>
      tpu.enqueue_dma source(%dma_start3A_22 : memref<512xi32, #tpu.memory_space<hbm>>) target(%arg12 : memref<512xi32, #tpu.memory_space<vmem>>) target_semaphore(%run_scoped3A : memref<!tpu.dma_semaphore, #tpu.memory_space<semaphore_mem>>)
      %dma_wait3A = tpu.memref_slice %arg4[%mul3A_4] : memref<16384xi32, #tpu.memory_space<hbm>> -> memref<512xi32, #tpu.memory_space<hbm>>
      %dma_wait3A_23 = tpu.memref_slice %arg4[%mul3A_4] : memref<16384xi32, #tpu.memory_space<hbm>> -> memref<512xi32, #tpu.memory_space<hbm>>
      tpu.wait_dma2 semaphore(%run_scoped3A : memref<!tpu.dma_semaphore, #tpu.memory_space<semaphore_mem>>) src(%dma_wait3A_23 : memref<512xi32, #tpu.memory_space<hbm>>) dst(%arg12 : memref<512xi32, #tpu.memory_space<vmem>>)
      tpu.yield
    }) : () -> ()
    %scan3A = arith.constant 0 : i32
    %scan3A_5 = arith.constant 0 : i32
    %scan3A_6 = arith.constant 40 : i32
    %scan3A_7 = arith.addi %scan3A_5, %scan3A_6 : i32
    %scan3A_8 = arith.constant 1 : i32
    scf.for %scan3A_22 = %scan3A_5 to %scan3A_7 step %scan3A_8  : i32 {
      %mul3A_23 = arith.constant 256 : i32
      %mul3A_24 = arith.muli %scan3A_22, %mul3A_23 : i32
      %add3A_25 = arith.constant 128 : i32
      %add3A_26 = arith.addi %mul3A_24, %add3A_25 : i32
      %dma_start3A = tpu.memref_slice %arg10[%mul3A_24] : memref<10240xi32, #tpu.memory_space<vmem>> -> memref<128xi32, #tpu.memory_space<vmem>>
      %dma_start3A_27 = arith.constant 0 : i32
      %dma_start3A_28 = arith.constant 0 : i32
      %dma_start3A_29 = tpu.memref_slice %arg2[%dma_start3A_27, %dma_start3A_28] : memref<10000x128xf32, #tpu.memory_space<hbm>> -> memref<10000x128xf32, #tpu.memory_space<hbm>>
      tpu.enqueue_indirect_dma source(%dma_start3A_29 : memref<10000x128xf32, #tpu.memory_space<hbm>>) target(%arg13 : memref<128x128xf32, #tpu.memory_space<vmem>>) offsets(%dma_start3A : memref<128xi32, #tpu.memory_space<vmem>>) semaphore(%arg17 : memref<!tpu.dma_semaphore, #tpu.memory_space<semaphore_mem>>)
      %dma_start3A_30 = tpu.memref_slice %arg10[%add3A_26] : memref<10240xi32, #tpu.memory_space<vmem>> -> memref<128xi32, #tpu.memory_space<vmem>>
      %dma_start3A_31 = arith.constant 0 : i32
      %dma_start3A_32 = arith.constant 0 : i32
      %dma_start3A_33 = tpu.memref_slice %arg2[%dma_start3A_31, %dma_start3A_32] : memref<10000x128xf32, #tpu.memory_space<hbm>> -> memref<10000x128xf32, #tpu.memory_space<hbm>>
      tpu.enqueue_indirect_dma source(%dma_start3A_33 : memref<10000x128xf32, #tpu.memory_space<hbm>>) target(%arg14 : memref<128x128xf32, #tpu.memory_space<vmem>>) offsets(%dma_start3A_30 : memref<128xi32, #tpu.memory_space<vmem>>) semaphore(%arg18 : memref<!tpu.dma_semaphore, #tpu.memory_space<semaphore_mem>>)
      %dma_wait3A = tpu.memref_slice %arg10[%mul3A_24] : memref<10240xi32, #tpu.memory_space<vmem>> -> memref<128xi32, #tpu.memory_space<vmem>>
      %dma_wait3A_34 = arith.constant 0 : i32
      %dma_wait3A_35 = arith.constant 0 : i32
      %dma_wait3A_36 = tpu.memref_slice %arg2[%dma_wait3A_34, %dma_wait3A_35] : memref<10000x128xf32, #tpu.memory_space<hbm>> -> memref<10000x128xf32, #tpu.memory_space<hbm>>
      tpu.wait_indirect_dma semaphore(%arg17 : memref<!tpu.dma_semaphore, #tpu.memory_space<semaphore_mem>>) src(%dma_wait3A_36 : memref<10000x128xf32, #tpu.memory_space<hbm>>) dst(%arg13 : memref<128x128xf32, #tpu.memory_space<vmem>>)
      %add3A_37 = arith.addi %mul3A_2, %mul3A_24 : i32
      "tpu.region"() ({
        %run_scoped3A = tpu.sem_alloc : memref<!tpu.dma_semaphore, #tpu.memory_space<semaphore_mem>>
        %dma_start3A_43 = arith.constant 0 : i32
        %dma_start3A_44 = tpu.memref_slice %arg8[%add3A_37, %dma_start3A_43] : memref<327680x128xf32, #tpu.memory_space<hbm>> -> memref<128x128xf32, #tpu.memory_space<hbm>>
        %dma_start3A_45 = arith.constant 0 : i32
        %dma_start3A_46 = tpu.memref_slice %arg8[%add3A_37, %dma_start3A_45] : memref<327680x128xf32, #tpu.memory_space<hbm>> -> memref<128x128xf32, #tpu.memory_space<hbm>>
        tpu.enqueue_dma source(%arg13 : memref<128x128xf32, #tpu.memory_space<vmem>>) target(%dma_start3A_46 : memref<128x128xf32, #tpu.memory_space<hbm>>) target_semaphore(%run_scoped3A : memref<!tpu.dma_semaphore, #tpu.memory_space<semaphore_mem>>)
        %dma_wait3A_47 = arith.constant 0 : i32
        %dma_wait3A_48 = tpu.memref_slice %arg8[%add3A_37, %dma_wait3A_47] : memref<327680x128xf32, #tpu.memory_space<hbm>> -> memref<128x128xf32, #tpu.memory_space<hbm>>
        %dma_wait3A_49 = arith.constant 0 : i32
        %dma_wait3A_50 = tpu.memref_slice %arg8[%add3A_37, %dma_wait3A_49] : memref<327680x128xf32, #tpu.memory_space<hbm>> -> memref<128x128xf32, #tpu.memory_space<hbm>>
        tpu.wait_dma2 semaphore(%run_scoped3A : memref<!tpu.dma_semaphore, #tpu.memory_space<semaphore_mem>>) src(%arg13 : memref<128x128xf32, #tpu.memory_space<vmem>>) dst(%dma_wait3A_50 : memref<128x128xf32, #tpu.memory_space<hbm>>)
        tpu.yield
      }) : () -> ()
      %dma_wait3A_38 = tpu.memref_slice %arg10[%add3A_26] : memref<10240xi32, #tpu.memory_space<vmem>> -> memref<128xi32, #tpu.memory_space<vmem>>
      %dma_wait3A_39 = arith.constant 0 : i32
      %dma_wait3A_40 = arith.constant 0 : i32
      %dma_wait3A_41 = tpu.memref_slice %arg2[%dma_wait3A_39, %dma_wait3A_40] : memref<10000x128xf32, #tpu.memory_space<hbm>> -> memref<10000x128xf32, #tpu.memory_space<hbm>>
      tpu.wait_indirect_dma semaphore(%arg18 : memref<!tpu.dma_semaphore, #tpu.memory_space<semaphore_mem>>) src(%dma_wait3A_41 : memref<10000x128xf32, #tpu.memory_space<hbm>>) dst(%arg14 : memref<128x128xf32, #tpu.memory_space<vmem>>)
      %add3A_42 = arith.addi %mul3A_2, %add3A_26 : i32
      "tpu.region"() ({
        %run_scoped3A = tpu.sem_alloc : memref<!tpu.dma_semaphore, #tpu.memory_space<semaphore_mem>>
        %dma_start3A_43 = arith.constant 0 : i32
        %dma_start3A_44 = tpu.memref_slice %arg8[%add3A_42, %dma_start3A_43] : memref<327680x128xf32, #tpu.memory_space<hbm>> -> memref<128x128xf32, #tpu.memory_space<hbm>>
        %dma_start3A_45 = arith.constant 0 : i32
        %dma_start3A_46 = tpu.memref_slice %arg8[%add3A_42, %dma_start3A_45] : memref<327680x128xf32, #tpu.memory_space<hbm>> -> memref<128x128xf32, #tpu.memory_space<hbm>>
        tpu.enqueue_dma source(%arg14 : memref<128x128xf32, #tpu.memory_space<vmem>>) target(%dma_start3A_46 : memref<128x128xf32, #tpu.memory_space<hbm>>) target_semaphore(%run_scoped3A : memref<!tpu.dma_semaphore, #tpu.memory_space<semaphore_mem>>)
        %dma_wait3A_47 = arith.constant 0 : i32
        %dma_wait3A_48 = tpu.memref_slice %arg8[%add3A_42, %dma_wait3A_47] : memref<327680x128xf32, #tpu.memory_space<hbm>> -> memref<128x128xf32, #tpu.memory_space<hbm>>
        %dma_wait3A_49 = arith.constant 0 : i32
        %dma_wait3A_50 = tpu.memref_slice %arg8[%add3A_42, %dma_wait3A_49] : memref<327680x128xf32, #tpu.memory_space<hbm>> -> memref<128x128xf32, #tpu.memory_space<hbm>>
        tpu.wait_dma2 semaphore(%run_scoped3A : memref<!tpu.dma_semaphore, #tpu.memory_space<semaphore_mem>>) src(%arg14 : memref<128x128xf32, #tpu.memory_space<vmem>>) dst(%dma_wait3A_50 : memref<128x128xf32, #tpu.memory_space<hbm>>)
        tpu.yield
      }) : () -> ()
    }
    %scan3A_9 = arith.constant 40 : i32
    %scan3A_10 = arith.constant 0 : i32
    %scan3A_11 = arith.constant 0 : i32
    %scan3A_12 = arith.constant 40 : i32
    %scan3A_13 = arith.addi %scan3A_11, %scan3A_12 : i32
    %scan3A_14 = arith.constant 1 : i32
    scf.for %scan3A_22 = %scan3A_11 to %scan3A_13 step %scan3A_14  : i32 {
      %mul3A_23 = arith.constant 256 : i32
      %mul3A_24 = arith.muli %scan3A_22, %mul3A_23 : i32
      %add3A_25 = arith.constant 128 : i32
      %add3A_26 = arith.addi %mul3A_24, %add3A_25 : i32
      %dma_start3A = tpu.memref_slice %arg11[%mul3A_24] : memref<10240xi32, #tpu.memory_space<vmem>> -> memref<128xi32, #tpu.memory_space<vmem>>
      %dma_start3A_27 = arith.constant 0 : i32
      %dma_start3A_28 = arith.constant 0 : i32
      %dma_start3A_29 = tpu.memref_slice %arg3[%dma_start3A_27, %dma_start3A_28] : memref<320000x16xf32, #tpu.memory_space<hbm>> -> memref<320000x16xf32, #tpu.memory_space<hbm>>
      tpu.enqueue_indirect_dma source(%dma_start3A_29 : memref<320000x16xf32, #tpu.memory_space<hbm>>) target(%arg15 : memref<128x16xf32, #tpu.memory_space<vmem>>) offsets(%dma_start3A : memref<128xi32, #tpu.memory_space<vmem>>) semaphore(%arg17 : memref<!tpu.dma_semaphore, #tpu.memory_space<semaphore_mem>>)
      %dma_start3A_30 = tpu.memref_slice %arg11[%add3A_26] : memref<10240xi32, #tpu.memory_space<vmem>> -> memref<128xi32, #tpu.memory_space<vmem>>
      %dma_start3A_31 = arith.constant 0 : i32
      %dma_start3A_32 = arith.constant 0 : i32
      %dma_start3A_33 = tpu.memref_slice %arg3[%dma_start3A_31, %dma_start3A_32] : memref<320000x16xf32, #tpu.memory_space<hbm>> -> memref<320000x16xf32, #tpu.memory_space<hbm>>
      tpu.enqueue_indirect_dma source(%dma_start3A_33 : memref<320000x16xf32, #tpu.memory_space<hbm>>) target(%arg16 : memref<128x16xf32, #tpu.memory_space<vmem>>) offsets(%dma_start3A_30 : memref<128xi32, #tpu.memory_space<vmem>>) semaphore(%arg18 : memref<!tpu.dma_semaphore, #tpu.memory_space<semaphore_mem>>)
      %dma_wait3A = tpu.memref_slice %arg11[%mul3A_24] : memref<10240xi32, #tpu.memory_space<vmem>> -> memref<128xi32, #tpu.memory_space<vmem>>
      %dma_wait3A_34 = arith.constant 0 : i32
      %dma_wait3A_35 = arith.constant 0 : i32
      %dma_wait3A_36 = tpu.memref_slice %arg3[%dma_wait3A_34, %dma_wait3A_35] : memref<320000x16xf32, #tpu.memory_space<hbm>> -> memref<320000x16xf32, #tpu.memory_space<hbm>>
      tpu.wait_indirect_dma semaphore(%arg17 : memref<!tpu.dma_semaphore, #tpu.memory_space<semaphore_mem>>) src(%dma_wait3A_36 : memref<320000x16xf32, #tpu.memory_space<hbm>>) dst(%arg15 : memref<128x16xf32, #tpu.memory_space<vmem>>)
      %add3A_37 = arith.addi %mul3A_2, %mul3A_24 : i32
      "tpu.region"() ({
        %run_scoped3A = tpu.sem_alloc : memref<!tpu.dma_semaphore, #tpu.memory_space<semaphore_mem>>
        %dma_start3A_43 = arith.constant 0 : i32
        %dma_start3A_44 = tpu.memref_slice %arg9[%add3A_37, %dma_start3A_43] : memref<327680x16xf32, #tpu.memory_space<hbm>> -> memref<128x16xf32, #tpu.memory_space<hbm>>
        %dma_start3A_45 = arith.constant 0 : i32
        %dma_start3A_46 = tpu.memref_slice %arg9[%add3A_37, %dma_start3A_45] : memref<327680x16xf32, #tpu.memory_space<hbm>> -> memref<128x16xf32, #tpu.memory_space<hbm>>
        tpu.enqueue_dma source(%arg15 : memref<128x16xf32, #tpu.memory_space<vmem>>) target(%dma_start3A_46 : memref<128x16xf32, #tpu.memory_space<hbm>>) target_semaphore(%run_scoped3A : memref<!tpu.dma_semaphore, #tpu.memory_space<semaphore_mem>>)
        %dma_wait3A_47 = arith.constant 0 : i32
        %dma_wait3A_48 = tpu.memref_slice %arg9[%add3A_37, %dma_wait3A_47] : memref<327680x16xf32, #tpu.memory_space<hbm>> -> memref<128x16xf32, #tpu.memory_space<hbm>>
        %dma_wait3A_49 = arith.constant 0 : i32
        %dma_wait3A_50 = tpu.memref_slice %arg9[%add3A_37, %dma_wait3A_49] : memref<327680x16xf32, #tpu.memory_space<hbm>> -> memref<128x16xf32, #tpu.memory_space<hbm>>
        tpu.wait_dma2 semaphore(%run_scoped3A : memref<!tpu.dma_semaphore, #tpu.memory_space<semaphore_mem>>) src(%arg15 : memref<128x16xf32, #tpu.memory_space<vmem>>) dst(%dma_wait3A_50 : memref<128x16xf32, #tpu.memory_space<hbm>>)
        tpu.yield
      }) : () -> ()
      %dma_wait3A_38 = tpu.memref_slice %arg11[%add3A_26] : memref<10240xi32, #tpu.memory_space<vmem>> -> memref<128xi32, #tpu.memory_space<vmem>>
      %dma_wait3A_39 = arith.constant 0 : i32
      %dma_wait3A_40 = arith.constant 0 : i32
      %dma_wait3A_41 = tpu.memref_slice %arg3[%dma_wait3A_39, %dma_wait3A_40] : memref<320000x16xf32, #tpu.memory_space<hbm>> -> memref<320000x16xf32, #tpu.memory_space<hbm>>
      tpu.wait_indirect_dma semaphore(%arg18 : memref<!tpu.dma_semaphore, #tpu.memory_space<semaphore_mem>>) src(%dma_wait3A_41 : memref<320000x16xf32, #tpu.memory_space<hbm>>) dst(%arg16 : memref<128x16xf32, #tpu.memory_space<vmem>>)
      %add3A_42 = arith.addi %mul3A_2, %add3A_26 : i32
      "tpu.region"() ({
        %run_scoped3A = tpu.sem_alloc : memref<!tpu.dma_semaphore, #tpu.memory_space<semaphore_mem>>
        %dma_start3A_43 = arith.constant 0 : i32
        %dma_start3A_44 = tpu.memref_slice %arg9[%add3A_42, %dma_start3A_43] : memref<327680x16xf32, #tpu.memory_space<hbm>> -> memref<128x16xf32, #tpu.memory_space<hbm>>
        %dma_start3A_45 = arith.constant 0 : i32
        %dma_start3A_46 = tpu.memref_slice %arg9[%add3A_42, %dma_start3A_45] : memref<327680x16xf32, #tpu.memory_space<hbm>> -> memref<128x16xf32, #tpu.memory_space<hbm>>
        tpu.enqueue_dma source(%arg16 : memref<128x16xf32, #tpu.memory_space<vmem>>) target(%dma_start3A_46 : memref<128x16xf32, #tpu.memory_space<hbm>>) target_semaphore(%run_scoped3A : memref<!tpu.dma_semaphore, #tpu.memory_space<semaphore_mem>>)
        %dma_wait3A_47 = arith.constant 0 : i32
        %dma_wait3A_48 = tpu.memref_slice %arg9[%add3A_42, %dma_wait3A_47] : memref<327680x16xf32, #tpu.memory_space<hbm>> -> memref<128x16xf32, #tpu.memory_space<hbm>>
        %dma_wait3A_49 = arith.constant 0 : i32
        %dma_wait3A_50 = tpu.memref_slice %arg9[%add3A_42, %dma_wait3A_49] : memref<327680x16xf32, #tpu.memory_space<hbm>> -> memref<128x16xf32, #tpu.memory_space<hbm>>
        tpu.wait_dma2 semaphore(%run_scoped3A : memref<!tpu.dma_semaphore, #tpu.memory_space<semaphore_mem>>) src(%arg16 : memref<128x16xf32, #tpu.memory_space<vmem>>) dst(%dma_wait3A_50 : memref<128x16xf32, #tpu.memory_space<hbm>>)
        tpu.yield
      }) : () -> ()
    }
    %scan3A_15 = arith.constant 40 : i32
    %scan3A_16 = arith.constant 0 : i32
    %scan3A_17 = arith.constant 0 : i32
    %scan3A_18 = arith.constant 4 : i32
    %scan3A_19 = arith.addi %scan3A_17, %scan3A_18 : i32
    %scan3A_20 = arith.constant 1 : i32
    scf.for %scan3A_22 = %scan3A_17 to %scan3A_19 step %scan3A_20  : i32 {
      %mul3A_23 = arith.constant 128 : i32
      %mul3A_24 = arith.muli %scan3A_22, %mul3A_23 : i32
      %dma_start3A = tpu.memref_slice %arg12[%mul3A_24] : memref<512xi32, #tpu.memory_space<vmem>> -> memref<128xi32, #tpu.memory_space<vmem>>
      %dma_start3A_25 = arith.constant 0 : i32
      %dma_start3A_26 = arith.constant 0 : i32
      %dma_start3A_27 = tpu.memref_slice %arg2[%dma_start3A_25, %dma_start3A_26] : memref<10000x128xf32, #tpu.memory_space<hbm>> -> memref<10000x128xf32, #tpu.memory_space<hbm>>
      tpu.enqueue_indirect_dma source(%dma_start3A_27 : memref<10000x128xf32, #tpu.memory_space<hbm>>) target(%arg13 : memref<128x128xf32, #tpu.memory_space<vmem>>) offsets(%dma_start3A : memref<128xi32, #tpu.memory_space<vmem>>) semaphore(%arg17 : memref<!tpu.dma_semaphore, #tpu.memory_space<semaphore_mem>>)
      %dma_wait3A = tpu.memref_slice %arg12[%mul3A_24] : memref<512xi32, #tpu.memory_space<vmem>> -> memref<128xi32, #tpu.memory_space<vmem>>
      %dma_wait3A_28 = arith.constant 0 : i32
      %dma_wait3A_29 = arith.constant 0 : i32
      %dma_wait3A_30 = tpu.memref_slice %arg2[%dma_wait3A_28, %dma_wait3A_29] : memref<10000x128xf32, #tpu.memory_space<hbm>> -> memref<10000x128xf32, #tpu.memory_space<hbm>>
      tpu.wait_indirect_dma semaphore(%arg17 : memref<!tpu.dma_semaphore, #tpu.memory_space<semaphore_mem>>) src(%dma_wait3A_30 : memref<10000x128xf32, #tpu.memory_space<hbm>>) dst(%arg13 : memref<128x128xf32, #tpu.memory_space<vmem>>)
      %add3A_31 = arith.addi %mul3A_4, %mul3A_24 : i32
      "tpu.region"() ({
        %run_scoped3A = tpu.sem_alloc : memref<!tpu.dma_semaphore, #tpu.memory_space<semaphore_mem>>
        %dma_start3A_32 = arith.constant 0 : i32
        %dma_start3A_33 = tpu.memref_slice %arg7[%add3A_31, %dma_start3A_32] : memref<16384x128xf32, #tpu.memory_space<hbm>> -> memref<128x128xf32, #tpu.memory_space<hbm>>
        %dma_start3A_34 = arith.constant 0 : i32
        %dma_start3A_35 = tpu.memref_slice %arg7[%add3A_31, %dma_start3A_34] : memref<16384x128xf32, #tpu.memory_space<hbm>> -> memref<128x128xf32, #tpu.memory_space<hbm>>
        tpu.enqueue_dma source(%arg13 : memref<128x128xf32, #tpu.memory_space<vmem>>) target(%dma_start3A_35 : memref<128x128xf32, #tpu.memory_space<hbm>>) target_semaphore(%run_scoped3A : memref<!tpu.dma_semaphore, #tpu.memory_space<semaphore_mem>>)
        %dma_wait3A_36 = arith.constant 0 : i32
        %dma_wait3A_37 = tpu.memref_slice %arg7[%add3A_31, %dma_wait3A_36] : memref<16384x128xf32, #tpu.memory_space<hbm>> -> memref<128x128xf32, #tpu.memory_space<hbm>>
        %dma_wait3A_38 = arith.constant 0 : i32
        %dma_wait3A_39 = tpu.memref_slice %arg7[%add3A_31, %dma_wait3A_38] : memref<16384x128xf32, #tpu.memory_space<hbm>> -> memref<128x128xf32, #tpu.memory_space<hbm>>
        tpu.wait_dma2 semaphore(%run_scoped3A : memref<!tpu.dma_semaphore, #tpu.memory_space<semaphore_mem>>) src(%arg13 : memref<128x128xf32, #tpu.memory_space<vmem>>) dst(%dma_wait3A_39 : memref<128x128xf32, #tpu.memory_space<hbm>>)
        tpu.yield
      }) : () -> ()
    }
    %scan3A_21 = arith.constant 4 : i32
    return
  }
}

module attributes {stable_mosaic.version = 14 : i64} {
  func.func @_add_body(%arg0: memref<10000x128xf32, #tpu.memory_space<vmem>>, %arg1: memref<10000x128xf32, #tpu.memory_space<vmem>>, %arg2: memref<10000x128xf32, #tpu.memory_space<vmem>>) attributes {dimension_semantics = [], scalar_prefetch = 0 : i64, scratch_operands = 0 : i64, tpu.core_type = #tpu.core_type<tc>} {
    %get3A = arith.constant 0 : index
    %get3A_0 = arith.constant 0 : index
    %get3A_1 = vector.load %arg0[%get3A, %get3A_0] : memref<10000x128xf32, #tpu.memory_space<vmem>>, vector<10000x128xf32>
    %get3A_2 = arith.constant 0 : index
    %get3A_3 = arith.constant 0 : index
    %get3A_4 = vector.load %arg1[%get3A_2, %get3A_3] : memref<10000x128xf32, #tpu.memory_space<vmem>>, vector<10000x128xf32>
    %add3A = arith.addf %get3A_1, %get3A_4 : vector<10000x128xf32>
    %swap3A = arith.constant 0 : index
    %swap3A_5 = arith.constant 0 : index
    %swap3A_6 = vector.load %arg2[%swap3A, %swap3A_5] : memref<10000x128xf32, #tpu.memory_space<vmem>>, vector<10000x128xf32>
    tpu.vector_store %arg2[%swap3A, %swap3A_5], %add3A {strides = array<i32>} : memref<10000x128xf32, #tpu.memory_space<vmem>>, vector<10000x128xf32>,
    return
  }
}

module attributes {stable_mosaic.version = 14 : i64} {
  func.func @_attn_body(%arg0: i32, %arg1: memref<256x1xf32, #tpu.memory_space<vmem>>, %arg2: memref<256x20xf32, #tpu.memory_space<vmem>>, %arg3: memref<256x20xi32, #tpu.memory_space<vmem>>, %arg4: memref<256x128xf32, #tpu.memory_space<vmem>>, %arg5: memref<20x256x128xf32, #tpu.memory_space<vmem>>, %arg6: memref<20x256x16xf32, #tpu.memory_space<vmem>>, %arg7: memref<1x128xf32, #tpu.memory_space<vmem>>, %arg8: memref<1x128xf32, #tpu.memory_space<vmem>>, %arg9: memref<256x128xf32, #tpu.memory_space<vmem>>, %arg10: memref<272x256xf32, #tpu.memory_space<vmem>>, %arg11: memref<256x128xf32, #tpu.memory_space<vmem>>, %arg12: memref<1x128xf32, #tpu.memory_space<vmem>>, %arg13: memref<128x128xf32, #tpu.memory_space<vmem>>, %arg14: memref<1x128xf32, #tpu.memory_space<vmem>>, %arg15: memref<256x128xf32, #tpu.memory_space<vmem>>) attributes {dimension_semantics = [#tpu.dimension_semantics<arbitrary>], iteration_bounds = array<i64: 64>, scalar_prefetch = 0 : i64, scratch_operands = 0 : i64, tpu.core_type = #tpu.core_type<tc>, window_params = [{transform_indices = @transform_0, window_bounds = array<i64: 256, 1>}, {transform_indices = @transform_1, window_bounds = array<i64: 256, 20>}, {transform_indices = @transform_2, window_bounds = array<i64: 256, 20>}, {transform_indices = @transform_3, window_bounds = array<i64: 256, 128>}, {transform_indices = @transform_4, window_bounds = array<i64: 20, 256, 128>}, {transform_indices = @transform_5, window_bounds = array<i64: 20, 256, 16>}, {pipeline_mode = #tpu.pipeline_mode<synchronous>, transform_indices = @transform_6, window_bounds = array<i64: 1, 128>}, {pipeline_mode = #tpu.pipeline_mode<synchronous>, transform_indices = @transform_7, window_bounds = array<i64: 1, 128>}, {pipeline_mode = #tpu.pipeline_mode<synchronous>, transform_indices = @transform_8, window_bounds = array<i64: 256, 128>}, {pipeline_mode = #tpu.pipeline_mode<synchronous>, transform_indices = @transform_9, window_bounds = array<i64: 272, 256>}, {pipeline_mode = #tpu.pipeline_mode<synchronous>, transform_indices = @transform_10, window_bounds = array<i64: 256, 128>}, {pipeline_mode = #tpu.pipeline_mode<synchronous>, transform_indices = @transform_11, window_bounds = array<i64: 1, 128>}, {pipeline_mode = #tpu.pipeline_mode<synchronous>, transform_indices = @transform_12, window_bounds = array<i64: 128, 128>}, {pipeline_mode = #tpu.pipeline_mode<synchronous>, transform_indices = @transform_13, window_bounds = array<i64: 1, 128>}, {transform_indices = @transform_14, window_bounds = array<i64: 256, 128>}]} {
    %get3A = arith.constant 0 : index
    %get3A_0 = arith.constant 0 : index
    %get3A_1 = vector.load %arg4[%get3A, %get3A_0] : memref<256x128xf32, #tpu.memory_space<vmem>>, vector<256x128xf32>
    %get3A_2 = arith.constant 0 : index
    %get3A_3 = arith.constant 0 : index
    %get3A_4 = vector.load %arg7[%get3A_2, %get3A_3] : memref<1x128xf32, #tpu.memory_space<vmem>>, vector<1x128xf32>
    %get3A_5 = arith.constant 0 : index
    %get3A_6 = arith.constant 0 : index
    %get3A_7 = vector.load %arg8[%get3A_5, %get3A_6] : memref<1x128xf32, #tpu.memory_space<vmem>>, vector<1x128xf32>
    %cos3A = math.cos %get3A_7 : vector<1x128xf32>
    %get3A_8 = arith.constant 128 : index
    %get3A_9 = arith.constant 0 : index
    %get3A_10 = vector.load %arg9[%get3A_8, %get3A_9] : memref<256x128xf32, #tpu.memory_space<vmem>>, vector<128x128xf32>
    %dot_general3A = arith.constant dense<0.000000e+00> : vector<1x128xf32>
    %dot_general3A_11 = tpu.matmul %cos3A, %get3A_10, %dot_general3A {dimension_numbers = #tpu.dot_dimension_numbers<[1], [0], [0], [1], [0, 0, 1, 1], [], []>, transpose_lhs_hint = false} : vector<1x128xf32>, vector<128x128xf32>, vector<1x128xf32> -> vector<1x128xf32>
    %get3A_12 = arith.constant 0 : index
    %get3A_13 = arith.constant 0 : index
    %get3A_14 = vector.load %arg9[%get3A_12, %get3A_13] : memref<256x128xf32, #tpu.memory_space<vmem>>, vector<128x128xf32>
    %dot_general3A_15 = arith.constant dense<0.000000e+00> : vector<256x128xf32>
    %dot_general3A_16 = tpu.matmul %get3A_1, %get3A_14, %dot_general3A_15 {dimension_numbers = #tpu.dot_dimension_numbers<[1], [0], [0], [1], [0, 0, 1, 1], [], []>, transpose_lhs_hint = false} : vector<256x128xf32>, vector<128x128xf32>, vector<256x128xf32> -> vector<256x128xf32>
    %add3A = vector.broadcast %dot_general3A_11 : vector<1x128xf32> to vector<256x128xf32>
    %add3A_17 = arith.addf %dot_general3A_16, %add3A : vector<256x128xf32>
    %get3A_18 = arith.constant 0 : index
    %get3A_19 = arith.constant 0 : index
    %get3A_20 = vector.load %arg1[%get3A_18, %get3A_19] : memref<256x1xf32, #tpu.memory_space<vmem>>, vector<256x1xf32>
    %get3A_21 = arith.constant 0 : index
    %get3A_22 = arith.constant 0 : index
    %get3A_23 = vector.load %arg2[%get3A_21, %get3A_22] : memref<256x20xf32, #tpu.memory_space<vmem>>, vector<256x20xf32>
    %sub3A = vector.broadcast %get3A_20 : vector<256x1xf32> to vector<256x20xf32>
    %sub3A_24 = arith.subf %sub3A, %get3A_23 : vector<256x20xf32>
    %get3A_25 = arith.constant 0 : index
    %get3A_26 = arith.constant 0 : index
    %get3A_27 = vector.load %arg3[%get3A_25, %get3A_26] : memref<256x20xi32, #tpu.memory_space<vmem>>, vector<256x20xi32>
    %eq3A = arith.constant 0 : i32
    %eq3A_28 = vector.broadcast %eq3A : i32 to vector<256x20xi32>
    %eq3A_29 = arith.cmpi eq, %get3A_27, %eq3A_28 : vector<256x20xi32>
    %jit3A = arith.constant -1.000000e+10 : f32
    %jit3A_30 = arith.constant 0.000000e+00 : f32
    %broadcast_in_dim3A = vector.broadcast %jit3A : f32 to vector<256x20xf32>
    %broadcast_in_dim3A_31 = vector.broadcast %jit3A_30 : f32 to vector<256x20xf32>
    %select_n3A = arith.select %eq3A_29, %broadcast_in_dim3A, %broadcast_in_dim3A_31 : vector<256x20xi1>, vector<256x20xf32>
    %slice3A = vector.extract_strided_slice %add3A_17 {offsets = [0, 0], sizes = [256, 64], strides = [1, 1]} : vector<256x128xf32> to vector<256x64xf32>
    %slice3A_32 = vector.extract_strided_slice %add3A_17 {offsets = [0, 64], sizes = [256, 64], strides = [1, 1]} : vector<256x128xf32> to vector<256x64xf32>
    %sqrt3A = arith.constant 6.400000e+01 : f32
    %sqrt3A_33 = math.sqrt %sqrt3A : f32
    %div3A = arith.constant 1.000000e+00 : f32
    %div3A_34 = arith.divf %div3A, %sqrt3A_33 : f32
    %slice3A_35 = vector.extract_strided_slice %sub3A_24 {offsets = [0, 0], sizes = [256, 1], strides = [1, 1]} : vector<256x20xf32> to vector<256x1xf32>
    %mul3A = vector.broadcast %slice3A_35 : vector<256x1xf32> to vector<256x128xf32>
    %mul3A_36 = vector.broadcast %get3A_4 : vector<1x128xf32> to vector<256x128xf32>
    %mul3A_37 = arith.mulf %mul3A, %mul3A_36 : vector<256x128xf32>
    %add3A_38 = vector.broadcast %get3A_7 : vector<1x128xf32> to vector<256x128xf32>
    %add3A_39 = arith.addf %mul3A_37, %add3A_38 : vector<256x128xf32>
    %mul3A_40 = arith.constant 0.159154937 : f32
    %mul3A_41 = vector.broadcast %mul3A_40 : f32 to vector<256x128xf32>
    %mul3A_42 = arith.mulf %add3A_39, %mul3A_41 : vector<256x128xf32>
    %round3A = math.roundeven %mul3A_42 : vector<256x128xf32>
    %sub3A_43 = arith.subf %mul3A_42, %round3A : vector<256x128xf32>
    %mul3A_44 = arith.mulf %sub3A_43, %sub3A_43 : vector<256x128xf32>
    %broadcast_in_dim3A_45 = arith.constant 6.57552814 : f32
    %broadcast_in_dim3A_46 = vector.broadcast %broadcast_in_dim3A_45 : f32 to vector<256x128xf32>
    %mul3A_47 = arith.mulf %broadcast_in_dim3A_46, %mul3A_44 : vector<256x128xf32>
    %add3A_48 = arith.constant -26.0039749 : f32
    %add3A_49 = vector.broadcast %add3A_48 : f32 to vector<256x128xf32>
    %add3A_50 = arith.addf %mul3A_47, %add3A_49 : vector<256x128xf32>
    %mul3A_51 = arith.mulf %add3A_50, %mul3A_44 : vector<256x128xf32>
    %add3A_52 = arith.constant 60.1782913 : f32
    %add3A_53 = vector.broadcast %add3A_52 : f32 to vector<256x128xf32>
    %add3A_54 = arith.addf %mul3A_51, %add3A_53 : vector<256x128xf32>
    %mul3A_55 = arith.mulf %add3A_54, %mul3A_44 : vector<256x128xf32>
    %add3A_56 = arith.constant -85.4515915 : f32
    %add3A_57 = vector.broadcast %add3A_56 : f32 to vector<256x128xf32>
    %add3A_58 = arith.addf %mul3A_55, %add3A_57 : vector<256x128xf32>
    %mul3A_59 = arith.mulf %add3A_58, %mul3A_44 : vector<256x128xf32>
    %add3A_60 = arith.constant 64.939209 : f32
    %add3A_61 = vector.broadcast %add3A_60 : f32 to vector<256x128xf32>
    %add3A_62 = arith.addf %mul3A_59, %add3A_61 : vector<256x128xf32>
    %mul3A_63 = arith.mulf %add3A_62, %mul3A_44 : vector<256x128xf32>
    %add3A_64 = arith.constant -19.7392063 : f32
    %add3A_65 = vector.broadcast %add3A_64 : f32 to vector<256x128xf32>
    %add3A_66 = arith.addf %mul3A_63, %add3A_65 : vector<256x128xf32>
    %mul3A_67 = arith.mulf %add3A_66, %mul3A_44 : vector<256x128xf32>
    %add3A_68 = arith.constant 1.000000e+00 : f32
    %add3A_69 = vector.broadcast %add3A_68 : f32 to vector<256x128xf32>
    %add3A_70 = arith.addf %mul3A_67, %add3A_69 : vector<256x128xf32>
    %get3A_71 = arith.constant 0 : index
    %get3A_72 = arith.constant 0 : index
    %get3A_73 = arith.constant 0 : index
    %get3A_74 = vector.load %arg5[%get3A_71, %get3A_72, %get3A_73] : memref<20x256x128xf32, #tpu.memory_space<vmem>>, vector<1x256x128xf32>
    %get3A_75 = vector.shape_cast %get3A_74 : vector<1x256x128xf32> to vector<256x128xf32>
    %get3A_76 = arith.constant 0 : index
    %get3A_77 = arith.constant 0 : index
    %get3A_78 = vector.load %arg10[%get3A_76, %get3A_77] : memref<272x256xf32, #tpu.memory_space<vmem>>, vector<128x256xf32>
    %dot_general3A_79 = arith.constant dense<0.000000e+00> : vector<256x256xf32>
    %dot_general3A_80 = tpu.matmul %get3A_75, %get3A_78, %dot_general3A_79 {dimension_numbers = #tpu.dot_dimension_numbers<[1], [0], [0], [1], [0, 0, 1, 1], [], []>, transpose_lhs_hint = false} : vector<256x128xf32>, vector<128x256xf32>, vector<256x256xf32> -> vector<256x256xf32>
    %get3A_81 = arith.constant 128 : index
    %get3A_82 = arith.constant 0 : index
    %get3A_83 = vector.load %arg10[%get3A_81, %get3A_82] : memref<272x256xf32, #tpu.memory_space<vmem>>, vector<128x256xf32>
    %dot_general3A_84 = arith.constant dense<0.000000e+00> : vector<256x256xf32>
    %dot_general3A_85 = tpu.matmul %add3A_70, %get3A_83, %dot_general3A_84 {dimension_numbers = #tpu.dot_dimension_numbers<[1], [0], [0], [1], [0, 0, 1, 1], [], []>, transpose_lhs_hint = false} : vector<256x128xf32>, vector<128x256xf32>, vector<256x256xf32> -> vector<256x256xf32>
    %add3A_86 = arith.addf %dot_general3A_80, %dot_general3A_85 : vector<256x256xf32>
    %get3A_87 = arith.constant 0 : index
    %get3A_88 = arith.constant 0 : index
    %get3A_89 = arith.constant 0 : index
    %get3A_90 = vector.load %arg6[%get3A_87, %get3A_88, %get3A_89] : memref<20x256x16xf32, #tpu.memory_space<vmem>>, vector<1x256x16xf32>
    %get3A_91 = vector.shape_cast %get3A_90 : vector<1x256x16xf32> to vector<256x16xf32>
    %get3A_92 = arith.constant 256 : index
    %get3A_93 = arith.constant 0 : index
    %get3A_94 = vector.load %arg10[%get3A_92, %get3A_93] : memref<272x256xf32, #tpu.memory_space<vmem>>, vector<16x256xf32>
    %dot_general3A_95 = arith.constant dense<0.000000e+00> : vector<256x256xf32>
    %dot_general3A_96 = tpu.matmul %get3A_91, %get3A_94, %dot_general3A_95 {dimension_numbers = #tpu.dot_dimension_numbers<[1], [0], [0], [1], [0, 0, 1, 1], [], []>, transpose_lhs_hint = false} : vector<256x16xf32>, vector<16x256xf32>, vector<256x256xf32> -> vector<256x256xf32>
    %add3A_97 = arith.addf %add3A_86, %dot_general3A_96 : vector<256x256xf32>
    %slice3A_98 = vector.extract_strided_slice %add3A_97 {offsets = [0, 0], sizes = [256, 128], strides = [1, 1]} : vector<256x256xf32> to vector<256x128xf32>
    %slice3A_99 = vector.extract_strided_slice %add3A_97 {offsets = [0, 128], sizes = [256, 128], strides = [1, 1]} : vector<256x256xf32> to vector<256x128xf32>
    %slice3A_100 = vector.extract_strided_slice %slice3A_98 {offsets = [0, 0], sizes = [256, 64], strides = [1, 1]} : vector<256x128xf32> to vector<256x64xf32>
    %mul3A_101 = arith.mulf %slice3A, %slice3A_100 : vector<256x64xf32>
    %reduce_sum3A = arith.constant dense<0.000000e+00> : vector<256xf32>
    %reduce_sum3A_102 = vector.multi_reduction <add>, %mul3A_101, %reduce_sum3A [1] : vector<256x64xf32> to vector<256xf32>
    %broadcast_in_dim3A_103 = vector.shape_cast %reduce_sum3A_102 : vector<256xf32> to vector<256x1xf32>
    %slice3A_104 = vector.extract_strided_slice %slice3A_98 {offsets = [0, 64], sizes = [256, 64], strides = [1, 1]} : vector<256x128xf32> to vector<256x64xf32>
    %mul3A_105 = arith.mulf %slice3A_32, %slice3A_104 : vector<256x64xf32>
    %reduce_sum3A_106 = arith.constant dense<0.000000e+00> : vector<256xf32>
    %reduce_sum3A_107 = vector.multi_reduction <add>, %mul3A_105, %reduce_sum3A_106 [1] : vector<256x64xf32> to vector<256xf32>
    %broadcast_in_dim3A_108 = vector.shape_cast %reduce_sum3A_107 : vector<256xf32> to vector<256x1xf32>
    %slice3A_109 = vector.extract_strided_slice %sub3A_24 {offsets = [0, 1], sizes = [256, 1], strides = [1, 1]} : vector<256x20xf32> to vector<256x1xf32>
    %mul3A_110 = vector.broadcast %slice3A_109 : vector<256x1xf32> to vector<256x128xf32>
    %mul3A_111 = vector.broadcast %get3A_4 : vector<1x128xf32> to vector<256x128xf32>
    %mul3A_112 = arith.mulf %mul3A_110, %mul3A_111 : vector<256x128xf32>
    %add3A_113 = vector.broadcast %get3A_7 : vector<1x128xf32> to vector<256x128xf32>
    %add3A_114 = arith.addf %mul3A_112, %add3A_113 : vector<256x128xf32>
    %mul3A_115 = arith.constant 0.159154937 : f32
    %mul3A_116 = vector.broadcast %mul3A_115 : f32 to vector<256x128xf32>
    %mul3A_117 = arith.mulf %add3A_114, %mul3A_116 : vector<256x128xf32>
    %round3A_118 = math.roundeven %mul3A_117 : vector<256x128xf32>
    %sub3A_119 = arith.subf %mul3A_117, %round3A_118 : vector<256x128xf32>
    %mul3A_120 = arith.mulf %sub3A_119, %sub3A_119 : vector<256x128xf32>
    %broadcast_in_dim3A_121 = arith.constant 6.57552814 : f32
    %broadcast_in_dim3A_122 = vector.broadcast %broadcast_in_dim3A_121 : f32 to vector<256x128xf32>
    %mul3A_123 = arith.mulf %broadcast_in_dim3A_122, %mul3A_120 : vector<256x128xf32>
    %add3A_124 = arith.constant -26.0039749 : f32
    %add3A_125 = vector.broadcast %add3A_124 : f32 to vector<256x128xf32>
    %add3A_126 = arith.addf %mul3A_123, %add3A_125 : vector<256x128xf32>
    %mul3A_127 = arith.mulf %add3A_126, %mul3A_120 : vector<256x128xf32>
    %add3A_128 = arith.constant 60.1782913 : f32
    %add3A_129 = vector.broadcast %add3A_128 : f32 to vector<256x128xf32>
    %add3A_130 = arith.addf %mul3A_127, %add3A_129 : vector<256x128xf32>
    %mul3A_131 = arith.mulf %add3A_130, %mul3A_120 : vector<256x128xf32>
    %add3A_132 = arith.constant -85.4515915 : f32
    %add3A_133 = vector.broadcast %add3A_132 : f32 to vector<256x128xf32>
    %add3A_134 = arith.addf %mul3A_131, %add3A_133 : vector<256x128xf32>
    %mul3A_135 = arith.mulf %add3A_134, %mul3A_120 : vector<256x128xf32>
    %add3A_136 = arith.constant 64.939209 : f32
    %add3A_137 = vector.broadcast %add3A_136 : f32 to vector<256x128xf32>
    %add3A_138 = arith.addf %mul3A_135, %add3A_137 : vector<256x128xf32>
    %mul3A_139 = arith.mulf %add3A_138, %mul3A_120 : vector<256x128xf32>
    %add3A_140 = arith.constant -19.7392063 : f32
    %add3A_141 = vector.broadcast %add3A_140 : f32 to vector<256x128xf32>
    %add3A_142 = arith.addf %mul3A_139, %add3A_141 : vector<256x128xf32>
    %mul3A_143 = arith.mulf %add3A_142, %mul3A_120 : vector<256x128xf32>
    %add3A_144 = arith.constant 1.000000e+00 : f32
    %add3A_145 = vector.broadcast %add3A_144 : f32 to vector<256x128xf32>
    %add3A_146 = arith.addf %mul3A_143, %add3A_145 : vector<256x128xf32>
    %get3A_147 = arith.constant 1 : index
    %get3A_148 = arith.constant 0 : index
    %get3A_149 = arith.constant 0 : index
    %get3A_150 = vector.load %arg5[%get3A_147, %get3A_148, %get3A_149] : memref<20x256x128xf32, #tpu.memory_space<vmem>>, vector<1x256x128xf32>
    %get3A_151 = vector.shape_cast %get3A_150 : vector<1x256x128xf32> to vector<256x128xf32>
    %get3A_152 = arith.constant 0 : index
    %get3A_153 = arith.constant 0 : index
    %get3A_154 = vector.load %arg10[%get3A_152, %get3A_153] : memref<272x256xf32, #tpu.memory_space<vmem>>, vector<128x256xf32>
    %dot_general3A_155 = arith.constant dense<0.000000e+00> : vector<256x256xf32>
    %dot_general3A_156 = tpu.matmul %get3A_151, %get3A_154, %dot_general3A_155 {dimension_numbers = #tpu.dot_dimension_numbers<[1], [0], [0], [1], [0, 0, 1, 1], [], []>, transpose_lhs_hint = false} : vector<256x128xf32>, vector<128x256xf32>, vector<256x256xf32> -> vector<256x256xf32>
    %get3A_157 = arith.constant 128 : index
    %get3A_158 = arith.constant 0 : index
    %get3A_159 = vector.load %arg10[%get3A_157, %get3A_158] : memref<272x256xf32, #tpu.memory_space<vmem>>, vector<128x256xf32>
    %dot_general3A_160 = arith.constant dense<0.000000e+00> : vector<256x256xf32>
    %dot_general3A_161 = tpu.matmul %add3A_146, %get3A_159, %dot_general3A_160 {dimension_numbers = #tpu.dot_dimension_numbers<[1], [0], [0], [1], [0, 0, 1, 1], [], []>, transpose_lhs_hint = false} : vector<256x128xf32>, vector<128x256xf32>, vector<256x256xf32> -> vector<256x256xf32>
    %add3A_162 = arith.addf %dot_general3A_156, %dot_general3A_161 : vector<256x256xf32>
    %get3A_163 = arith.constant 1 : index
    %get3A_164 = arith.constant 0 : index
    %get3A_165 = arith.constant 0 : index
    %get3A_166 = vector.load %arg6[%get3A_163, %get3A_164, %get3A_165] : memref<20x256x16xf32, #tpu.memory_space<vmem>>, vector<1x256x16xf32>
    %get3A_167 = vector.shape_cast %get3A_166 : vector<1x256x16xf32> to vector<256x16xf32>
    %get3A_168 = arith.constant 256 : index
    %get3A_169 = arith.constant 0 : index
    %get3A_170 = vector.load %arg10[%get3A_168, %get3A_169] : memref<272x256xf32, #tpu.memory_space<vmem>>, vector<16x256xf32>
    %dot_general3A_171 = arith.constant dense<0.000000e+00> : vector<256x256xf32>
    %dot_general3A_172 = tpu.matmul %get3A_167, %get3A_170, %dot_general3A_171 {dimension_numbers = #tpu.dot_dimension_numbers<[1], [0], [0], [1], [0, 0, 1, 1], [], []>, transpose_lhs_hint = false} : vector<256x16xf32>, vector<16x256xf32>, vector<256x256xf32> -> vector<256x256xf32>
    %add3A_173 = arith.addf %add3A_162, %dot_general3A_172 : vector<256x256xf32>
    %slice3A_174 = vector.extract_strided_slice %add3A_173 {offsets = [0, 0], sizes = [256, 128], strides = [1, 1]} : vector<256x256xf32> to vector<256x128xf32>
    %slice3A_175 = vector.extract_strided_slice %add3A_173 {offsets = [0, 128], sizes = [256, 128], strides = [1, 1]} : vector<256x256xf32> to vector<256x128xf32>
    %slice3A_176 = vector.extract_strided_slice %slice3A_174 {offsets = [0, 0], sizes = [256, 64], strides = [1, 1]} : vector<256x128xf32> to vector<256x64xf32>
    %mul3A_177 = arith.mulf %slice3A, %slice3A_176 : vector<256x64xf32>
    %reduce_sum3A_178 = arith.constant dense<0.000000e+00> : vector<256xf32>
    %reduce_sum3A_179 = vector.multi_reduction <add>, %mul3A_177, %reduce_sum3A_178 [1] : vector<256x64xf32> to vector<256xf32>
    %broadcast_in_dim3A_180 = vector.shape_cast %reduce_sum3A_179 : vector<256xf32> to vector<256x1xf32>
    %slice3A_181 = vector.extract_strided_slice %slice3A_174 {offsets = [0, 64], sizes = [256, 64], strides = [1, 1]} : vector<256x128xf32> to vector<256x64xf32>
    %mul3A_182 = arith.mulf %slice3A_32, %slice3A_181 : vector<256x64xf32>
    %reduce_sum3A_183 = arith.constant dense<0.000000e+00> : vector<256xf32>
    %reduce_sum3A_184 = vector.multi_reduction <add>, %mul3A_182, %reduce_sum3A_183 [1] : vector<256x64xf32> to vector<256xf32>
    %broadcast_in_dim3A_185 = vector.shape_cast %reduce_sum3A_184 : vector<256xf32> to vector<256x1xf32>
    %slice3A_186 = vector.extract_strided_slice %sub3A_24 {offsets = [0, 2], sizes = [256, 1], strides = [1, 1]} : vector<256x20xf32> to vector<256x1xf32>
    %mul3A_187 = vector.broadcast %slice3A_186 : vector<256x1xf32> to vector<256x128xf32>
    %mul3A_188 = vector.broadcast %get3A_4 : vector<1x128xf32> to vector<256x128xf32>
    %mul3A_189 = arith.mulf %mul3A_187, %mul3A_188 : vector<256x128xf32>
    %add3A_190 = vector.broadcast %get3A_7 : vector<1x128xf32> to vector<256x128xf32>
    %add3A_191 = arith.addf %mul3A_189, %add3A_190 : vector<256x128xf32>
    %mul3A_192 = arith.constant 0.159154937 : f32
    %mul3A_193 = vector.broadcast %mul3A_192 : f32 to vector<256x128xf32>
    %mul3A_194 = arith.mulf %add3A_191, %mul3A_193 : vector<256x128xf32>
    %round3A_195 = math.roundeven %mul3A_194 : vector<256x128xf32>
    %sub3A_196 = arith.subf %mul3A_194, %round3A_195 : vector<256x128xf32>
    %mul3A_197 = arith.mulf %sub3A_196, %sub3A_196 : vector<256x128xf32>
    %broadcast_in_dim3A_198 = arith.constant 6.57552814 : f32
    %broadcast_in_dim3A_199 = vector.broadcast %broadcast_in_dim3A_198 : f32 to vector<256x128xf32>
    %mul3A_200 = arith.mulf %broadcast_in_dim3A_199, %mul3A_197 : vector<256x128xf32>
    %add3A_201 = arith.constant -26.0039749 : f32
    %add3A_202 = vector.broadcast %add3A_201 : f32 to vector<256x128xf32>
    %add3A_203 = arith.addf %mul3A_200, %add3A_202 : vector<256x128xf32>
    %mul3A_204 = arith.mulf %add3A_203, %mul3A_197 : vector<256x128xf32>
    %add3A_205 = arith.constant 60.1782913 : f32
    %add3A_206 = vector.broadcast %add3A_205 : f32 to vector<256x128xf32>
    %add3A_207 = arith.addf %mul3A_204, %add3A_206 : vector<256x128xf32>
    %mul3A_208 = arith.mulf %add3A_207, %mul3A_197 : vector<256x128xf32>
    %add3A_209 = arith.constant -85.4515915 : f32
    %add3A_210 = vector.broadcast %add3A_209 : f32 to vector<256x128xf32>
    %add3A_211 = arith.addf %mul3A_208, %add3A_210 : vector<256x128xf32>
    %mul3A_212 = arith.mulf %add3A_211, %mul3A_197 : vector<256x128xf32>
    %add3A_213 = arith.constant 64.939209 : f32
    %add3A_214 = vector.broadcast %add3A_213 : f32 to vector<256x128xf32>
    %add3A_215 = arith.addf %mul3A_212, %add3A_214 : vector<256x128xf32>
    %mul3A_216 = arith.mulf %add3A_215, %mul3A_197 : vector<256x128xf32>
    %add3A_217 = arith.constant -19.7392063 : f32
    %add3A_218 = vector.broadcast %add3A_217 : f32 to vector<256x128xf32>
    %add3A_219 = arith.addf %mul3A_216, %add3A_218 : vector<256x128xf32>
    %mul3A_220 = arith.mulf %add3A_219, %mul3A_197 : vector<256x128xf32>
    %add3A_221 = arith.constant 1.000000e+00 : f32
    %add3A_222 = vector.broadcast %add3A_221 : f32 to vector<256x128xf32>
    %add3A_223 = arith.addf %mul3A_220, %add3A_222 : vector<256x128xf32>
    %get3A_224 = arith.constant 2 : index
    %get3A_225 = arith.constant 0 : index
    %get3A_226 = arith.constant 0 : index
    %get3A_227 = vector.load %arg5[%get3A_224, %get3A_225, %get3A_226] : memref<20x256x128xf32, #tpu.memory_space<vmem>>, vector<1x256x128xf32>
    %get3A_228 = vector.shape_cast %get3A_227 : vector<1x256x128xf32> to vector<256x128xf32>
    %get3A_229 = arith.constant 0 : index
    %get3A_230 = arith.constant 0 : index
    %get3A_231 = vector.load %arg10[%get3A_229, %get3A_230] : memref<272x256xf32, #tpu.memory_space<vmem>>, vector<128x256xf32>
    %dot_general3A_232 = arith.constant dense<0.000000e+00> : vector<256x256xf32>
    %dot_general3A_233 = tpu.matmul %get3A_228, %get3A_231, %dot_general3A_232 {dimension_numbers = #tpu.dot_dimension_numbers<[1], [0], [0], [1], [0, 0, 1, 1], [], []>, transpose_lhs_hint = false} : vector<256x128xf32>, vector<128x256xf32>, vector<256x256xf32> -> vector<256x256xf32>
    %get3A_234 = arith.constant 128 : index
    %get3A_235 = arith.constant 0 : index
    %get3A_236 = vector.load %arg10[%get3A_234, %get3A_235] : memref<272x256xf32, #tpu.memory_space<vmem>>, vector<128x256xf32>
    %dot_general3A_237 = arith.constant dense<0.000000e+00> : vector<256x256xf32>
    %dot_general3A_238 = tpu.matmul %add3A_223, %get3A_236, %dot_general3A_237 {dimension_numbers = #tpu.dot_dimension_numbers<[1], [0], [0], [1], [0, 0, 1, 1], [], []>, transpose_lhs_hint = false} : vector<256x128xf32>, vector<128x256xf32>, vector<256x256xf32> -> vector<256x256xf32>
    %add3A_239 = arith.addf %dot_general3A_233, %dot_general3A_238 : vector<256x256xf32>
    %get3A_240 = arith.constant 2 : index
    %get3A_241 = arith.constant 0 : index
    %get3A_242 = arith.constant 0 : index
    %get3A_243 = vector.load %arg6[%get3A_240, %get3A_241, %get3A_242] : memref<20x256x16xf32, #tpu.memory_space<vmem>>, vector<1x256x16xf32>
    %get3A_244 = vector.shape_cast %get3A_243 : vector<1x256x16xf32> to vector<256x16xf32>
    %get3A_245 = arith.constant 256 : index
    %get3A_246 = arith.constant 0 : index
    %get3A_247 = vector.load %arg10[%get3A_245, %get3A_246] : memref<272x256xf32, #tpu.memory_space<vmem>>, vector<16x256xf32>
    %dot_general3A_248 = arith.constant dense<0.000000e+00> : vector<256x256xf32>
    %dot_general3A_249 = tpu.matmul %get3A_244, %get3A_247, %dot_general3A_248 {dimension_numbers = #tpu.dot_dimension_numbers<[1], [0], [0], [1], [0, 0, 1, 1], [], []>, transpose_lhs_hint = false} : vector<256x16xf32>, vector<16x256xf32>, vector<256x256xf32> -> vector<256x256xf32>
    %add3A_250 = arith.addf %add3A_239, %dot_general3A_249 : vector<256x256xf32>
    %slice3A_251 = vector.extract_strided_slice %add3A_250 {offsets = [0, 0], sizes = [256, 128], strides = [1, 1]} : vector<256x256xf32> to vector<256x128xf32>
    %slice3A_252 = vector.extract_strided_slice %add3A_250 {offsets = [0, 128], sizes = [256, 128], strides = [1, 1]} : vector<256x256xf32> to vector<256x128xf32>
    %slice3A_253 = vector.extract_strided_slice %slice3A_251 {offsets = [0, 0], sizes = [256, 64], strides = [1, 1]} : vector<256x128xf32> to vector<256x64xf32>
    %mul3A_254 = arith.mulf %slice3A, %slice3A_253 : vector<256x64xf32>
    %reduce_sum3A_255 = arith.constant dense<0.000000e+00> : vector<256xf32>
    %reduce_sum3A_256 = vector.multi_reduction <add>, %mul3A_254, %reduce_sum3A_255 [1] : vector<256x64xf32> to vector<256xf32>
    %broadcast_in_dim3A_257 = vector.shape_cast %reduce_sum3A_256 : vector<256xf32> to vector<256x1xf32>
    %slice3A_258 = vector.extract_strided_slice %slice3A_251 {offsets = [0, 64], sizes = [256, 64], strides = [1, 1]} : vector<256x128xf32> to vector<256x64xf32>
    %mul3A_259 = arith.mulf %slice3A_32, %slice3A_258 : vector<256x64xf32>
    %reduce_sum3A_260 = arith.constant dense<0.000000e+00> : vector<256xf32>
    %reduce_sum3A_261 = vector.multi_reduction <add>, %mul3A_259, %reduce_sum3A_260 [1] : vector<256x64xf32> to vector<256xf32>
    %broadcast_in_dim3A_262 = vector.shape_cast %reduce_sum3A_261 : vector<256xf32> to vector<256x1xf32>
    %slice3A_263 = vector.extract_strided_slice %sub3A_24 {offsets = [0, 3], sizes = [256, 1], strides = [1, 1]} : vector<256x20xf32> to vector<256x1xf32>
    %mul3A_264 = vector.broadcast %slice3A_263 : vector<256x1xf32> to vector<256x128xf32>
    %mul3A_265 = vector.broadcast %get3A_4 : vector<1x128xf32> to vector<256x128xf32>
    %mul3A_266 = arith.mulf %mul3A_264, %mul3A_265 : vector<256x128xf32>
    %add3A_267 = vector.broadcast %get3A_7 : vector<1x128xf32> to vector<256x128xf32>
    %add3A_268 = arith.addf %mul3A_266, %add3A_267 : vector<256x128xf32>
    %mul3A_269 = arith.constant 0.159154937 : f32
    %mul3A_270 = vector.broadcast %mul3A_269 : f32 to vector<256x128xf32>
    %mul3A_271 = arith.mulf %add3A_268, %mul3A_270 : vector<256x128xf32>
    %round3A_272 = math.roundeven %mul3A_271 : vector<256x128xf32>
    %sub3A_273 = arith.subf %mul3A_271, %round3A_272 : vector<256x128xf32>
    %mul3A_274 = arith.mulf %sub3A_273, %sub3A_273 : vector<256x128xf32>
    %broadcast_in_dim3A_275 = arith.constant 6.57552814 : f32
    %broadcast_in_dim3A_276 = vector.broadcast %broadcast_in_dim3A_275 : f32 to vector<256x128xf32>
    %mul3A_277 = arith.mulf %broadcast_in_dim3A_276, %mul3A_274 : vector<256x128xf32>
    %add3A_278 = arith.constant -26.0039749 : f32
    %add3A_279 = vector.broadcast %add3A_278 : f32 to vector<256x128xf32>
    %add3A_280 = arith.addf %mul3A_277, %add3A_279 : vector<256x128xf32>
    %mul3A_281 = arith.mulf %add3A_280, %mul3A_274 : vector<256x128xf32>
    %add3A_282 = arith.constant 60.1782913 : f32
    %add3A_283 = vector.broadcast %add3A_282 : f32 to vector<256x128xf32>
    %add3A_284 = arith.addf %mul3A_281, %add3A_283 : vector<256x128xf32>
    %mul3A_285 = arith.mulf %add3A_284, %mul3A_274 : vector<256x128xf32>
    %add3A_286 = arith.constant -85.4515915 : f32
    %add3A_287 = vector.broadcast %add3A_286 : f32 to vector<256x128xf32>
    %add3A_288 = arith.addf %mul3A_285, %add3A_287 : vector<256x128xf32>
    %mul3A_289 = arith.mulf %add3A_288, %mul3A_274 : vector<256x128xf32>
    %add3A_290 = arith.constant 64.939209 : f32
    %add3A_291 = vector.broadcast %add3A_290 : f32 to vector<256x128xf32>
    %add3A_292 = arith.addf %mul3A_289, %add3A_291 : vector<256x128xf32>
    %mul3A_293 = arith.mulf %add3A_292, %mul3A_274 : vector<256x128xf32>
    %add3A_294 = arith.constant -19.7392063 : f32
    %add3A_295 = vector.broadcast %add3A_294 : f32 to vector<256x128xf32>
    %add3A_296 = arith.addf %mul3A_293, %add3A_295 : vector<256x128xf32>
    %mul3A_297 = arith.mulf %add3A_296, %mul3A_274 : vector<256x128xf32>
    %add3A_298 = arith.constant 1.000000e+00 : f32
    %add3A_299 = vector.broadcast %add3A_298 : f32 to vector<256x128xf32>
    %add3A_300 = arith.addf %mul3A_297, %add3A_299 : vector<256x128xf32>
    %get3A_301 = arith.constant 3 : index
    %get3A_302 = arith.constant 0 : index
    %get3A_303 = arith.constant 0 : index
    %get3A_304 = vector.load %arg5[%get3A_301, %get3A_302, %get3A_303] : memref<20x256x128xf32, #tpu.memory_space<vmem>>, vector<1x256x128xf32>
    %get3A_305 = vector.shape_cast %get3A_304 : vector<1x256x128xf32> to vector<256x128xf32>
    %get3A_306 = arith.constant 0 : index
    %get3A_307 = arith.constant 0 : index
    %get3A_308 = vector.load %arg10[%get3A_306, %get3A_307] : memref<272x256xf32, #tpu.memory_space<vmem>>, vector<128x256xf32>
    %dot_general3A_309 = arith.constant dense<0.000000e+00> : vector<256x256xf32>
    %dot_general3A_310 = tpu.matmul %get3A_305, %get3A_308, %dot_general3A_309 {dimension_numbers = #tpu.dot_dimension_numbers<[1], [0], [0], [1], [0, 0, 1, 1], [], []>, transpose_lhs_hint = false} : vector<256x128xf32>, vector<128x256xf32>, vector<256x256xf32> -> vector<256x256xf32>
    %get3A_311 = arith.constant 128 : index
    %get3A_312 = arith.constant 0 : index
    %get3A_313 = vector.load %arg10[%get3A_311, %get3A_312] : memref<272x256xf32, #tpu.memory_space<vmem>>, vector<128x256xf32>
    %dot_general3A_314 = arith.constant dense<0.000000e+00> : vector<256x256xf32>
    %dot_general3A_315 = tpu.matmul %add3A_300, %get3A_313, %dot_general3A_314 {dimension_numbers = #tpu.dot_dimension_numbers<[1], [0], [0], [1], [0, 0, 1, 1], [], []>, transpose_lhs_hint = false} : vector<256x128xf32>, vector<128x256xf32>, vector<256x256xf32> -> vector<256x256xf32>
    %add3A_316 = arith.addf %dot_general3A_310, %dot_general3A_315 : vector<256x256xf32>
    %get3A_317 = arith.constant 3 : index
    %get3A_318 = arith.constant 0 : index
    %get3A_319 = arith.constant 0 : index
    %get3A_320 = vector.load %arg6[%get3A_317, %get3A_318, %get3A_319] : memref<20x256x16xf32, #tpu.memory_space<vmem>>, vector<1x256x16xf32>
    %get3A_321 = vector.shape_cast %get3A_320 : vector<1x256x16xf32> to vector<256x16xf32>
    %get3A_322 = arith.constant 256 : index
    %get3A_323 = arith.constant 0 : index
    %get3A_324 = vector.load %arg10[%get3A_322, %get3A_323] : memref<272x256xf32, #tpu.memory_space<vmem>>, vector<16x256xf32>
    %dot_general3A_325 = arith.constant dense<0.000000e+00> : vector<256x256xf32>
    %dot_general3A_326 = tpu.matmul %get3A_321, %get3A_324, %dot_general3A_325 {dimension_numbers = #tpu.dot_dimension_numbers<[1], [0], [0], [1], [0, 0, 1, 1], [], []>, transpose_lhs_hint = false} : vector<256x16xf32>, vector<16x256xf32>, vector<256x256xf32> -> vector<256x256xf32>
    %add3A_327 = arith.addf %add3A_316, %dot_general3A_326 : vector<256x256xf32>
    %slice3A_328 = vector.extract_strided_slice %add3A_327 {offsets = [0, 0], sizes = [256, 128], strides = [1, 1]} : vector<256x256xf32> to vector<256x128xf32>
    %slice3A_329 = vector.extract_strided_slice %add3A_327 {offsets = [0, 128], sizes = [256, 128], strides = [1, 1]} : vector<256x256xf32> to vector<256x128xf32>
    %slice3A_330 = vector.extract_strided_slice %slice3A_328 {offsets = [0, 0], sizes = [256, 64], strides = [1, 1]} : vector<256x128xf32> to vector<256x64xf32>
    %mul3A_331 = arith.mulf %slice3A, %slice3A_330 : vector<256x64xf32>
    %reduce_sum3A_332 = arith.constant dense<0.000000e+00> : vector<256xf32>
    %reduce_sum3A_333 = vector.multi_reduction <add>, %mul3A_331, %reduce_sum3A_332 [1] : vector<256x64xf32> to vector<256xf32>
    %broadcast_in_dim3A_334 = vector.shape_cast %reduce_sum3A_333 : vector<256xf32> to vector<256x1xf32>
    %slice3A_335 = vector.extract_strided_slice %slice3A_328 {offsets = [0, 64], sizes = [256, 64], strides = [1, 1]} : vector<256x128xf32> to vector<256x64xf32>
    %mul3A_336 = arith.mulf %slice3A_32, %slice3A_335 : vector<256x64xf32>
    %reduce_sum3A_337 = arith.constant dense<0.000000e+00> : vector<256xf32>
    %reduce_sum3A_338 = vector.multi_reduction <add>, %mul3A_336, %reduce_sum3A_337 [1] : vector<256x64xf32> to vector<256xf32>
    %broadcast_in_dim3A_339 = vector.shape_cast %reduce_sum3A_338 : vector<256xf32> to vector<256x1xf32>
    %slice3A_340 = vector.extract_strided_slice %sub3A_24 {offsets = [0, 4], sizes = [256, 1], strides = [1, 1]} : vector<256x20xf32> to vector<256x1xf32>
    %mul3A_341 = vector.broadcast %slice3A_340 : vector<256x1xf32> to vector<256x128xf32>
    %mul3A_342 = vector.broadcast %get3A_4 : vector<1x128xf32> to vector<256x128xf32>
    %mul3A_343 = arith.mulf %mul3A_341, %mul3A_342 : vector<256x128xf32>
    %add3A_344 = vector.broadcast %get3A_7 : vector<1x128xf32> to vector<256x128xf32>
    %add3A_345 = arith.addf %mul3A_343, %add3A_344 : vector<256x128xf32>
    %mul3A_346 = arith.constant 0.159154937 : f32
    %mul3A_347 = vector.broadcast %mul3A_346 : f32 to vector<256x128xf32>
    %mul3A_348 = arith.mulf %add3A_345, %mul3A_347 : vector<256x128xf32>
    %round3A_349 = math.roundeven %mul3A_348 : vector<256x128xf32>
    %sub3A_350 = arith.subf %mul3A_348, %round3A_349 : vector<256x128xf32>
    %mul3A_351 = arith.mulf %sub3A_350, %sub3A_350 : vector<256x128xf32>
    %broadcast_in_dim3A_352 = arith.constant 6.57552814 : f32
    %broadcast_in_dim3A_353 = vector.broadcast %broadcast_in_dim3A_352 : f32 to vector<256x128xf32>
    %mul3A_354 = arith.mulf %broadcast_in_dim3A_353, %mul3A_351 : vector<256x128xf32>
    %add3A_355 = arith.constant -26.0039749 : f32
    %add3A_356 = vector.broadcast %add3A_355 : f32 to vector<256x128xf32>
    %add3A_357 = arith.addf %mul3A_354, %add3A_356 : vector<256x128xf32>
    %mul3A_358 = arith.mulf %add3A_357, %mul3A_351 : vector<256x128xf32>
    %add3A_359 = arith.constant 60.1782913 : f32
    %add3A_360 = vector.broadcast %add3A_359 : f32 to vector<256x128xf32>
    %add3A_361 = arith.addf %mul3A_358, %add3A_360 : vector<256x128xf32>
    %mul3A_362 = arith.mulf %add3A_361, %mul3A_351 : vector<256x128xf32>
    %add3A_363 = arith.constant -85.4515915 : f32
    %add3A_364 = vector.broadcast %add3A_363 : f32 to vector<256x128xf32>
    %add3A_365 = arith.addf %mul3A_362, %add3A_364 : vector<256x128xf32>
    %mul3A_366 = arith.mulf %add3A_365, %mul3A_351 : vector<256x128xf32>
    %add3A_367 = arith.constant 64.939209 : f32
    %add3A_368 = vector.broadcast %add3A_367 : f32 to vector<256x128xf32>
    %add3A_369 = arith.addf %mul3A_366, %add3A_368 : vector<256x128xf32>
    %mul3A_370 = arith.mulf %add3A_369, %mul3A_351 : vector<256x128xf32>
    %add3A_371 = arith.constant -19.7392063 : f32
    %add3A_372 = vector.broadcast %add3A_371 : f32 to vector<256x128xf32>
    %add3A_373 = arith.addf %mul3A_370, %add3A_372 : vector<256x128xf32>
    %mul3A_374 = arith.mulf %add3A_373, %mul3A_351 : vector<256x128xf32>
    %add3A_375 = arith.constant 1.000000e+00 : f32
    %add3A_376 = vector.broadcast %add3A_375 : f32 to vector<256x128xf32>
    %add3A_377 = arith.addf %mul3A_374, %add3A_376 : vector<256x128xf32>
    %get3A_378 = arith.constant 4 : index
    %get3A_379 = arith.constant 0 : index
    %get3A_380 = arith.constant 0 : index
    %get3A_381 = vector.load %arg5[%get3A_378, %get3A_379, %get3A_380] : memref<20x256x128xf32, #tpu.memory_space<vmem>>, vector<1x256x128xf32>
    %get3A_382 = vector.shape_cast %get3A_381 : vector<1x256x128xf32> to vector<256x128xf32>
    %get3A_383 = arith.constant 0 : index
    %get3A_384 = arith.constant 0 : index
    %get3A_385 = vector.load %arg10[%get3A_383, %get3A_384] : memref<272x256xf32, #tpu.memory_space<vmem>>, vector<128x256xf32>
    %dot_general3A_386 = arith.constant dense<0.000000e+00> : vector<256x256xf32>
    %dot_general3A_387 = tpu.matmul %get3A_382, %get3A_385, %dot_general3A_386 {dimension_numbers = #tpu.dot_dimension_numbers<[1], [0], [0], [1], [0, 0, 1, 1], [], []>, transpose_lhs_hint = false} : vector<256x128xf32>, vector<128x256xf32>, vector<256x256xf32> -> vector<256x256xf32>
    %get3A_388 = arith.constant 128 : index
    %get3A_389 = arith.constant 0 : index
    %get3A_390 = vector.load %arg10[%get3A_388, %get3A_389] : memref<272x256xf32, #tpu.memory_space<vmem>>, vector<128x256xf32>
    %dot_general3A_391 = arith.constant dense<0.000000e+00> : vector<256x256xf32>
    %dot_general3A_392 = tpu.matmul %add3A_377, %get3A_390, %dot_general3A_391 {dimension_numbers = #tpu.dot_dimension_numbers<[1], [0], [0], [1], [0, 0, 1, 1], [], []>, transpose_lhs_hint = false} : vector<256x128xf32>, vector<128x256xf32>, vector<256x256xf32> -> vector<256x256xf32>
    %add3A_393 = arith.addf %dot_general3A_387, %dot_general3A_392 : vector<256x256xf32>
    %get3A_394 = arith.constant 4 : index
    %get3A_395 = arith.constant 0 : index
    %get3A_396 = arith.constant 0 : index
    %get3A_397 = vector.load %arg6[%get3A_394, %get3A_395, %get3A_396] : memref<20x256x16xf32, #tpu.memory_space<vmem>>, vector<1x256x16xf32>
    %get3A_398 = vector.shape_cast %get3A_397 : vector<1x256x16xf32> to vector<256x16xf32>
    %get3A_399 = arith.constant 256 : index
    %get3A_400 = arith.constant 0 : index
    %get3A_401 = vector.load %arg10[%get3A_399, %get3A_400] : memref<272x256xf32, #tpu.memory_space<vmem>>, vector<16x256xf32>
    %dot_general3A_402 = arith.constant dense<0.000000e+00> : vector<256x256xf32>
    %dot_general3A_403 = tpu.matmul %get3A_398, %get3A_401, %dot_general3A_402 {dimension_numbers = #tpu.dot_dimension_numbers<[1], [0], [0], [1], [0, 0, 1, 1], [], []>, transpose_lhs_hint = false} : vector<256x16xf32>, vector<16x256xf32>, vector<256x256xf32> -> vector<256x256xf32>
    %add3A_404 = arith.addf %add3A_393, %dot_general3A_403 : vector<256x256xf32>
    %slice3A_405 = vector.extract_strided_slice %add3A_404 {offsets = [0, 0], sizes = [256, 128], strides = [1, 1]} : vector<256x256xf32> to vector<256x128xf32>
    %slice3A_406 = vector.extract_strided_slice %add3A_404 {offsets = [0, 128], sizes = [256, 128], strides = [1, 1]} : vector<256x256xf32> to vector<256x128xf32>
    %slice3A_407 = vector.extract_strided_slice %slice3A_405 {offsets = [0, 0], sizes = [256, 64], strides = [1, 1]} : vector<256x128xf32> to vector<256x64xf32>
    %mul3A_408 = arith.mulf %slice3A, %slice3A_407 : vector<256x64xf32>
    %reduce_sum3A_409 = arith.constant dense<0.000000e+00> : vector<256xf32>
    %reduce_sum3A_410 = vector.multi_reduction <add>, %mul3A_408, %reduce_sum3A_409 [1] : vector<256x64xf32> to vector<256xf32>
    %broadcast_in_dim3A_411 = vector.shape_cast %reduce_sum3A_410 : vector<256xf32> to vector<256x1xf32>
    %slice3A_412 = vector.extract_strided_slice %slice3A_405 {offsets = [0, 64], sizes = [256, 64], strides = [1, 1]} : vector<256x128xf32> to vector<256x64xf32>
    %mul3A_413 = arith.mulf %slice3A_32, %slice3A_412 : vector<256x64xf32>
    %reduce_sum3A_414 = arith.constant dense<0.000000e+00> : vector<256xf32>
    %reduce_sum3A_415 = vector.multi_reduction <add>, %mul3A_413, %reduce_sum3A_414 [1] : vector<256x64xf32> to vector<256xf32>
    %broadcast_in_dim3A_416 = vector.shape_cast %reduce_sum3A_415 : vector<256xf32> to vector<256x1xf32>
    %slice3A_417 = vector.extract_strided_slice %sub3A_24 {offsets = [0, 5], sizes = [256, 1], strides = [1, 1]} : vector<256x20xf32> to vector<256x1xf32>
    %mul3A_418 = vector.broadcast %slice3A_417 : vector<256x1xf32> to vector<256x128xf32>
    %mul3A_419 = vector.broadcast %get3A_4 : vector<1x128xf32> to vector<256x128xf32>
    %mul3A_420 = arith.mulf %mul3A_418, %mul3A_419 : vector<256x128xf32>
    %add3A_421 = vector.broadcast %get3A_7 : vector<1x128xf32> to vector<256x128xf32>
    %add3A_422 = arith.addf %mul3A_420, %add3A_421 : vector<256x128xf32>
    %mul3A_423 = arith.constant 0.159154937 : f32
    %mul3A_424 = vector.broadcast %mul3A_423 : f32 to vector<256x128xf32>
    %mul3A_425 = arith.mulf %add3A_422, %mul3A_424 : vector<256x128xf32>
    %round3A_426 = math.roundeven %mul3A_425 : vector<256x128xf32>
    %sub3A_427 = arith.subf %mul3A_425, %round3A_426 : vector<256x128xf32>
    %mul3A_428 = arith.mulf %sub3A_427, %sub3A_427 : vector<256x128xf32>
    %broadcast_in_dim3A_429 = arith.constant 6.57552814 : f32
    %broadcast_in_dim3A_430 = vector.broadcast %broadcast_in_dim3A_429 : f32 to vector<256x128xf32>
    %mul3A_431 = arith.mulf %broadcast_in_dim3A_430, %mul3A_428 : vector<256x128xf32>
    %add3A_432 = arith.constant -26.0039749 : f32
    %add3A_433 = vector.broadcast %add3A_432 : f32 to vector<256x128xf32>
    %add3A_434 = arith.addf %mul3A_431, %add3A_433 : vector<256x128xf32>
    %mul3A_435 = arith.mulf %add3A_434, %mul3A_428 : vector<256x128xf32>
    %add3A_436 = arith.constant 60.1782913 : f32
    %add3A_437 = vector.broadcast %add3A_436 : f32 to vector<256x128xf32>
    %add3A_438 = arith.addf %mul3A_435, %add3A_437 : vector<256x128xf32>
    %mul3A_439 = arith.mulf %add3A_438, %mul3A_428 : vector<256x128xf32>
    %add3A_440 = arith.constant -85.4515915 : f32
    %add3A_441 = vector.broadcast %add3A_440 : f32 to vector<256x128xf32>
    %add3A_442 = arith.addf %mul3A_439, %add3A_441 : vector<256x128xf32>
    %mul3A_443 = arith.mulf %add3A_442, %mul3A_428 : vector<256x128xf32>
    %add3A_444 = arith.constant 64.939209 : f32
    %add3A_445 = vector.broadcast %add3A_444 : f32 to vector<256x128xf32>
    %add3A_446 = arith.addf %mul3A_443, %add3A_445 : vector<256x128xf32>
    %mul3A_447 = arith.mulf %add3A_446, %mul3A_428 : vector<256x128xf32>
    %add3A_448 = arith.constant -19.7392063 : f32
    %add3A_449 = vector.broadcast %add3A_448 : f32 to vector<256x128xf32>
    %add3A_450 = arith.addf %mul3A_447, %add3A_449 : vector<256x128xf32>
    %mul3A_451 = arith.mulf %add3A_450, %mul3A_428 : vector<256x128xf32>
    %add3A_452 = arith.constant 1.000000e+00 : f32
    %add3A_453 = vector.broadcast %add3A_452 : f32 to vector<256x128xf32>
    %add3A_454 = arith.addf %mul3A_451, %add3A_453 : vector<256x128xf32>
    %get3A_455 = arith.constant 5 : index
    %get3A_456 = arith.constant 0 : index
    %get3A_457 = arith.constant 0 : index
    %get3A_458 = vector.load %arg5[%get3A_455, %get3A_456, %get3A_457] : memref<20x256x128xf32, #tpu.memory_space<vmem>>, vector<1x256x128xf32>
    %get3A_459 = vector.shape_cast %get3A_458 : vector<1x256x128xf32> to vector<256x128xf32>
    %get3A_460 = arith.constant 0 : index
    %get3A_461 = arith.constant 0 : index
    %get3A_462 = vector.load %arg10[%get3A_460, %get3A_461] : memref<272x256xf32, #tpu.memory_space<vmem>>, vector<128x256xf32>
    %dot_general3A_463 = arith.constant dense<0.000000e+00> : vector<256x256xf32>
    %dot_general3A_464 = tpu.matmul %get3A_459, %get3A_462, %dot_general3A_463 {dimension_numbers = #tpu.dot_dimension_numbers<[1], [0], [0], [1], [0, 0, 1, 1], [], []>, transpose_lhs_hint = false} : vector<256x128xf32>, vector<128x256xf32>, vector<256x256xf32> -> vector<256x256xf32>
    %get3A_465 = arith.constant 128 : index
    %get3A_466 = arith.constant 0 : index
    %get3A_467 = vector.load %arg10[%get3A_465, %get3A_466] : memref<272x256xf32, #tpu.memory_space<vmem>>, vector<128x256xf32>
    %dot_general3A_468 = arith.constant dense<0.000000e+00> : vector<256x256xf32>
    %dot_general3A_469 = tpu.matmul %add3A_454, %get3A_467, %dot_general3A_468 {dimension_numbers = #tpu.dot_dimension_numbers<[1], [0], [0], [1], [0, 0, 1, 1], [], []>, transpose_lhs_hint = false} : vector<256x128xf32>, vector<128x256xf32>, vector<256x256xf32> -> vector<256x256xf32>
    %add3A_470 = arith.addf %dot_general3A_464, %dot_general3A_469 : vector<256x256xf32>
    %get3A_471 = arith.constant 5 : index
    %get3A_472 = arith.constant 0 : index
    %get3A_473 = arith.constant 0 : index
    %get3A_474 = vector.load %arg6[%get3A_471, %get3A_472, %get3A_473] : memref<20x256x16xf32, #tpu.memory_space<vmem>>, vector<1x256x16xf32>
    %get3A_475 = vector.shape_cast %get3A_474 : vector<1x256x16xf32> to vector<256x16xf32>
    %get3A_476 = arith.constant 256 : index
    %get3A_477 = arith.constant 0 : index
    %get3A_478 = vector.load %arg10[%get3A_476, %get3A_477] : memref<272x256xf32, #tpu.memory_space<vmem>>, vector<16x256xf32>
    %dot_general3A_479 = arith.constant dense<0.000000e+00> : vector<256x256xf32>
    %dot_general3A_480 = tpu.matmul %get3A_475, %get3A_478, %dot_general3A_479 {dimension_numbers = #tpu.dot_dimension_numbers<[1], [0], [0], [1], [0, 0, 1, 1], [], []>, transpose_lhs_hint = false} : vector<256x16xf32>, vector<16x256xf32>, vector<256x256xf32> -> vector<256x256xf32>
    %add3A_481 = arith.addf %add3A_470, %dot_general3A_480 : vector<256x256xf32>
    %slice3A_482 = vector.extract_strided_slice %add3A_481 {offsets = [0, 0], sizes = [256, 128], strides = [1, 1]} : vector<256x256xf32> to vector<256x128xf32>
    %slice3A_483 = vector.extract_strided_slice %add3A_481 {offsets = [0, 128], sizes = [256, 128], strides = [1, 1]} : vector<256x256xf32> to vector<256x128xf32>
    %slice3A_484 = vector.extract_strided_slice %slice3A_482 {offsets = [0, 0], sizes = [256, 64], strides = [1, 1]} : vector<256x128xf32> to vector<256x64xf32>
    %mul3A_485 = arith.mulf %slice3A, %slice3A_484 : vector<256x64xf32>
    %reduce_sum3A_486 = arith.constant dense<0.000000e+00> : vector<256xf32>
    %reduce_sum3A_487 = vector.multi_reduction <add>, %mul3A_485, %reduce_sum3A_486 [1] : vector<256x64xf32> to vector<256xf32>
    %broadcast_in_dim3A_488 = vector.shape_cast %reduce_sum3A_487 : vector<256xf32> to vector<256x1xf32>
    %slice3A_489 = vector.extract_strided_slice %slice3A_482 {offsets = [0, 64], sizes = [256, 64], strides = [1, 1]} : vector<256x128xf32> to vector<256x64xf32>
    %mul3A_490 = arith.mulf %slice3A_32, %slice3A_489 : vector<256x64xf32>
    %reduce_sum3A_491 = arith.constant dense<0.000000e+00> : vector<256xf32>
    %reduce_sum3A_492 = vector.multi_reduction <add>, %mul3A_490, %reduce_sum3A_491 [1] : vector<256x64xf32> to vector<256xf32>
    %broadcast_in_dim3A_493 = vector.shape_cast %reduce_sum3A_492 : vector<256xf32> to vector<256x1xf32>
    %slice3A_494 = vector.extract_strided_slice %sub3A_24 {offsets = [0, 6], sizes = [256, 1], strides = [1, 1]} : vector<256x20xf32> to vector<256x1xf32>
    %mul3A_495 = vector.broadcast %slice3A_494 : vector<256x1xf32> to vector<256x128xf32>
    %mul3A_496 = vector.broadcast %get3A_4 : vector<1x128xf32> to vector<256x128xf32>
    %mul3A_497 = arith.mulf %mul3A_495, %mul3A_496 : vector<256x128xf32>
    %add3A_498 = vector.broadcast %get3A_7 : vector<1x128xf32> to vector<256x128xf32>
    %add3A_499 = arith.addf %mul3A_497, %add3A_498 : vector<256x128xf32>
    %mul3A_500 = arith.constant 0.159154937 : f32
    %mul3A_501 = vector.broadcast %mul3A_500 : f32 to vector<256x128xf32>
    %mul3A_502 = arith.mulf %add3A_499, %mul3A_501 : vector<256x128xf32>
    %round3A_503 = math.roundeven %mul3A_502 : vector<256x128xf32>
    %sub3A_504 = arith.subf %mul3A_502, %round3A_503 : vector<256x128xf32>
    %mul3A_505 = arith.mulf %sub3A_504, %sub3A_504 : vector<256x128xf32>
    %broadcast_in_dim3A_506 = arith.constant 6.57552814 : f32
    %broadcast_in_dim3A_507 = vector.broadcast %broadcast_in_dim3A_506 : f32 to vector<256x128xf32>
    %mul3A_508 = arith.mulf %broadcast_in_dim3A_507, %mul3A_505 : vector<256x128xf32>
    %add3A_509 = arith.constant -26.0039749 : f32
    %add3A_510 = vector.broadcast %add3A_509 : f32 to vector<256x128xf32>
    %add3A_511 = arith.addf %mul3A_508, %add3A_510 : vector<256x128xf32>
    %mul3A_512 = arith.mulf %add3A_511, %mul3A_505 : vector<256x128xf32>
    %add3A_513 = arith.constant 60.1782913 : f32
    %add3A_514 = vector.broadcast %add3A_513 : f32 to vector<256x128xf32>
    %add3A_515 = arith.addf %mul3A_512, %add3A_514 : vector<256x128xf32>
    %mul3A_516 = arith.mulf %add3A_515, %mul3A_505 : vector<256x128xf32>
    %add3A_517 = arith.constant -85.4515915 : f32
    %add3A_518 = vector.broadcast %add3A_517 : f32 to vector<256x128xf32>
    %add3A_519 = arith.addf %mul3A_516, %add3A_518 : vector<256x128xf32>
    %mul3A_520 = arith.mulf %add3A_519, %mul3A_505 : vector<256x128xf32>
    %add3A_521 = arith.constant 64.939209 : f32
    %add3A_522 = vector.broadcast %add3A_521 : f32 to vector<256x128xf32>
    %add3A_523 = arith.addf %mul3A_520, %add3A_522 : vector<256x128xf32>
    %mul3A_524 = arith.mulf %add3A_523, %mul3A_505 : vector<256x128xf32>
    %add3A_525 = arith.constant -19.7392063 : f32
    %add3A_526 = vector.broadcast %add3A_525 : f32 to vector<256x128xf32>
    %add3A_527 = arith.addf %mul3A_524, %add3A_526 : vector<256x128xf32>
    %mul3A_528 = arith.mulf %add3A_527, %mul3A_505 : vector<256x128xf32>
    %add3A_529 = arith.constant 1.000000e+00 : f32
    %add3A_530 = vector.broadcast %add3A_529 : f32 to vector<256x128xf32>
    %add3A_531 = arith.addf %mul3A_528, %add3A_530 : vector<256x128xf32>
    %get3A_532 = arith.constant 6 : index
    %get3A_533 = arith.constant 0 : index
    %get3A_534 = arith.constant 0 : index
    %get3A_535 = vector.load %arg5[%get3A_532, %get3A_533, %get3A_534] : memref<20x256x128xf32, #tpu.memory_space<vmem>>, vector<1x256x128xf32>
    %get3A_536 = vector.shape_cast %get3A_535 : vector<1x256x128xf32> to vector<256x128xf32>
    %get3A_537 = arith.constant 0 : index
    %get3A_538 = arith.constant 0 : index
    %get3A_539 = vector.load %arg10[%get3A_537, %get3A_538] : memref<272x256xf32, #tpu.memory_space<vmem>>, vector<128x256xf32>
    %dot_general3A_540 = arith.constant dense<0.000000e+00> : vector<256x256xf32>
    %dot_general3A_541 = tpu.matmul %get3A_536, %get3A_539, %dot_general3A_540 {dimension_numbers = #tpu.dot_dimension_numbers<[1], [0], [0], [1], [0, 0, 1, 1], [], []>, transpose_lhs_hint = false} : vector<256x128xf32>, vector<128x256xf32>, vector<256x256xf32> -> vector<256x256xf32>
    %get3A_542 = arith.constant 128 : index
    %get3A_543 = arith.constant 0 : index
    %get3A_544 = vector.load %arg10[%get3A_542, %get3A_543] : memref<272x256xf32, #tpu.memory_space<vmem>>, vector<128x256xf32>
    %dot_general3A_545 = arith.constant dense<0.000000e+00> : vector<256x256xf32>
    %dot_general3A_546 = tpu.matmul %add3A_531, %get3A_544, %dot_general3A_545 {dimension_numbers = #tpu.dot_dimension_numbers<[1], [0], [0], [1], [0, 0, 1, 1], [], []>, transpose_lhs_hint = false} : vector<256x128xf32>, vector<128x256xf32>, vector<256x256xf32> -> vector<256x256xf32>
    %add3A_547 = arith.addf %dot_general3A_541, %dot_general3A_546 : vector<256x256xf32>
    %get3A_548 = arith.constant 6 : index
    %get3A_549 = arith.constant 0 : index
    %get3A_550 = arith.constant 0 : index
    %get3A_551 = vector.load %arg6[%get3A_548, %get3A_549, %get3A_550] : memref<20x256x16xf32, #tpu.memory_space<vmem>>, vector<1x256x16xf32>
    %get3A_552 = vector.shape_cast %get3A_551 : vector<1x256x16xf32> to vector<256x16xf32>
    %get3A_553 = arith.constant 256 : index
    %get3A_554 = arith.constant 0 : index
    %get3A_555 = vector.load %arg10[%get3A_553, %get3A_554] : memref<272x256xf32, #tpu.memory_space<vmem>>, vector<16x256xf32>
    %dot_general3A_556 = arith.constant dense<0.000000e+00> : vector<256x256xf32>
    %dot_general3A_557 = tpu.matmul %get3A_552, %get3A_555, %dot_general3A_556 {dimension_numbers = #tpu.dot_dimension_numbers<[1], [0], [0], [1], [0, 0, 1, 1], [], []>, transpose_lhs_hint = false} : vector<256x16xf32>, vector<16x256xf32>, vector<256x256xf32> -> vector<256x256xf32>
    %add3A_558 = arith.addf %add3A_547, %dot_general3A_557 : vector<256x256xf32>
    %slice3A_559 = vector.extract_strided_slice %add3A_558 {offsets = [0, 0], sizes = [256, 128], strides = [1, 1]} : vector<256x256xf32> to vector<256x128xf32>
    %slice3A_560 = vector.extract_strided_slice %add3A_558 {offsets = [0, 128], sizes = [256, 128], strides = [1, 1]} : vector<256x256xf32> to vector<256x128xf32>
    %slice3A_561 = vector.extract_strided_slice %slice3A_559 {offsets = [0, 0], sizes = [256, 64], strides = [1, 1]} : vector<256x128xf32> to vector<256x64xf32>
    %mul3A_562 = arith.mulf %slice3A, %slice3A_561 : vector<256x64xf32>
    %reduce_sum3A_563 = arith.constant dense<0.000000e+00> : vector<256xf32>
    %reduce_sum3A_564 = vector.multi_reduction <add>, %mul3A_562, %reduce_sum3A_563 [1] : vector<256x64xf32> to vector<256xf32>
    %broadcast_in_dim3A_565 = vector.shape_cast %reduce_sum3A_564 : vector<256xf32> to vector<256x1xf32>
    %slice3A_566 = vector.extract_strided_slice %slice3A_559 {offsets = [0, 64], sizes = [256, 64], strides = [1, 1]} : vector<256x128xf32> to vector<256x64xf32>
    %mul3A_567 = arith.mulf %slice3A_32, %slice3A_566 : vector<256x64xf32>
    %reduce_sum3A_568 = arith.constant dense<0.000000e+00> : vector<256xf32>
    %reduce_sum3A_569 = vector.multi_reduction <add>, %mul3A_567, %reduce_sum3A_568 [1] : vector<256x64xf32> to vector<256xf32>
    %broadcast_in_dim3A_570 = vector.shape_cast %reduce_sum3A_569 : vector<256xf32> to vector<256x1xf32>
    %slice3A_571 = vector.extract_strided_slice %sub3A_24 {offsets = [0, 7], sizes = [256, 1], strides = [1, 1]} : vector<256x20xf32> to vector<256x1xf32>
    %mul3A_572 = vector.broadcast %slice3A_571 : vector<256x1xf32> to vector<256x128xf32>
    %mul3A_573 = vector.broadcast %get3A_4 : vector<1x128xf32> to vector<256x128xf32>
    %mul3A_574 = arith.mulf %mul3A_572, %mul3A_573 : vector<256x128xf32>
    %add3A_575 = vector.broadcast %get3A_7 : vector<1x128xf32> to vector<256x128xf32>
    %add3A_576 = arith.addf %mul3A_574, %add3A_575 : vector<256x128xf32>
    %mul3A_577 = arith.constant 0.159154937 : f32
    %mul3A_578 = vector.broadcast %mul3A_577 : f32 to vector<256x128xf32>
    %mul3A_579 = arith.mulf %add3A_576, %mul3A_578 : vector<256x128xf32>
    %round3A_580 = math.roundeven %mul3A_579 : vector<256x128xf32>
    %sub3A_581 = arith.subf %mul3A_579, %round3A_580 : vector<256x128xf32>
    %mul3A_582 = arith.mulf %sub3A_581, %sub3A_581 : vector<256x128xf32>
    %broadcast_in_dim3A_583 = arith.constant 6.57552814 : f32
    %broadcast_in_dim3A_584 = vector.broadcast %broadcast_in_dim3A_583 : f32 to vector<256x128xf32>
    %mul3A_585 = arith.mulf %broadcast_in_dim3A_584, %mul3A_582 : vector<256x128xf32>
    %add3A_586 = arith.constant -26.0039749 : f32
    %add3A_587 = vector.broadcast %add3A_586 : f32 to vector<256x128xf32>
    %add3A_588 = arith.addf %mul3A_585, %add3A_587 : vector<256x128xf32>
    %mul3A_589 = arith.mulf %add3A_588, %mul3A_582 : vector<256x128xf32>
    %add3A_590 = arith.constant 60.1782913 : f32
    %add3A_591 = vector.broadcast %add3A_590 : f32 to vector<256x128xf32>
    %add3A_592 = arith.addf %mul3A_589, %add3A_591 : vector<256x128xf32>
    %mul3A_593 = arith.mulf %add3A_592, %mul3A_582 : vector<256x128xf32>
    %add3A_594 = arith.constant -85.4515915 : f32
    %add3A_595 = vector.broadcast %add3A_594 : f32 to vector<256x128xf32>
    %add3A_596 = arith.addf %mul3A_593, %add3A_595 : vector<256x128xf32>
    %mul3A_597 = arith.mulf %add3A_596, %mul3A_582 : vector<256x128xf32>
    %add3A_598 = arith.constant 64.939209 : f32
    %add3A_599 = vector.broadcast %add3A_598 : f32 to vector<256x128xf32>
    %add3A_600 = arith.addf %mul3A_597, %add3A_599 : vector<256x128xf32>
    %mul3A_601 = arith.mulf %add3A_600, %mul3A_582 : vector<256x128xf32>
    %add3A_602 = arith.constant -19.7392063 : f32
    %add3A_603 = vector.broadcast %add3A_602 : f32 to vector<256x128xf32>
    %add3A_604 = arith.addf %mul3A_601, %add3A_603 : vector<256x128xf32>
    %mul3A_605 = arith.mulf %add3A_604, %mul3A_582 : vector<256x128xf32>
    %add3A_606 = arith.constant 1.000000e+00 : f32
    %add3A_607 = vector.broadcast %add3A_606 : f32 to vector<256x128xf32>
    %add3A_608 = arith.addf %mul3A_605, %add3A_607 : vector<256x128xf32>
    %get3A_609 = arith.constant 7 : index
    %get3A_610 = arith.constant 0 : index
    %get3A_611 = arith.constant 0 : index
    %get3A_612 = vector.load %arg5[%get3A_609, %get3A_610, %get3A_611] : memref<20x256x128xf32, #tpu.memory_space<vmem>>, vector<1x256x128xf32>
    %get3A_613 = vector.shape_cast %get3A_612 : vector<1x256x128xf32> to vector<256x128xf32>
    %get3A_614 = arith.constant 0 : index
    %get3A_615 = arith.constant 0 : index
    %get3A_616 = vector.load %arg10[%get3A_614, %get3A_615] : memref<272x256xf32, #tpu.memory_space<vmem>>, vector<128x256xf32>
    %dot_general3A_617 = arith.constant dense<0.000000e+00> : vector<256x256xf32>
    %dot_general3A_618 = tpu.matmul %get3A_613, %get3A_616, %dot_general3A_617 {dimension_numbers = #tpu.dot_dimension_numbers<[1], [0], [0], [1], [0, 0, 1, 1], [], []>, transpose_lhs_hint = false} : vector<256x128xf32>, vector<128x256xf32>, vector<256x256xf32> -> vector<256x256xf32>
    %get3A_619 = arith.constant 128 : index
    %get3A_620 = arith.constant 0 : index
    %get3A_621 = vector.load %arg10[%get3A_619, %get3A_620] : memref<272x256xf32, #tpu.memory_space<vmem>>, vector<128x256xf32>
    %dot_general3A_622 = arith.constant dense<0.000000e+00> : vector<256x256xf32>
    %dot_general3A_623 = tpu.matmul %add3A_608, %get3A_621, %dot_general3A_622 {dimension_numbers = #tpu.dot_dimension_numbers<[1], [0], [0], [1], [0, 0, 1, 1], [], []>, transpose_lhs_hint = false} : vector<256x128xf32>, vector<128x256xf32>, vector<256x256xf32> -> vector<256x256xf32>
    %add3A_624 = arith.addf %dot_general3A_618, %dot_general3A_623 : vector<256x256xf32>
    %get3A_625 = arith.constant 7 : index
    %get3A_626 = arith.constant 0 : index
    %get3A_627 = arith.constant 0 : index
    %get3A_628 = vector.load %arg6[%get3A_625, %get3A_626, %get3A_627] : memref<20x256x16xf32, #tpu.memory_space<vmem>>, vector<1x256x16xf32>
    %get3A_629 = vector.shape_cast %get3A_628 : vector<1x256x16xf32> to vector<256x16xf32>
    %get3A_630 = arith.constant 256 : index
    %get3A_631 = arith.constant 0 : index
    %get3A_632 = vector.load %arg10[%get3A_630, %get3A_631] : memref<272x256xf32, #tpu.memory_space<vmem>>, vector<16x256xf32>
    %dot_general3A_633 = arith.constant dense<0.000000e+00> : vector<256x256xf32>
    %dot_general3A_634 = tpu.matmul %get3A_629, %get3A_632, %dot_general3A_633 {dimension_numbers = #tpu.dot_dimension_numbers<[1], [0], [0], [1], [0, 0, 1, 1], [], []>, transpose_lhs_hint = false} : vector<256x16xf32>, vector<16x256xf32>, vector<256x256xf32> -> vector<256x256xf32>
    %add3A_635 = arith.addf %add3A_624, %dot_general3A_634 : vector<256x256xf32>
    %slice3A_636 = vector.extract_strided_slice %add3A_635 {offsets = [0, 0], sizes = [256, 128], strides = [1, 1]} : vector<256x256xf32> to vector<256x128xf32>
    %slice3A_637 = vector.extract_strided_slice %add3A_635 {offsets = [0, 128], sizes = [256, 128], strides = [1, 1]} : vector<256x256xf32> to vector<256x128xf32>
    %slice3A_638 = vector.extract_strided_slice %slice3A_636 {offsets = [0, 0], sizes = [256, 64], strides = [1, 1]} : vector<256x128xf32> to vector<256x64xf32>
    %mul3A_639 = arith.mulf %slice3A, %slice3A_638 : vector<256x64xf32>
    %reduce_sum3A_640 = arith.constant dense<0.000000e+00> : vector<256xf32>
    %reduce_sum3A_641 = vector.multi_reduction <add>, %mul3A_639, %reduce_sum3A_640 [1] : vector<256x64xf32> to vector<256xf32>
    %broadcast_in_dim3A_642 = vector.shape_cast %reduce_sum3A_641 : vector<256xf32> to vector<256x1xf32>
    %slice3A_643 = vector.extract_strided_slice %slice3A_636 {offsets = [0, 64], sizes = [256, 64], strides = [1, 1]} : vector<256x128xf32> to vector<256x64xf32>
    %mul3A_644 = arith.mulf %slice3A_32, %slice3A_643 : vector<256x64xf32>
    %reduce_sum3A_645 = arith.constant dense<0.000000e+00> : vector<256xf32>
    %reduce_sum3A_646 = vector.multi_reduction <add>, %mul3A_644, %reduce_sum3A_645 [1] : vector<256x64xf32> to vector<256xf32>
    %broadcast_in_dim3A_647 = vector.shape_cast %reduce_sum3A_646 : vector<256xf32> to vector<256x1xf32>
    %slice3A_648 = vector.extract_strided_slice %sub3A_24 {offsets = [0, 8], sizes = [256, 1], strides = [1, 1]} : vector<256x20xf32> to vector<256x1xf32>
    %mul3A_649 = vector.broadcast %slice3A_648 : vector<256x1xf32> to vector<256x128xf32>
    %mul3A_650 = vector.broadcast %get3A_4 : vector<1x128xf32> to vector<256x128xf32>
    %mul3A_651 = arith.mulf %mul3A_649, %mul3A_650 : vector<256x128xf32>
    %add3A_652 = vector.broadcast %get3A_7 : vector<1x128xf32> to vector<256x128xf32>
    %add3A_653 = arith.addf %mul3A_651, %add3A_652 : vector<256x128xf32>
    %mul3A_654 = arith.constant 0.159154937 : f32
    %mul3A_655 = vector.broadcast %mul3A_654 : f32 to vector<256x128xf32>
    %mul3A_656 = arith.mulf %add3A_653, %mul3A_655 : vector<256x128xf32>
    %round3A_657 = math.roundeven %mul3A_656 : vector<256x128xf32>
    %sub3A_658 = arith.subf %mul3A_656, %round3A_657 : vector<256x128xf32>
    %mul3A_659 = arith.mulf %sub3A_658, %sub3A_658 : vector<256x128xf32>
    %broadcast_in_dim3A_660 = arith.constant 6.57552814 : f32
    %broadcast_in_dim3A_661 = vector.broadcast %broadcast_in_dim3A_660 : f32 to vector<256x128xf32>
    %mul3A_662 = arith.mulf %broadcast_in_dim3A_661, %mul3A_659 : vector<256x128xf32>
    %add3A_663 = arith.constant -26.0039749 : f32
    %add3A_664 = vector.broadcast %add3A_663 : f32 to vector<256x128xf32>
    %add3A_665 = arith.addf %mul3A_662, %add3A_664 : vector<256x128xf32>
    %mul3A_666 = arith.mulf %add3A_665, %mul3A_659 : vector<256x128xf32>
    %add3A_667 = arith.constant 60.1782913 : f32
    %add3A_668 = vector.broadcast %add3A_667 : f32 to vector<256x128xf32>
    %add3A_669 = arith.addf %mul3A_666, %add3A_668 : vector<256x128xf32>
    %mul3A_670 = arith.mulf %add3A_669, %mul3A_659 : vector<256x128xf32>
    %add3A_671 = arith.constant -85.4515915 : f32
    %add3A_672 = vector.broadcast %add3A_671 : f32 to vector<256x128xf32>
    %add3A_673 = arith.addf %mul3A_670, %add3A_672 : vector<256x128xf32>
    %mul3A_674 = arith.mulf %add3A_673, %mul3A_659 : vector<256x128xf32>
    %add3A_675 = arith.constant 64.939209 : f32
    %add3A_676 = vector.broadcast %add3A_675 : f32 to vector<256x128xf32>
    %add3A_677 = arith.addf %mul3A_674, %add3A_676 : vector<256x128xf32>
    %mul3A_678 = arith.mulf %add3A_677, %mul3A_659 : vector<256x128xf32>
    %add3A_679 = arith.constant -19.7392063 : f32
    %add3A_680 = vector.broadcast %add3A_679 : f32 to vector<256x128xf32>
    %add3A_681 = arith.addf %mul3A_678, %add3A_680 : vector<256x128xf32>
    %mul3A_682 = arith.mulf %add3A_681, %mul3A_659 : vector<256x128xf32>
    %add3A_683 = arith.constant 1.000000e+00 : f32
    %add3A_684 = vector.broadcast %add3A_683 : f32 to vector<256x128xf32>
    %add3A_685 = arith.addf %mul3A_682, %add3A_684 : vector<256x128xf32>
    %get3A_686 = arith.constant 8 : index
    %get3A_687 = arith.constant 0 : index
    %get3A_688 = arith.constant 0 : index
    %get3A_689 = vector.load %arg5[%get3A_686, %get3A_687, %get3A_688] : memref<20x256x128xf32, #tpu.memory_space<vmem>>, vector<1x256x128xf32>
    %get3A_690 = vector.shape_cast %get3A_689 : vector<1x256x128xf32> to vector<256x128xf32>
    %get3A_691 = arith.constant 0 : index
    %get3A_692 = arith.constant 0 : index
    %get3A_693 = vector.load %arg10[%get3A_691, %get3A_692] : memref<272x256xf32, #tpu.memory_space<vmem>>, vector<128x256xf32>
    %dot_general3A_694 = arith.constant dense<0.000000e+00> : vector<256x256xf32>
    %dot_general3A_695 = tpu.matmul %get3A_690, %get3A_693, %dot_general3A_694 {dimension_numbers = #tpu.dot_dimension_numbers<[1], [0], [0], [1], [0, 0, 1, 1], [], []>, transpose_lhs_hint = false} : vector<256x128xf32>, vector<128x256xf32>, vector<256x256xf32> -> vector<256x256xf32>
    %get3A_696 = arith.constant 128 : index
    %get3A_697 = arith.constant 0 : index
    %get3A_698 = vector.load %arg10[%get3A_696, %get3A_697] : memref<272x256xf32, #tpu.memory_space<vmem>>, vector<128x256xf32>
    %dot_general3A_699 = arith.constant dense<0.000000e+00> : vector<256x256xf32>
    %dot_general3A_700 = tpu.matmul %add3A_685, %get3A_698, %dot_general3A_699 {dimension_numbers = #tpu.dot_dimension_numbers<[1], [0], [0], [1], [0, 0, 1, 1], [], []>, transpose_lhs_hint = false} : vector<256x128xf32>, vector<128x256xf32>, vector<256x256xf32> -> vector<256x256xf32>
    %add3A_701 = arith.addf %dot_general3A_695, %dot_general3A_700 : vector<256x256xf32>
    %get3A_702 = arith.constant 8 : index
    %get3A_703 = arith.constant 0 : index
    %get3A_704 = arith.constant 0 : index
    %get3A_705 = vector.load %arg6[%get3A_702, %get3A_703, %get3A_704] : memref<20x256x16xf32, #tpu.memory_space<vmem>>, vector<1x256x16xf32>
    %get3A_706 = vector.shape_cast %get3A_705 : vector<1x256x16xf32> to vector<256x16xf32>
    %get3A_707 = arith.constant 256 : index
    %get3A_708 = arith.constant 0 : index
    %get3A_709 = vector.load %arg10[%get3A_707, %get3A_708] : memref<272x256xf32, #tpu.memory_space<vmem>>, vector<16x256xf32>
    %dot_general3A_710 = arith.constant dense<0.000000e+00> : vector<256x256xf32>
    %dot_general3A_711 = tpu.matmul %get3A_706, %get3A_709, %dot_general3A_710 {dimension_numbers = #tpu.dot_dimension_numbers<[1], [0], [0], [1], [0, 0, 1, 1], [], []>, transpose_lhs_hint = false} : vector<256x16xf32>, vector<16x256xf32>, vector<256x256xf32> -> vector<256x256xf32>
    %add3A_712 = arith.addf %add3A_701, %dot_general3A_711 : vector<256x256xf32>
    %slice3A_713 = vector.extract_strided_slice %add3A_712 {offsets = [0, 0], sizes = [256, 128], strides = [1, 1]} : vector<256x256xf32> to vector<256x128xf32>
    %slice3A_714 = vector.extract_strided_slice %add3A_712 {offsets = [0, 128], sizes = [256, 128], strides = [1, 1]} : vector<256x256xf32> to vector<256x128xf32>
    %slice3A_715 = vector.extract_strided_slice %slice3A_713 {offsets = [0, 0], sizes = [256, 64], strides = [1, 1]} : vector<256x128xf32> to vector<256x64xf32>
    %mul3A_716 = arith.mulf %slice3A, %slice3A_715 : vector<256x64xf32>
    %reduce_sum3A_717 = arith.constant dense<0.000000e+00> : vector<256xf32>
    %reduce_sum3A_718 = vector.multi_reduction <add>, %mul3A_716, %reduce_sum3A_717 [1] : vector<256x64xf32> to vector<256xf32>
    %broadcast_in_dim3A_719 = vector.shape_cast %reduce_sum3A_718 : vector<256xf32> to vector<256x1xf32>
    %slice3A_720 = vector.extract_strided_slice %slice3A_713 {offsets = [0, 64], sizes = [256, 64], strides = [1, 1]} : vector<256x128xf32> to vector<256x64xf32>
    %mul3A_721 = arith.mulf %slice3A_32, %slice3A_720 : vector<256x64xf32>
    %reduce_sum3A_722 = arith.constant dense<0.000000e+00> : vector<256xf32>
    %reduce_sum3A_723 = vector.multi_reduction <add>, %mul3A_721, %reduce_sum3A_722 [1] : vector<256x64xf32> to vector<256xf32>
    %broadcast_in_dim3A_724 = vector.shape_cast %reduce_sum3A_723 : vector<256xf32> to vector<256x1xf32>
    %slice3A_725 = vector.extract_strided_slice %sub3A_24 {offsets = [0, 9], sizes = [256, 1], strides = [1, 1]} : vector<256x20xf32> to vector<256x1xf32>
    %mul3A_726 = vector.broadcast %slice3A_725 : vector<256x1xf32> to vector<256x128xf32>
    %mul3A_727 = vector.broadcast %get3A_4 : vector<1x128xf32> to vector<256x128xf32>
    %mul3A_728 = arith.mulf %mul3A_726, %mul3A_727 : vector<256x128xf32>
    %add3A_729 = vector.broadcast %get3A_7 : vector<1x128xf32> to vector<256x128xf32>
    %add3A_730 = arith.addf %mul3A_728, %add3A_729 : vector<256x128xf32>
    %mul3A_731 = arith.constant 0.159154937 : f32
    %mul3A_732 = vector.broadcast %mul3A_731 : f32 to vector<256x128xf32>
    %mul3A_733 = arith.mulf %add3A_730, %mul3A_732 : vector<256x128xf32>
    %round3A_734 = math.roundeven %mul3A_733 : vector<256x128xf32>
    %sub3A_735 = arith.subf %mul3A_733, %round3A_734 : vector<256x128xf32>
    %mul3A_736 = arith.mulf %sub3A_735, %sub3A_735 : vector<256x128xf32>
    %broadcast_in_dim3A_737 = arith.constant 6.57552814 : f32
    %broadcast_in_dim3A_738 = vector.broadcast %broadcast_in_dim3A_737 : f32 to vector<256x128xf32>
    %mul3A_739 = arith.mulf %broadcast_in_dim3A_738, %mul3A_736 : vector<256x128xf32>
    %add3A_740 = arith.constant -26.0039749 : f32
    %add3A_741 = vector.broadcast %add3A_740 : f32 to vector<256x128xf32>
    %add3A_742 = arith.addf %mul3A_739, %add3A_741 : vector<256x128xf32>
    %mul3A_743 = arith.mulf %add3A_742, %mul3A_736 : vector<256x128xf32>
    %add3A_744 = arith.constant 60.1782913 : f32
    %add3A_745 = vector.broadcast %add3A_744 : f32 to vector<256x128xf32>
    %add3A_746 = arith.addf %mul3A_743, %add3A_745 : vector<256x128xf32>
    %mul3A_747 = arith.mulf %add3A_746, %mul3A_736 : vector<256x128xf32>
    %add3A_748 = arith.constant -85.4515915 : f32
    %add3A_749 = vector.broadcast %add3A_748 : f32 to vector<256x128xf32>
    %add3A_750 = arith.addf %mul3A_747, %add3A_749 : vector<256x128xf32>
    %mul3A_751 = arith.mulf %add3A_750, %mul3A_736 : vector<256x128xf32>
    %add3A_752 = arith.constant 64.939209 : f32
    %add3A_753 = vector.broadcast %add3A_752 : f32 to vector<256x128xf32>
    %add3A_754 = arith.addf %mul3A_751, %add3A_753 : vector<256x128xf32>
    %mul3A_755 = arith.mulf %add3A_754, %mul3A_736 : vector<256x128xf32>
    %add3A_756 = arith.constant -19.7392063 : f32
    %add3A_757 = vector.broadcast %add3A_756 : f32 to vector<256x128xf32>
    %add3A_758 = arith.addf %mul3A_755, %add3A_757 : vector<256x128xf32>
    %mul3A_759 = arith.mulf %add3A_758, %mul3A_736 : vector<256x128xf32>
    %add3A_760 = arith.constant 1.000000e+00 : f32
    %add3A_761 = vector.broadcast %add3A_760 : f32 to vector<256x128xf32>
    %add3A_762 = arith.addf %mul3A_759, %add3A_761 : vector<256x128xf32>
    %get3A_763 = arith.constant 9 : index
    %get3A_764 = arith.constant 0 : index
    %get3A_765 = arith.constant 0 : index
    %get3A_766 = vector.load %arg5[%get3A_763, %get3A_764, %get3A_765] : memref<20x256x128xf32, #tpu.memory_space<vmem>>, vector<1x256x128xf32>
    %get3A_767 = vector.shape_cast %get3A_766 : vector<1x256x128xf32> to vector<256x128xf32>
    %get3A_768 = arith.constant 0 : index
    %get3A_769 = arith.constant 0 : index
    %get3A_770 = vector.load %arg10[%get3A_768, %get3A_769] : memref<272x256xf32, #tpu.memory_space<vmem>>, vector<128x256xf32>
    %dot_general3A_771 = arith.constant dense<0.000000e+00> : vector<256x256xf32>
    %dot_general3A_772 = tpu.matmul %get3A_767, %get3A_770, %dot_general3A_771 {dimension_numbers = #tpu.dot_dimension_numbers<[1], [0], [0], [1], [0, 0, 1, 1], [], []>, transpose_lhs_hint = false} : vector<256x128xf32>, vector<128x256xf32>, vector<256x256xf32> -> vector<256x256xf32>
    %get3A_773 = arith.constant 128 : index
    %get3A_774 = arith.constant 0 : index
    %get3A_775 = vector.load %arg10[%get3A_773, %get3A_774] : memref<272x256xf32, #tpu.memory_space<vmem>>, vector<128x256xf32>
    %dot_general3A_776 = arith.constant dense<0.000000e+00> : vector<256x256xf32>
    %dot_general3A_777 = tpu.matmul %add3A_762, %get3A_775, %dot_general3A_776 {dimension_numbers = #tpu.dot_dimension_numbers<[1], [0], [0], [1], [0, 0, 1, 1], [], []>, transpose_lhs_hint = false} : vector<256x128xf32>, vector<128x256xf32>, vector<256x256xf32> -> vector<256x256xf32>
    %add3A_778 = arith.addf %dot_general3A_772, %dot_general3A_777 : vector<256x256xf32>
    %get3A_779 = arith.constant 9 : index
    %get3A_780 = arith.constant 0 : index
    %get3A_781 = arith.constant 0 : index
    %get3A_782 = vector.load %arg6[%get3A_779, %get3A_780, %get3A_781] : memref<20x256x16xf32, #tpu.memory_space<vmem>>, vector<1x256x16xf32>
    %get3A_783 = vector.shape_cast %get3A_782 : vector<1x256x16xf32> to vector<256x16xf32>
    %get3A_784 = arith.constant 256 : index
    %get3A_785 = arith.constant 0 : index
    %get3A_786 = vector.load %arg10[%get3A_784, %get3A_785] : memref<272x256xf32, #tpu.memory_space<vmem>>, vector<16x256xf32>
    %dot_general3A_787 = arith.constant dense<0.000000e+00> : vector<256x256xf32>
    %dot_general3A_788 = tpu.matmul %get3A_783, %get3A_786, %dot_general3A_787 {dimension_numbers = #tpu.dot_dimension_numbers<[1], [0], [0], [1], [0, 0, 1, 1], [], []>, transpose_lhs_hint = false} : vector<256x16xf32>, vector<16x256xf32>, vector<256x256xf32> -> vector<256x256xf32>
    %add3A_789 = arith.addf %add3A_778, %dot_general3A_788 : vector<256x256xf32>
    %slice3A_790 = vector.extract_strided_slice %add3A_789 {offsets = [0, 0], sizes = [256, 128], strides = [1, 1]} : vector<256x256xf32> to vector<256x128xf32>
    %slice3A_791 = vector.extract_strided_slice %add3A_789 {offsets = [0, 128], sizes = [256, 128], strides = [1, 1]} : vector<256x256xf32> to vector<256x128xf32>
    %slice3A_792 = vector.extract_strided_slice %slice3A_790 {offsets = [0, 0], sizes = [256, 64], strides = [1, 1]} : vector<256x128xf32> to vector<256x64xf32>
    %mul3A_793 = arith.mulf %slice3A, %slice3A_792 : vector<256x64xf32>
    %reduce_sum3A_794 = arith.constant dense<0.000000e+00> : vector<256xf32>
    %reduce_sum3A_795 = vector.multi_reduction <add>, %mul3A_793, %reduce_sum3A_794 [1] : vector<256x64xf32> to vector<256xf32>
    %broadcast_in_dim3A_796 = vector.shape_cast %reduce_sum3A_795 : vector<256xf32> to vector<256x1xf32>
    %slice3A_797 = vector.extract_strided_slice %slice3A_790 {offsets = [0, 64], sizes = [256, 64], strides = [1, 1]} : vector<256x128xf32> to vector<256x64xf32>
    %mul3A_798 = arith.mulf %slice3A_32, %slice3A_797 : vector<256x64xf32>
    %reduce_sum3A_799 = arith.constant dense<0.000000e+00> : vector<256xf32>
    %reduce_sum3A_800 = vector.multi_reduction <add>, %mul3A_798, %reduce_sum3A_799 [1] : vector<256x64xf32> to vector<256xf32>
    %broadcast_in_dim3A_801 = vector.shape_cast %reduce_sum3A_800 : vector<256xf32> to vector<256x1xf32>
    %slice3A_802 = vector.extract_strided_slice %sub3A_24 {offsets = [0, 10], sizes = [256, 1], strides = [1, 1]} : vector<256x20xf32> to vector<256x1xf32>
    %mul3A_803 = vector.broadcast %slice3A_802 : vector<256x1xf32> to vector<256x128xf32>
    %mul3A_804 = vector.broadcast %get3A_4 : vector<1x128xf32> to vector<256x128xf32>
    %mul3A_805 = arith.mulf %mul3A_803, %mul3A_804 : vector<256x128xf32>
    %add3A_806 = vector.broadcast %get3A_7 : vector<1x128xf32> to vector<256x128xf32>
    %add3A_807 = arith.addf %mul3A_805, %add3A_806 : vector<256x128xf32>
    %mul3A_808 = arith.constant 0.159154937 : f32
    %mul3A_809 = vector.broadcast %mul3A_808 : f32 to vector<256x128xf32>
    %mul3A_810 = arith.mulf %add3A_807, %mul3A_809 : vector<256x128xf32>
    %round3A_811 = math.roundeven %mul3A_810 : vector<256x128xf32>
    %sub3A_812 = arith.subf %mul3A_810, %round3A_811 : vector<256x128xf32>
    %mul3A_813 = arith.mulf %sub3A_812, %sub3A_812 : vector<256x128xf32>
    %broadcast_in_dim3A_814 = arith.constant 6.57552814 : f32
    %broadcast_in_dim3A_815 = vector.broadcast %broadcast_in_dim3A_814 : f32 to vector<256x128xf32>
    %mul3A_816 = arith.mulf %broadcast_in_dim3A_815, %mul3A_813 : vector<256x128xf32>
    %add3A_817 = arith.constant -26.0039749 : f32
    %add3A_818 = vector.broadcast %add3A_817 : f32 to vector<256x128xf32>
    %add3A_819 = arith.addf %mul3A_816, %add3A_818 : vector<256x128xf32>
    %mul3A_820 = arith.mulf %add3A_819, %mul3A_813 : vector<256x128xf32>
    %add3A_821 = arith.constant 60.1782913 : f32
    %add3A_822 = vector.broadcast %add3A_821 : f32 to vector<256x128xf32>
    %add3A_823 = arith.addf %mul3A_820, %add3A_822 : vector<256x128xf32>
    %mul3A_824 = arith.mulf %add3A_823, %mul3A_813 : vector<256x128xf32>
    %add3A_825 = arith.constant -85.4515915 : f32
    %add3A_826 = vector.broadcast %add3A_825 : f32 to vector<256x128xf32>
    %add3A_827 = arith.addf %mul3A_824, %add3A_826 : vector<256x128xf32>
    %mul3A_828 = arith.mulf %add3A_827, %mul3A_813 : vector<256x128xf32>
    %add3A_829 = arith.constant 64.939209 : f32
    %add3A_830 = vector.broadcast %add3A_829 : f32 to vector<256x128xf32>
    %add3A_831 = arith.addf %mul3A_828, %add3A_830 : vector<256x128xf32>
    %mul3A_832 = arith.mulf %add3A_831, %mul3A_813 : vector<256x128xf32>
    %add3A_833 = arith.constant -19.7392063 : f32
    %add3A_834 = vector.broadcast %add3A_833 : f32 to vector<256x128xf32>
    %add3A_835 = arith.addf %mul3A_832, %add3A_834 : vector<256x128xf32>
    %mul3A_836 = arith.mulf %add3A_835, %mul3A_813 : vector<256x128xf32>
    %add3A_837 = arith.constant 1.000000e+00 : f32
    %add3A_838 = vector.broadcast %add3A_837 : f32 to vector<256x128xf32>
    %add3A_839 = arith.addf %mul3A_836, %add3A_838 : vector<256x128xf32>
    %get3A_840 = arith.constant 10 : index
    %get3A_841 = arith.constant 0 : index
    %get3A_842 = arith.constant 0 : index
    %get3A_843 = vector.load %arg5[%get3A_840, %get3A_841, %get3A_842] : memref<20x256x128xf32, #tpu.memory_space<vmem>>, vector<1x256x128xf32>
    %get3A_844 = vector.shape_cast %get3A_843 : vector<1x256x128xf32> to vector<256x128xf32>
    %get3A_845 = arith.constant 0 : index
    %get3A_846 = arith.constant 0 : index
    %get3A_847 = vector.load %arg10[%get3A_845, %get3A_846] : memref<272x256xf32, #tpu.memory_space<vmem>>, vector<128x256xf32>
    %dot_general3A_848 = arith.constant dense<0.000000e+00> : vector<256x256xf32>
    %dot_general3A_849 = tpu.matmul %get3A_844, %get3A_847, %dot_general3A_848 {dimension_numbers = #tpu.dot_dimension_numbers<[1], [0], [0], [1], [0, 0, 1, 1], [], []>, transpose_lhs_hint = false} : vector<256x128xf32>, vector<128x256xf32>, vector<256x256xf32> -> vector<256x256xf32>
    %get3A_850 = arith.constant 128 : index
    %get3A_851 = arith.constant 0 : index
    %get3A_852 = vector.load %arg10[%get3A_850, %get3A_851] : memref<272x256xf32, #tpu.memory_space<vmem>>, vector<128x256xf32>
    %dot_general3A_853 = arith.constant dense<0.000000e+00> : vector<256x256xf32>
    %dot_general3A_854 = tpu.matmul %add3A_839, %get3A_852, %dot_general3A_853 {dimension_numbers = #tpu.dot_dimension_numbers<[1], [0], [0], [1], [0, 0, 1, 1], [], []>, transpose_lhs_hint = false} : vector<256x128xf32>, vector<128x256xf32>, vector<256x256xf32> -> vector<256x256xf32>
    %add3A_855 = arith.addf %dot_general3A_849, %dot_general3A_854 : vector<256x256xf32>
    %get3A_856 = arith.constant 10 : index
    %get3A_857 = arith.constant 0 : index
    %get3A_858 = arith.constant 0 : index
    %get3A_859 = vector.load %arg6[%get3A_856, %get3A_857, %get3A_858] : memref<20x256x16xf32, #tpu.memory_space<vmem>>, vector<1x256x16xf32>
    %get3A_860 = vector.shape_cast %get3A_859 : vector<1x256x16xf32> to vector<256x16xf32>
    %get3A_861 = arith.constant 256 : index
    %get3A_862 = arith.constant 0 : index
    %get3A_863 = vector.load %arg10[%get3A_861, %get3A_862] : memref<272x256xf32, #tpu.memory_space<vmem>>, vector<16x256xf32>
    %dot_general3A_864 = arith.constant dense<0.000000e+00> : vector<256x256xf32>
    %dot_general3A_865 = tpu.matmul %get3A_860, %get3A_863, %dot_general3A_864 {dimension_numbers = #tpu.dot_dimension_numbers<[1], [0], [0], [1], [0, 0, 1, 1], [], []>, transpose_lhs_hint = false} : vector<256x16xf32>, vector<16x256xf32>, vector<256x256xf32> -> vector<256x256xf32>
    %add3A_866 = arith.addf %add3A_855, %dot_general3A_865 : vector<256x256xf32>
    %slice3A_867 = vector.extract_strided_slice %add3A_866 {offsets = [0, 0], sizes = [256, 128], strides = [1, 1]} : vector<256x256xf32> to vector<256x128xf32>
    %slice3A_868 = vector.extract_strided_slice %add3A_866 {offsets = [0, 128], sizes = [256, 128], strides = [1, 1]} : vector<256x256xf32> to vector<256x128xf32>
    %slice3A_869 = vector.extract_strided_slice %slice3A_867 {offsets = [0, 0], sizes = [256, 64], strides = [1, 1]} : vector<256x128xf32> to vector<256x64xf32>
    %mul3A_870 = arith.mulf %slice3A, %slice3A_869 : vector<256x64xf32>
    %reduce_sum3A_871 = arith.constant dense<0.000000e+00> : vector<256xf32>
    %reduce_sum3A_872 = vector.multi_reduction <add>, %mul3A_870, %reduce_sum3A_871 [1] : vector<256x64xf32> to vector<256xf32>
    %broadcast_in_dim3A_873 = vector.shape_cast %reduce_sum3A_872 : vector<256xf32> to vector<256x1xf32>
    %slice3A_874 = vector.extract_strided_slice %slice3A_867 {offsets = [0, 64], sizes = [256, 64], strides = [1, 1]} : vector<256x128xf32> to vector<256x64xf32>
    %mul3A_875 = arith.mulf %slice3A_32, %slice3A_874 : vector<256x64xf32>
    %reduce_sum3A_876 = arith.constant dense<0.000000e+00> : vector<256xf32>
    %reduce_sum3A_877 = vector.multi_reduction <add>, %mul3A_875, %reduce_sum3A_876 [1] : vector<256x64xf32> to vector<256xf32>
    %broadcast_in_dim3A_878 = vector.shape_cast %reduce_sum3A_877 : vector<256xf32> to vector<256x1xf32>
    %slice3A_879 = vector.extract_strided_slice %sub3A_24 {offsets = [0, 11], sizes = [256, 1], strides = [1, 1]} : vector<256x20xf32> to vector<256x1xf32>
    %mul3A_880 = vector.broadcast %slice3A_879 : vector<256x1xf32> to vector<256x128xf32>
    %mul3A_881 = vector.broadcast %get3A_4 : vector<1x128xf32> to vector<256x128xf32>
    %mul3A_882 = arith.mulf %mul3A_880, %mul3A_881 : vector<256x128xf32>
    %add3A_883 = vector.broadcast %get3A_7 : vector<1x128xf32> to vector<256x128xf32>
    %add3A_884 = arith.addf %mul3A_882, %add3A_883 : vector<256x128xf32>
    %mul3A_885 = arith.constant 0.159154937 : f32
    %mul3A_886 = vector.broadcast %mul3A_885 : f32 to vector<256x128xf32>
    %mul3A_887 = arith.mulf %add3A_884, %mul3A_886 : vector<256x128xf32>
    %round3A_888 = math.roundeven %mul3A_887 : vector<256x128xf32>
    %sub3A_889 = arith.subf %mul3A_887, %round3A_888 : vector<256x128xf32>
    %mul3A_890 = arith.mulf %sub3A_889, %sub3A_889 : vector<256x128xf32>
    %broadcast_in_dim3A_891 = arith.constant 6.57552814 : f32
    %broadcast_in_dim3A_892 = vector.broadcast %broadcast_in_dim3A_891 : f32 to vector<256x128xf32>
    %mul3A_893 = arith.mulf %broadcast_in_dim3A_892, %mul3A_890 : vector<256x128xf32>
    %add3A_894 = arith.constant -26.0039749 : f32
    %add3A_895 = vector.broadcast %add3A_894 : f32 to vector<256x128xf32>
    %add3A_896 = arith.addf %mul3A_893, %add3A_895 : vector<256x128xf32>
    %mul3A_897 = arith.mulf %add3A_896, %mul3A_890 : vector<256x128xf32>
    %add3A_898 = arith.constant 60.1782913 : f32
    %add3A_899 = vector.broadcast %add3A_898 : f32 to vector<256x128xf32>
    %add3A_900 = arith.addf %mul3A_897, %add3A_899 : vector<256x128xf32>
    %mul3A_901 = arith.mulf %add3A_900, %mul3A_890 : vector<256x128xf32>
    %add3A_902 = arith.constant -85.4515915 : f32
    %add3A_903 = vector.broadcast %add3A_902 : f32 to vector<256x128xf32>
    %add3A_904 = arith.addf %mul3A_901, %add3A_903 : vector<256x128xf32>
    %mul3A_905 = arith.mulf %add3A_904, %mul3A_890 : vector<256x128xf32>
    %add3A_906 = arith.constant 64.939209 : f32
    %add3A_907 = vector.broadcast %add3A_906 : f32 to vector<256x128xf32>
    %add3A_908 = arith.addf %mul3A_905, %add3A_907 : vector<256x128xf32>
    %mul3A_909 = arith.mulf %add3A_908, %mul3A_890 : vector<256x128xf32>
    %add3A_910 = arith.constant -19.7392063 : f32
    %add3A_911 = vector.broadcast %add3A_910 : f32 to vector<256x128xf32>
    %add3A_912 = arith.addf %mul3A_909, %add3A_911 : vector<256x128xf32>
    %mul3A_913 = arith.mulf %add3A_912, %mul3A_890 : vector<256x128xf32>
    %add3A_914 = arith.constant 1.000000e+00 : f32
    %add3A_915 = vector.broadcast %add3A_914 : f32 to vector<256x128xf32>
    %add3A_916 = arith.addf %mul3A_913, %add3A_915 : vector<256x128xf32>
    %get3A_917 = arith.constant 11 : index
    %get3A_918 = arith.constant 0 : index
    %get3A_919 = arith.constant 0 : index
    %get3A_920 = vector.load %arg5[%get3A_917, %get3A_918, %get3A_919] : memref<20x256x128xf32, #tpu.memory_space<vmem>>, vector<1x256x128xf32>
    %get3A_921 = vector.shape_cast %get3A_920 : vector<1x256x128xf32> to vector<256x128xf32>
    %get3A_922 = arith.constant 0 : index
    %get3A_923 = arith.constant 0 : index
    %get3A_924 = vector.load %arg10[%get3A_922, %get3A_923] : memref<272x256xf32, #tpu.memory_space<vmem>>, vector<128x256xf32>
    %dot_general3A_925 = arith.constant dense<0.000000e+00> : vector<256x256xf32>
    %dot_general3A_926 = tpu.matmul %get3A_921, %get3A_924, %dot_general3A_925 {dimension_numbers = #tpu.dot_dimension_numbers<[1], [0], [0], [1], [0, 0, 1, 1], [], []>, transpose_lhs_hint = false} : vector<256x128xf32>, vector<128x256xf32>, vector<256x256xf32> -> vector<256x256xf32>
    %get3A_927 = arith.constant 128 : index
    %get3A_928 = arith.constant 0 : index
    %get3A_929 = vector.load %arg10[%get3A_927, %get3A_928] : memref<272x256xf32, #tpu.memory_space<vmem>>, vector<128x256xf32>
    %dot_general3A_930 = arith.constant dense<0.000000e+00> : vector<256x256xf32>
    %dot_general3A_931 = tpu.matmul %add3A_916, %get3A_929, %dot_general3A_930 {dimension_numbers = #tpu.dot_dimension_numbers<[1], [0], [0], [1], [0, 0, 1, 1], [], []>, transpose_lhs_hint = false} : vector<256x128xf32>, vector<128x256xf32>, vector<256x256xf32> -> vector<256x256xf32>
    %add3A_932 = arith.addf %dot_general3A_926, %dot_general3A_931 : vector<256x256xf32>
    %get3A_933 = arith.constant 11 : index
    %get3A_934 = arith.constant 0 : index
    %get3A_935 = arith.constant 0 : index
    %get3A_936 = vector.load %arg6[%get3A_933, %get3A_934, %get3A_935] : memref<20x256x16xf32, #tpu.memory_space<vmem>>, vector<1x256x16xf32>
    %get3A_937 = vector.shape_cast %get3A_936 : vector<1x256x16xf32> to vector<256x16xf32>
    %get3A_938 = arith.constant 256 : index
    %get3A_939 = arith.constant 0 : index
    %get3A_940 = vector.load %arg10[%get3A_938, %get3A_939] : memref<272x256xf32, #tpu.memory_space<vmem>>, vector<16x256xf32>
    %dot_general3A_941 = arith.constant dense<0.000000e+00> : vector<256x256xf32>
    %dot_general3A_942 = tpu.matmul %get3A_937, %get3A_940, %dot_general3A_941 {dimension_numbers = #tpu.dot_dimension_numbers<[1], [0], [0], [1], [0, 0, 1, 1], [], []>, transpose_lhs_hint = false} : vector<256x16xf32>, vector<16x256xf32>, vector<256x256xf32> -> vector<256x256xf32>
    %add3A_943 = arith.addf %add3A_932, %dot_general3A_942 : vector<256x256xf32>
    %slice3A_944 = vector.extract_strided_slice %add3A_943 {offsets = [0, 0], sizes = [256, 128], strides = [1, 1]} : vector<256x256xf32> to vector<256x128xf32>
    %slice3A_945 = vector.extract_strided_slice %add3A_943 {offsets = [0, 128], sizes = [256, 128], strides = [1, 1]} : vector<256x256xf32> to vector<256x128xf32>
    %slice3A_946 = vector.extract_strided_slice %slice3A_944 {offsets = [0, 0], sizes = [256, 64], strides = [1, 1]} : vector<256x128xf32> to vector<256x64xf32>
    %mul3A_947 = arith.mulf %slice3A, %slice3A_946 : vector<256x64xf32>
    %reduce_sum3A_948 = arith.constant dense<0.000000e+00> : vector<256xf32>
    %reduce_sum3A_949 = vector.multi_reduction <add>, %mul3A_947, %reduce_sum3A_948 [1] : vector<256x64xf32> to vector<256xf32>
    %broadcast_in_dim3A_950 = vector.shape_cast %reduce_sum3A_949 : vector<256xf32> to vector<256x1xf32>
    %slice3A_951 = vector.extract_strided_slice %slice3A_944 {offsets = [0, 64], sizes = [256, 64], strides = [1, 1]} : vector<256x128xf32> to vector<256x64xf32>
    %mul3A_952 = arith.mulf %slice3A_32, %slice3A_951 : vector<256x64xf32>
    %reduce_sum3A_953 = arith.constant dense<0.000000e+00> : vector<256xf32>
    %reduce_sum3A_954 = vector.multi_reduction <add>, %mul3A_952, %reduce_sum3A_953 [1] : vector<256x64xf32> to vector<256xf32>
    %broadcast_in_dim3A_955 = vector.shape_cast %reduce_sum3A_954 : vector<256xf32> to vector<256x1xf32>
    %slice3A_956 = vector.extract_strided_slice %sub3A_24 {offsets = [0, 12], sizes = [256, 1], strides = [1, 1]} : vector<256x20xf32> to vector<256x1xf32>
    %mul3A_957 = vector.broadcast %slice3A_956 : vector<256x1xf32> to vector<256x128xf32>
    %mul3A_958 = vector.broadcast %get3A_4 : vector<1x128xf32> to vector<256x128xf32>
    %mul3A_959 = arith.mulf %mul3A_957, %mul3A_958 : vector<256x128xf32>
    %add3A_960 = vector.broadcast %get3A_7 : vector<1x128xf32> to vector<256x128xf32>
    %add3A_961 = arith.addf %mul3A_959, %add3A_960 : vector<256x128xf32>
    %mul3A_962 = arith.constant 0.159154937 : f32
    %mul3A_963 = vector.broadcast %mul3A_962 : f32 to vector<256x128xf32>
    %mul3A_964 = arith.mulf %add3A_961, %mul3A_963 : vector<256x128xf32>
    %round3A_965 = math.roundeven %mul3A_964 : vector<256x128xf32>
    %sub3A_966 = arith.subf %mul3A_964, %round3A_965 : vector<256x128xf32>
    %mul3A_967 = arith.mulf %sub3A_966, %sub3A_966 : vector<256x128xf32>
    %broadcast_in_dim3A_968 = arith.constant 6.57552814 : f32
    %broadcast_in_dim3A_969 = vector.broadcast %broadcast_in_dim3A_968 : f32 to vector<256x128xf32>
    %mul3A_970 = arith.mulf %broadcast_in_dim3A_969, %mul3A_967 : vector<256x128xf32>
    %add3A_971 = arith.constant -26.0039749 : f32
    %add3A_972 = vector.broadcast %add3A_971 : f32 to vector<256x128xf32>
    %add3A_973 = arith.addf %mul3A_970, %add3A_972 : vector<256x128xf32>
    %mul3A_974 = arith.mulf %add3A_973, %mul3A_967 : vector<256x128xf32>
    %add3A_975 = arith.constant 60.1782913 : f32
    %add3A_976 = vector.broadcast %add3A_975 : f32 to vector<256x128xf32>
    %add3A_977 = arith.addf %mul3A_974, %add3A_976 : vector<256x128xf32>
    %mul3A_978 = arith.mulf %add3A_977, %mul3A_967 : vector<256x128xf32>
    %add3A_979 = arith.constant -85.4515915 : f32
    %add3A_980 = vector.broadcast %add3A_979 : f32 to vector<256x128xf32>
    %add3A_981 = arith.addf %mul3A_978, %add3A_980 : vector<256x128xf32>
    %mul3A_982 = arith.mulf %add3A_981, %mul3A_967 : vector<256x128xf32>
    %add3A_983 = arith.constant 64.939209 : f32
    %add3A_984 = vector.broadcast %add3A_983 : f32 to vector<256x128xf32>
    %add3A_985 = arith.addf %mul3A_982, %add3A_984 : vector<256x128xf32>
    %mul3A_986 = arith.mulf %add3A_985, %mul3A_967 : vector<256x128xf32>
    %add3A_987 = arith.constant -19.7392063 : f32
    %add3A_988 = vector.broadcast %add3A_987 : f32 to vector<256x128xf32>
    %add3A_989 = arith.addf %mul3A_986, %add3A_988 : vector<256x128xf32>
    %mul3A_990 = arith.mulf %add3A_989, %mul3A_967 : vector<256x128xf32>
    %add3A_991 = arith.constant 1.000000e+00 : f32
    %add3A_992 = vector.broadcast %add3A_991 : f32 to vector<256x128xf32>
    %add3A_993 = arith.addf %mul3A_990, %add3A_992 : vector<256x128xf32>
    %get3A_994 = arith.constant 12 : index
    %get3A_995 = arith.constant 0 : index
    %get3A_996 = arith.constant 0 : index
    %get3A_997 = vector.load %arg5[%get3A_994, %get3A_995, %get3A_996] : memref<20x256x128xf32, #tpu.memory_space<vmem>>, vector<1x256x128xf32>
    %get3A_998 = vector.shape_cast %get3A_997 : vector<1x256x128xf32> to vector<256x128xf32>
    %get3A_999 = arith.constant 0 : index
    %get3A_1000 = arith.constant 0 : index
    %get3A_1001 = vector.load %arg10[%get3A_999, %get3A_1000] : memref<272x256xf32, #tpu.memory_space<vmem>>, vector<128x256xf32>
    %dot_general3A_1002 = arith.constant dense<0.000000e+00> : vector<256x256xf32>
    %dot_general3A_1003 = tpu.matmul %get3A_998, %get3A_1001, %dot_general3A_1002 {dimension_numbers = #tpu.dot_dimension_numbers<[1], [0], [0], [1], [0, 0, 1, 1], [], []>, transpose_lhs_hint = false} : vector<256x128xf32>, vector<128x256xf32>, vector<256x256xf32> -> vector<256x256xf32>
    %get3A_1004 = arith.constant 128 : index
    %get3A_1005 = arith.constant 0 : index
    %get3A_1006 = vector.load %arg10[%get3A_1004, %get3A_1005] : memref<272x256xf32, #tpu.memory_space<vmem>>, vector<128x256xf32>
    %dot_general3A_1007 = arith.constant dense<0.000000e+00> : vector<256x256xf32>
    %dot_general3A_1008 = tpu.matmul %add3A_993, %get3A_1006, %dot_general3A_1007 {dimension_numbers = #tpu.dot_dimension_numbers<[1], [0], [0], [1], [0, 0, 1, 1], [], []>, transpose_lhs_hint = false} : vector<256x128xf32>, vector<128x256xf32>, vector<256x256xf32> -> vector<256x256xf32>
    %add3A_1009 = arith.addf %dot_general3A_1003, %dot_general3A_1008 : vector<256x256xf32>
    %get3A_1010 = arith.constant 12 : index
    %get3A_1011 = arith.constant 0 : index
    %get3A_1012 = arith.constant 0 : index
    %get3A_1013 = vector.load %arg6[%get3A_1010, %get3A_1011, %get3A_1012] : memref<20x256x16xf32, #tpu.memory_space<vmem>>, vector<1x256x16xf32>
    %get3A_1014 = vector.shape_cast %get3A_1013 : vector<1x256x16xf32> to vector<256x16xf32>
    %get3A_1015 = arith.constant 256 : index
    %get3A_1016 = arith.constant 0 : index
    %get3A_1017 = vector.load %arg10[%get3A_1015, %get3A_1016] : memref<272x256xf32, #tpu.memory_space<vmem>>, vector<16x256xf32>
    %dot_general3A_1018 = arith.constant dense<0.000000e+00> : vector<256x256xf32>
    %dot_general3A_1019 = tpu.matmul %get3A_1014, %get3A_1017, %dot_general3A_1018 {dimension_numbers = #tpu.dot_dimension_numbers<[1], [0], [0], [1], [0, 0, 1, 1], [], []>, transpose_lhs_hint = false} : vector<256x16xf32>, vector<16x256xf32>, vector<256x256xf32> -> vector<256x256xf32>
    %add3A_1020 = arith.addf %add3A_1009, %dot_general3A_1019 : vector<256x256xf32>
    %slice3A_1021 = vector.extract_strided_slice %add3A_1020 {offsets = [0, 0], sizes = [256, 128], strides = [1, 1]} : vector<256x256xf32> to vector<256x128xf32>
    %slice3A_1022 = vector.extract_strided_slice %add3A_1020 {offsets = [0, 128], sizes = [256, 128], strides = [1, 1]} : vector<256x256xf32> to vector<256x128xf32>
    %slice3A_1023 = vector.extract_strided_slice %slice3A_1021 {offsets = [0, 0], sizes = [256, 64], strides = [1, 1]} : vector<256x128xf32> to vector<256x64xf32>
    %mul3A_1024 = arith.mulf %slice3A, %slice3A_1023 : vector<256x64xf32>
    %reduce_sum3A_1025 = arith.constant dense<0.000000e+00> : vector<256xf32>
    %reduce_sum3A_1026 = vector.multi_reduction <add>, %mul3A_1024, %reduce_sum3A_1025 [1] : vector<256x64xf32> to vector<256xf32>
    %broadcast_in_dim3A_1027 = vector.shape_cast %reduce_sum3A_1026 : vector<256xf32> to vector<256x1xf32>
    %slice3A_1028 = vector.extract_strided_slice %slice3A_1021 {offsets = [0, 64], sizes = [256, 64], strides = [1, 1]} : vector<256x128xf32> to vector<256x64xf32>
    %mul3A_1029 = arith.mulf %slice3A_32, %slice3A_1028 : vector<256x64xf32>
    %reduce_sum3A_1030 = arith.constant dense<0.000000e+00> : vector<256xf32>
    %reduce_sum3A_1031 = vector.multi_reduction <add>, %mul3A_1029, %reduce_sum3A_1030 [1] : vector<256x64xf32> to vector<256xf32>
    %broadcast_in_dim3A_1032 = vector.shape_cast %reduce_sum3A_1031 : vector<256xf32> to vector<256x1xf32>
    %slice3A_1033 = vector.extract_strided_slice %sub3A_24 {offsets = [0, 13], sizes = [256, 1], strides = [1, 1]} : vector<256x20xf32> to vector<256x1xf32>
    %mul3A_1034 = vector.broadcast %slice3A_1033 : vector<256x1xf32> to vector<256x128xf32>
    %mul3A_1035 = vector.broadcast %get3A_4 : vector<1x128xf32> to vector<256x128xf32>
    %mul3A_1036 = arith.mulf %mul3A_1034, %mul3A_1035 : vector<256x128xf32>
    %add3A_1037 = vector.broadcast %get3A_7 : vector<1x128xf32> to vector<256x128xf32>
    %add3A_1038 = arith.addf %mul3A_1036, %add3A_1037 : vector<256x128xf32>
    %mul3A_1039 = arith.constant 0.159154937 : f32
    %mul3A_1040 = vector.broadcast %mul3A_1039 : f32 to vector<256x128xf32>
    %mul3A_1041 = arith.mulf %add3A_1038, %mul3A_1040 : vector<256x128xf32>
    %round3A_1042 = math.roundeven %mul3A_1041 : vector<256x128xf32>
    %sub3A_1043 = arith.subf %mul3A_1041, %round3A_1042 : vector<256x128xf32>
    %mul3A_1044 = arith.mulf %sub3A_1043, %sub3A_1043 : vector<256x128xf32>
    %broadcast_in_dim3A_1045 = arith.constant 6.57552814 : f32
    %broadcast_in_dim3A_1046 = vector.broadcast %broadcast_in_dim3A_1045 : f32 to vector<256x128xf32>
    %mul3A_1047 = arith.mulf %broadcast_in_dim3A_1046, %mul3A_1044 : vector<256x128xf32>
    %add3A_1048 = arith.constant -26.0039749 : f32
    %add3A_1049 = vector.broadcast %add3A_1048 : f32 to vector<256x128xf32>
    %add3A_1050 = arith.addf %mul3A_1047, %add3A_1049 : vector<256x128xf32>
    %mul3A_1051 = arith.mulf %add3A_1050, %mul3A_1044 : vector<256x128xf32>
    %add3A_1052 = arith.constant 60.1782913 : f32
    %add3A_1053 = vector.broadcast %add3A_1052 : f32 to vector<256x128xf32>
    %add3A_1054 = arith.addf %mul3A_1051, %add3A_1053 : vector<256x128xf32>
    %mul3A_1055 = arith.mulf %add3A_1054, %mul3A_1044 : vector<256x128xf32>
    %add3A_1056 = arith.constant -85.4515915 : f32
    %add3A_1057 = vector.broadcast %add3A_1056 : f32 to vector<256x128xf32>
    %add3A_1058 = arith.addf %mul3A_1055, %add3A_1057 : vector<256x128xf32>
    %mul3A_1059 = arith.mulf %add3A_1058, %mul3A_1044 : vector<256x128xf32>
    %add3A_1060 = arith.constant 64.939209 : f32
    %add3A_1061 = vector.broadcast %add3A_1060 : f32 to vector<256x128xf32>
    %add3A_1062 = arith.addf %mul3A_1059, %add3A_1061 : vector<256x128xf32>
    %mul3A_1063 = arith.mulf %add3A_1062, %mul3A_1044 : vector<256x128xf32>
    %add3A_1064 = arith.constant -19.7392063 : f32
    %add3A_1065 = vector.broadcast %add3A_1064 : f32 to vector<256x128xf32>
    %add3A_1066 = arith.addf %mul3A_1063, %add3A_1065 : vector<256x128xf32>
    %mul3A_1067 = arith.mulf %add3A_1066, %mul3A_1044 : vector<256x128xf32>
    %add3A_1068 = arith.constant 1.000000e+00 : f32
    %add3A_1069 = vector.broadcast %add3A_1068 : f32 to vector<256x128xf32>
    %add3A_1070 = arith.addf %mul3A_1067, %add3A_1069 : vector<256x128xf32>
    %get3A_1071 = arith.constant 13 : index
    %get3A_1072 = arith.constant 0 : index
    %get3A_1073 = arith.constant 0 : index
    %get3A_1074 = vector.load %arg5[%get3A_1071, %get3A_1072, %get3A_1073] : memref<20x256x128xf32, #tpu.memory_space<vmem>>, vector<1x256x128xf32>
    %get3A_1075 = vector.shape_cast %get3A_1074 : vector<1x256x128xf32> to vector<256x128xf32>
    %get3A_1076 = arith.constant 0 : index
    %get3A_1077 = arith.constant 0 : index
    %get3A_1078 = vector.load %arg10[%get3A_1076, %get3A_1077] : memref<272x256xf32, #tpu.memory_space<vmem>>, vector<128x256xf32>
    %dot_general3A_1079 = arith.constant dense<0.000000e+00> : vector<256x256xf32>
    %dot_general3A_1080 = tpu.matmul %get3A_1075, %get3A_1078, %dot_general3A_1079 {dimension_numbers = #tpu.dot_dimension_numbers<[1], [0], [0], [1], [0, 0, 1, 1], [], []>, transpose_lhs_hint = false} : vector<256x128xf32>, vector<128x256xf32>, vector<256x256xf32> -> vector<256x256xf32>
    %get3A_1081 = arith.constant 128 : index
    %get3A_1082 = arith.constant 0 : index
    %get3A_1083 = vector.load %arg10[%get3A_1081, %get3A_1082] : memref<272x256xf32, #tpu.memory_space<vmem>>, vector<128x256xf32>
    %dot_general3A_1084 = arith.constant dense<0.000000e+00> : vector<256x256xf32>
    %dot_general3A_1085 = tpu.matmul %add3A_1070, %get3A_1083, %dot_general3A_1084 {dimension_numbers = #tpu.dot_dimension_numbers<[1], [0], [0], [1], [0, 0, 1, 1], [], []>, transpose_lhs_hint = false} : vector<256x128xf32>, vector<128x256xf32>, vector<256x256xf32> -> vector<256x256xf32>
    %add3A_1086 = arith.addf %dot_general3A_1080, %dot_general3A_1085 : vector<256x256xf32>
    %get3A_1087 = arith.constant 13 : index
    %get3A_1088 = arith.constant 0 : index
    %get3A_1089 = arith.constant 0 : index
    %get3A_1090 = vector.load %arg6[%get3A_1087, %get3A_1088, %get3A_1089] : memref<20x256x16xf32, #tpu.memory_space<vmem>>, vector<1x256x16xf32>
    %get3A_1091 = vector.shape_cast %get3A_1090 : vector<1x256x16xf32> to vector<256x16xf32>
    %get3A_1092 = arith.constant 256 : index
    %get3A_1093 = arith.constant 0 : index
    %get3A_1094 = vector.load %arg10[%get3A_1092, %get3A_1093] : memref<272x256xf32, #tpu.memory_space<vmem>>, vector<16x256xf32>
    %dot_general3A_1095 = arith.constant dense<0.000000e+00> : vector<256x256xf32>
    %dot_general3A_1096 = tpu.matmul %get3A_1091, %get3A_1094, %dot_general3A_1095 {dimension_numbers = #tpu.dot_dimension_numbers<[1], [0], [0], [1], [0, 0, 1, 1], [], []>, transpose_lhs_hint = false} : vector<256x16xf32>, vector<16x256xf32>, vector<256x256xf32> -> vector<256x256xf32>
    %add3A_1097 = arith.addf %add3A_1086, %dot_general3A_1096 : vector<256x256xf32>
    %slice3A_1098 = vector.extract_strided_slice %add3A_1097 {offsets = [0, 0], sizes = [256, 128], strides = [1, 1]} : vector<256x256xf32> to vector<256x128xf32>
    %slice3A_1099 = vector.extract_strided_slice %add3A_1097 {offsets = [0, 128], sizes = [256, 128], strides = [1, 1]} : vector<256x256xf32> to vector<256x128xf32>
    %slice3A_1100 = vector.extract_strided_slice %slice3A_1098 {offsets = [0, 0], sizes = [256, 64], strides = [1, 1]} : vector<256x128xf32> to vector<256x64xf32>
    %mul3A_1101 = arith.mulf %slice3A, %slice3A_1100 : vector<256x64xf32>
    %reduce_sum3A_1102 = arith.constant dense<0.000000e+00> : vector<256xf32>
    %reduce_sum3A_1103 = vector.multi_reduction <add>, %mul3A_1101, %reduce_sum3A_1102 [1] : vector<256x64xf32> to vector<256xf32>
    %broadcast_in_dim3A_1104 = vector.shape_cast %reduce_sum3A_1103 : vector<256xf32> to vector<256x1xf32>
    %slice3A_1105 = vector.extract_strided_slice %slice3A_1098 {offsets = [0, 64], sizes = [256, 64], strides = [1, 1]} : vector<256x128xf32> to vector<256x64xf32>
    %mul3A_1106 = arith.mulf %slice3A_32, %slice3A_1105 : vector<256x64xf32>
    %reduce_sum3A_1107 = arith.constant dense<0.000000e+00> : vector<256xf32>
    %reduce_sum3A_1108 = vector.multi_reduction <add>, %mul3A_1106, %reduce_sum3A_1107 [1] : vector<256x64xf32> to vector<256xf32>
    %broadcast_in_dim3A_1109 = vector.shape_cast %reduce_sum3A_1108 : vector<256xf32> to vector<256x1xf32>
    %slice3A_1110 = vector.extract_strided_slice %sub3A_24 {offsets = [0, 14], sizes = [256, 1], strides = [1, 1]} : vector<256x20xf32> to vector<256x1xf32>
    %mul3A_1111 = vector.broadcast %slice3A_1110 : vector<256x1xf32> to vector<256x128xf32>
    %mul3A_1112 = vector.broadcast %get3A_4 : vector<1x128xf32> to vector<256x128xf32>
    %mul3A_1113 = arith.mulf %mul3A_1111, %mul3A_1112 : vector<256x128xf32>
    %add3A_1114 = vector.broadcast %get3A_7 : vector<1x128xf32> to vector<256x128xf32>
    %add3A_1115 = arith.addf %mul3A_1113, %add3A_1114 : vector<256x128xf32>
    %mul3A_1116 = arith.constant 0.159154937 : f32
    %mul3A_1117 = vector.broadcast %mul3A_1116 : f32 to vector<256x128xf32>
    %mul3A_1118 = arith.mulf %add3A_1115, %mul3A_1117 : vector<256x128xf32>
    %round3A_1119 = math.roundeven %mul3A_1118 : vector<256x128xf32>
    %sub3A_1120 = arith.subf %mul3A_1118, %round3A_1119 : vector<256x128xf32>
    %mul3A_1121 = arith.mulf %sub3A_1120, %sub3A_1120 : vector<256x128xf32>
    %broadcast_in_dim3A_1122 = arith.constant 6.57552814 : f32
    %broadcast_in_dim3A_1123 = vector.broadcast %broadcast_in_dim3A_1122 : f32 to vector<256x128xf32>
    %mul3A_1124 = arith.mulf %broadcast_in_dim3A_1123, %mul3A_1121 : vector<256x128xf32>
    %add3A_1125 = arith.constant -26.0039749 : f32
    %add3A_1126 = vector.broadcast %add3A_1125 : f32 to vector<256x128xf32>
    %add3A_1127 = arith.addf %mul3A_1124, %add3A_1126 : vector<256x128xf32>
    %mul3A_1128 = arith.mulf %add3A_1127, %mul3A_1121 : vector<256x128xf32>
    %add3A_1129 = arith.constant 60.1782913 : f32
    %add3A_1130 = vector.broadcast %add3A_1129 : f32 to vector<256x128xf32>
    %add3A_1131 = arith.addf %mul3A_1128, %add3A_1130 : vector<256x128xf32>
    %mul3A_1132 = arith.mulf %add3A_1131, %mul3A_1121 : vector<256x128xf32>
    %add3A_1133 = arith.constant -85.4515915 : f32
    %add3A_1134 = vector.broadcast %add3A_1133 : f32 to vector<256x128xf32>
    %add3A_1135 = arith.addf %mul3A_1132, %add3A_1134 : vector<256x128xf32>
    %mul3A_1136 = arith.mulf %add3A_1135, %mul3A_1121 : vector<256x128xf32>
    %add3A_1137 = arith.constant 64.939209 : f32
    %add3A_1138 = vector.broadcast %add3A_1137 : f32 to vector<256x128xf32>
    %add3A_1139 = arith.addf %mul3A_1136, %add3A_1138 : vector<256x128xf32>
    %mul3A_1140 = arith.mulf %add3A_1139, %mul3A_1121 : vector<256x128xf32>
    %add3A_1141 = arith.constant -19.7392063 : f32
    %add3A_1142 = vector.broadcast %add3A_1141 : f32 to vector<256x128xf32>
    %add3A_1143 = arith.addf %mul3A_1140, %add3A_1142 : vector<256x128xf32>
    %mul3A_1144 = arith.mulf %add3A_1143, %mul3A_1121 : vector<256x128xf32>
    %add3A_1145 = arith.constant 1.000000e+00 : f32
    %add3A_1146 = vector.broadcast %add3A_1145 : f32 to vector<256x128xf32>
    %add3A_1147 = arith.addf %mul3A_1144, %add3A_1146 : vector<256x128xf32>
    %get3A_1148 = arith.constant 14 : index
    %get3A_1149 = arith.constant 0 : index
    %get3A_1150 = arith.constant 0 : index
    %get3A_1151 = vector.load %arg5[%get3A_1148, %get3A_1149, %get3A_1150] : memref<20x256x128xf32, #tpu.memory_space<vmem>>, vector<1x256x128xf32>
    %get3A_1152 = vector.shape_cast %get3A_1151 : vector<1x256x128xf32> to vector<256x128xf32>
    %get3A_1153 = arith.constant 0 : index
    %get3A_1154 = arith.constant 0 : index
    %get3A_1155 = vector.load %arg10[%get3A_1153, %get3A_1154] : memref<272x256xf32, #tpu.memory_space<vmem>>, vector<128x256xf32>
    %dot_general3A_1156 = arith.constant dense<0.000000e+00> : vector<256x256xf32>
    %dot_general3A_1157 = tpu.matmul %get3A_1152, %get3A_1155, %dot_general3A_1156 {dimension_numbers = #tpu.dot_dimension_numbers<[1], [0], [0], [1], [0, 0, 1, 1], [], []>, transpose_lhs_hint = false} : vector<256x128xf32>, vector<128x256xf32>, vector<256x256xf32> -> vector<256x256xf32>
    %get3A_1158 = arith.constant 128 : index
    %get3A_1159 = arith.constant 0 : index
    %get3A_1160 = vector.load %arg10[%get3A_1158, %get3A_1159] : memref<272x256xf32, #tpu.memory_space<vmem>>, vector<128x256xf32>
    %dot_general3A_1161 = arith.constant dense<0.000000e+00> : vector<256x256xf32>
    %dot_general3A_1162 = tpu.matmul %add3A_1147, %get3A_1160, %dot_general3A_1161 {dimension_numbers = #tpu.dot_dimension_numbers<[1], [0], [0], [1], [0, 0, 1, 1], [], []>, transpose_lhs_hint = false} : vector<256x128xf32>, vector<128x256xf32>, vector<256x256xf32> -> vector<256x256xf32>
    %add3A_1163 = arith.addf %dot_general3A_1157, %dot_general3A_1162 : vector<256x256xf32>
    %get3A_1164 = arith.constant 14 : index
    %get3A_1165 = arith.constant 0 : index
    %get3A_1166 = arith.constant 0 : index
    %get3A_1167 = vector.load %arg6[%get3A_1164, %get3A_1165, %get3A_1166] : memref<20x256x16xf32, #tpu.memory_space<vmem>>, vector<1x256x16xf32>
    %get3A_1168 = vector.shape_cast %get3A_1167 : vector<1x256x16xf32> to vector<256x16xf32>
    %get3A_1169 = arith.constant 256 : index
    %get3A_1170 = arith.constant 0 : index
    %get3A_1171 = vector.load %arg10[%get3A_1169, %get3A_1170] : memref<272x256xf32, #tpu.memory_space<vmem>>, vector<16x256xf32>
    %dot_general3A_1172 = arith.constant dense<0.000000e+00> : vector<256x256xf32>
    %dot_general3A_1173 = tpu.matmul %get3A_1168, %get3A_1171, %dot_general3A_1172 {dimension_numbers = #tpu.dot_dimension_numbers<[1], [0], [0], [1], [0, 0, 1, 1], [], []>, transpose_lhs_hint = false} : vector<256x16xf32>, vector<16x256xf32>, vector<256x256xf32> -> vector<256x256xf32>
    %add3A_1174 = arith.addf %add3A_1163, %dot_general3A_1173 : vector<256x256xf32>
    %slice3A_1175 = vector.extract_strided_slice %add3A_1174 {offsets = [0, 0], sizes = [256, 128], strides = [1, 1]} : vector<256x256xf32> to vector<256x128xf32>
    %slice3A_1176 = vector.extract_strided_slice %add3A_1174 {offsets = [0, 128], sizes = [256, 128], strides = [1, 1]} : vector<256x256xf32> to vector<256x128xf32>
    %slice3A_1177 = vector.extract_strided_slice %slice3A_1175 {offsets = [0, 0], sizes = [256, 64], strides = [1, 1]} : vector<256x128xf32> to vector<256x64xf32>
    %mul3A_1178 = arith.mulf %slice3A, %slice3A_1177 : vector<256x64xf32>
    %reduce_sum3A_1179 = arith.constant dense<0.000000e+00> : vector<256xf32>
    %reduce_sum3A_1180 = vector.multi_reduction <add>, %mul3A_1178, %reduce_sum3A_1179 [1] : vector<256x64xf32> to vector<256xf32>
    %broadcast_in_dim3A_1181 = vector.shape_cast %reduce_sum3A_1180 : vector<256xf32> to vector<256x1xf32>
    %slice3A_1182 = vector.extract_strided_slice %slice3A_1175 {offsets = [0, 64], sizes = [256, 64], strides = [1, 1]} : vector<256x128xf32> to vector<256x64xf32>
    %mul3A_1183 = arith.mulf %slice3A_32, %slice3A_1182 : vector<256x64xf32>
    %reduce_sum3A_1184 = arith.constant dense<0.000000e+00> : vector<256xf32>
    %reduce_sum3A_1185 = vector.multi_reduction <add>, %mul3A_1183, %reduce_sum3A_1184 [1] : vector<256x64xf32> to vector<256xf32>
    %broadcast_in_dim3A_1186 = vector.shape_cast %reduce_sum3A_1185 : vector<256xf32> to vector<256x1xf32>
    %slice3A_1187 = vector.extract_strided_slice %sub3A_24 {offsets = [0, 15], sizes = [256, 1], strides = [1, 1]} : vector<256x20xf32> to vector<256x1xf32>
    %mul3A_1188 = vector.broadcast %slice3A_1187 : vector<256x1xf32> to vector<256x128xf32>
    %mul3A_1189 = vector.broadcast %get3A_4 : vector<1x128xf32> to vector<256x128xf32>
    %mul3A_1190 = arith.mulf %mul3A_1188, %mul3A_1189 : vector<256x128xf32>
    %add3A_1191 = vector.broadcast %get3A_7 : vector<1x128xf32> to vector<256x128xf32>
    %add3A_1192 = arith.addf %mul3A_1190, %add3A_1191 : vector<256x128xf32>
    %mul3A_1193 = arith.constant 0.159154937 : f32
    %mul3A_1194 = vector.broadcast %mul3A_1193 : f32 to vector<256x128xf32>
    %mul3A_1195 = arith.mulf %add3A_1192, %mul3A_1194 : vector<256x128xf32>
    %round3A_1196 = math.roundeven %mul3A_1195 : vector<256x128xf32>
    %sub3A_1197 = arith.subf %mul3A_1195, %round3A_1196 : vector<256x128xf32>
    %mul3A_1198 = arith.mulf %sub3A_1197, %sub3A_1197 : vector<256x128xf32>
    %broadcast_in_dim3A_1199 = arith.constant 6.57552814 : f32
    %broadcast_in_dim3A_1200 = vector.broadcast %broadcast_in_dim3A_1199 : f32 to vector<256x128xf32>
    %mul3A_1201 = arith.mulf %broadcast_in_dim3A_1200, %mul3A_1198 : vector<256x128xf32>
    %add3A_1202 = arith.constant -26.0039749 : f32
    %add3A_1203 = vector.broadcast %add3A_1202 : f32 to vector<256x128xf32>
    %add3A_1204 = arith.addf %mul3A_1201, %add3A_1203 : vector<256x128xf32>
    %mul3A_1205 = arith.mulf %add3A_1204, %mul3A_1198 : vector<256x128xf32>
    %add3A_1206 = arith.constant 60.1782913 : f32
    %add3A_1207 = vector.broadcast %add3A_1206 : f32 to vector<256x128xf32>
    %add3A_1208 = arith.addf %mul3A_1205, %add3A_1207 : vector<256x128xf32>
    %mul3A_1209 = arith.mulf %add3A_1208, %mul3A_1198 : vector<256x128xf32>
    %add3A_1210 = arith.constant -85.4515915 : f32
    %add3A_1211 = vector.broadcast %add3A_1210 : f32 to vector<256x128xf32>
    %add3A_1212 = arith.addf %mul3A_1209, %add3A_1211 : vector<256x128xf32>
    %mul3A_1213 = arith.mulf %add3A_1212, %mul3A_1198 : vector<256x128xf32>
    %add3A_1214 = arith.constant 64.939209 : f32
    %add3A_1215 = vector.broadcast %add3A_1214 : f32 to vector<256x128xf32>
    %add3A_1216 = arith.addf %mul3A_1213, %add3A_1215 : vector<256x128xf32>
    %mul3A_1217 = arith.mulf %add3A_1216, %mul3A_1198 : vector<256x128xf32>
    %add3A_1218 = arith.constant -19.7392063 : f32
    %add3A_1219 = vector.broadcast %add3A_1218 : f32 to vector<256x128xf32>
    %add3A_1220 = arith.addf %mul3A_1217, %add3A_1219 : vector<256x128xf32>
    %mul3A_1221 = arith.mulf %add3A_1220, %mul3A_1198 : vector<256x128xf32>
    %add3A_1222 = arith.constant 1.000000e+00 : f32
    %add3A_1223 = vector.broadcast %add3A_1222 : f32 to vector<256x128xf32>
    %add3A_1224 = arith.addf %mul3A_1221, %add3A_1223 : vector<256x128xf32>
    %get3A_1225 = arith.constant 15 : index
    %get3A_1226 = arith.constant 0 : index
    %get3A_1227 = arith.constant 0 : index
    %get3A_1228 = vector.load %arg5[%get3A_1225, %get3A_1226, %get3A_1227] : memref<20x256x128xf32, #tpu.memory_space<vmem>>, vector<1x256x128xf32>
    %get3A_1229 = vector.shape_cast %get3A_1228 : vector<1x256x128xf32> to vector<256x128xf32>
    %get3A_1230 = arith.constant 0 : index
    %get3A_1231 = arith.constant 0 : index
    %get3A_1232 = vector.load %arg10[%get3A_1230, %get3A_1231] : memref<272x256xf32, #tpu.memory_space<vmem>>, vector<128x256xf32>
    %dot_general3A_1233 = arith.constant dense<0.000000e+00> : vector<256x256xf32>
    %dot_general3A_1234 = tpu.matmul %get3A_1229, %get3A_1232, %dot_general3A_1233 {dimension_numbers = #tpu.dot_dimension_numbers<[1], [0], [0], [1], [0, 0, 1, 1], [], []>, transpose_lhs_hint = false} : vector<256x128xf32>, vector<128x256xf32>, vector<256x256xf32> -> vector<256x256xf32>
    %get3A_1235 = arith.constant 128 : index
    %get3A_1236 = arith.constant 0 : index
    %get3A_1237 = vector.load %arg10[%get3A_1235, %get3A_1236] : memref<272x256xf32, #tpu.memory_space<vmem>>, vector<128x256xf32>
    %dot_general3A_1238 = arith.constant dense<0.000000e+00> : vector<256x256xf32>
    %dot_general3A_1239 = tpu.matmul %add3A_1224, %get3A_1237, %dot_general3A_1238 {dimension_numbers = #tpu.dot_dimension_numbers<[1], [0], [0], [1], [0, 0, 1, 1], [], []>, transpose_lhs_hint = false} : vector<256x128xf32>, vector<128x256xf32>, vector<256x256xf32> -> vector<256x256xf32>
    %add3A_1240 = arith.addf %dot_general3A_1234, %dot_general3A_1239 : vector<256x256xf32>
    %get3A_1241 = arith.constant 15 : index
    %get3A_1242 = arith.constant 0 : index
    %get3A_1243 = arith.constant 0 : index
    %get3A_1244 = vector.load %arg6[%get3A_1241, %get3A_1242, %get3A_1243] : memref<20x256x16xf32, #tpu.memory_space<vmem>>, vector<1x256x16xf32>
    %get3A_1245 = vector.shape_cast %get3A_1244 : vector<1x256x16xf32> to vector<256x16xf32>
    %get3A_1246 = arith.constant 256 : index
    %get3A_1247 = arith.constant 0 : index
    %get3A_1248 = vector.load %arg10[%get3A_1246, %get3A_1247] : memref<272x256xf32, #tpu.memory_space<vmem>>, vector<16x256xf32>
    %dot_general3A_1249 = arith.constant dense<0.000000e+00> : vector<256x256xf32>
    %dot_general3A_1250 = tpu.matmul %get3A_1245, %get3A_1248, %dot_general3A_1249 {dimension_numbers = #tpu.dot_dimension_numbers<[1], [0], [0], [1], [0, 0, 1, 1], [], []>, transpose_lhs_hint = false} : vector<256x16xf32>, vector<16x256xf32>, vector<256x256xf32> -> vector<256x256xf32>
    %add3A_1251 = arith.addf %add3A_1240, %dot_general3A_1250 : vector<256x256xf32>
    %slice3A_1252 = vector.extract_strided_slice %add3A_1251 {offsets = [0, 0], sizes = [256, 128], strides = [1, 1]} : vector<256x256xf32> to vector<256x128xf32>
    %slice3A_1253 = vector.extract_strided_slice %add3A_1251 {offsets = [0, 128], sizes = [256, 128], strides = [1, 1]} : vector<256x256xf32> to vector<256x128xf32>
    %slice3A_1254 = vector.extract_strided_slice %slice3A_1252 {offsets = [0, 0], sizes = [256, 64], strides = [1, 1]} : vector<256x128xf32> to vector<256x64xf32>
    %mul3A_1255 = arith.mulf %slice3A, %slice3A_1254 : vector<256x64xf32>
    %reduce_sum3A_1256 = arith.constant dense<0.000000e+00> : vector<256xf32>
    %reduce_sum3A_1257 = vector.multi_reduction <add>, %mul3A_1255, %reduce_sum3A_1256 [1] : vector<256x64xf32> to vector<256xf32>
    %broadcast_in_dim3A_1258 = vector.shape_cast %reduce_sum3A_1257 : vector<256xf32> to vector<256x1xf32>
    %slice3A_1259 = vector.extract_strided_slice %slice3A_1252 {offsets = [0, 64], sizes = [256, 64], strides = [1, 1]} : vector<256x128xf32> to vector<256x64xf32>
    %mul3A_1260 = arith.mulf %slice3A_32, %slice3A_1259 : vector<256x64xf32>
    %reduce_sum3A_1261 = arith.constant dense<0.000000e+00> : vector<256xf32>
    %reduce_sum3A_1262 = vector.multi_reduction <add>, %mul3A_1260, %reduce_sum3A_1261 [1] : vector<256x64xf32> to vector<256xf32>
    %broadcast_in_dim3A_1263 = vector.shape_cast %reduce_sum3A_1262 : vector<256xf32> to vector<256x1xf32>
    %slice3A_1264 = vector.extract_strided_slice %sub3A_24 {offsets = [0, 16], sizes = [256, 1], strides = [1, 1]} : vector<256x20xf32> to vector<256x1xf32>
    %mul3A_1265 = vector.broadcast %slice3A_1264 : vector<256x1xf32> to vector<256x128xf32>
    %mul3A_1266 = vector.broadcast %get3A_4 : vector<1x128xf32> to vector<256x128xf32>
    %mul3A_1267 = arith.mulf %mul3A_1265, %mul3A_1266 : vector<256x128xf32>
    %add3A_1268 = vector.broadcast %get3A_7 : vector<1x128xf32> to vector<256x128xf32>
    %add3A_1269 = arith.addf %mul3A_1267, %add3A_1268 : vector<256x128xf32>
    %mul3A_1270 = arith.constant 0.159154937 : f32
    %mul3A_1271 = vector.broadcast %mul3A_1270 : f32 to vector<256x128xf32>
    %mul3A_1272 = arith.mulf %add3A_1269, %mul3A_1271 : vector<256x128xf32>
    %round3A_1273 = math.roundeven %mul3A_1272 : vector<256x128xf32>
    %sub3A_1274 = arith.subf %mul3A_1272, %round3A_1273 : vector<256x128xf32>
    %mul3A_1275 = arith.mulf %sub3A_1274, %sub3A_1274 : vector<256x128xf32>
    %broadcast_in_dim3A_1276 = arith.constant 6.57552814 : f32
    %broadcast_in_dim3A_1277 = vector.broadcast %broadcast_in_dim3A_1276 : f32 to vector<256x128xf32>
    %mul3A_1278 = arith.mulf %broadcast_in_dim3A_1277, %mul3A_1275 : vector<256x128xf32>
    %add3A_1279 = arith.constant -26.0039749 : f32
    %add3A_1280 = vector.broadcast %add3A_1279 : f32 to vector<256x128xf32>
    %add3A_1281 = arith.addf %mul3A_1278, %add3A_1280 : vector<256x128xf32>
    %mul3A_1282 = arith.mulf %add3A_1281, %mul3A_1275 : vector<256x128xf32>
    %add3A_1283 = arith.constant 60.1782913 : f32
    %add3A_1284 = vector.broadcast %add3A_1283 : f32 to vector<256x128xf32>
    %add3A_1285 = arith.addf %mul3A_1282, %add3A_1284 : vector<256x128xf32>
    %mul3A_1286 = arith.mulf %add3A_1285, %mul3A_1275 : vector<256x128xf32>
    %add3A_1287 = arith.constant -85.4515915 : f32
    %add3A_1288 = vector.broadcast %add3A_1287 : f32 to vector<256x128xf32>
    %add3A_1289 = arith.addf %mul3A_1286, %add3A_1288 : vector<256x128xf32>
    %mul3A_1290 = arith.mulf %add3A_1289, %mul3A_1275 : vector<256x128xf32>
    %add3A_1291 = arith.constant 64.939209 : f32
    %add3A_1292 = vector.broadcast %add3A_1291 : f32 to vector<256x128xf32>
    %add3A_1293 = arith.addf %mul3A_1290, %add3A_1292 : vector<256x128xf32>
    %mul3A_1294 = arith.mulf %add3A_1293, %mul3A_1275 : vector<256x128xf32>
    %add3A_1295 = arith.constant -19.7392063 : f32
    %add3A_1296 = vector.broadcast %add3A_1295 : f32 to vector<256x128xf32>
    %add3A_1297 = arith.addf %mul3A_1294, %add3A_1296 : vector<256x128xf32>
    %mul3A_1298 = arith.mulf %add3A_1297, %mul3A_1275 : vector<256x128xf32>
    %add3A_1299 = arith.constant 1.000000e+00 : f32
    %add3A_1300 = vector.broadcast %add3A_1299 : f32 to vector<256x128xf32>
    %add3A_1301 = arith.addf %mul3A_1298, %add3A_1300 : vector<256x128xf32>
    %get3A_1302 = arith.constant 16 : index
    %get3A_1303 = arith.constant 0 : index
    %get3A_1304 = arith.constant 0 : index
    %get3A_1305 = vector.load %arg5[%get3A_1302, %get3A_1303, %get3A_1304] : memref<20x256x128xf32, #tpu.memory_space<vmem>>, vector<1x256x128xf32>
    %get3A_1306 = vector.shape_cast %get3A_1305 : vector<1x256x128xf32> to vector<256x128xf32>
    %get3A_1307 = arith.constant 0 : index
    %get3A_1308 = arith.constant 0 : index
    %get3A_1309 = vector.load %arg10[%get3A_1307, %get3A_1308] : memref<272x256xf32, #tpu.memory_space<vmem>>, vector<128x256xf32>
    %dot_general3A_1310 = arith.constant dense<0.000000e+00> : vector<256x256xf32>
    %dot_general3A_1311 = tpu.matmul %get3A_1306, %get3A_1309, %dot_general3A_1310 {dimension_numbers = #tpu.dot_dimension_numbers<[1], [0], [0], [1], [0, 0, 1, 1], [], []>, transpose_lhs_hint = false} : vector<256x128xf32>, vector<128x256xf32>, vector<256x256xf32> -> vector<256x256xf32>
    %get3A_1312 = arith.constant 128 : index
    %get3A_1313 = arith.constant 0 : index
    %get3A_1314 = vector.load %arg10[%get3A_1312, %get3A_1313] : memref<272x256xf32, #tpu.memory_space<vmem>>, vector<128x256xf32>
    %dot_general3A_1315 = arith.constant dense<0.000000e+00> : vector<256x256xf32>
    %dot_general3A_1316 = tpu.matmul %add3A_1301, %get3A_1314, %dot_general3A_1315 {dimension_numbers = #tpu.dot_dimension_numbers<[1], [0], [0], [1], [0, 0, 1, 1], [], []>, transpose_lhs_hint = false} : vector<256x128xf32>, vector<128x256xf32>, vector<256x256xf32> -> vector<256x256xf32>
    %add3A_1317 = arith.addf %dot_general3A_1311, %dot_general3A_1316 : vector<256x256xf32>
    %get3A_1318 = arith.constant 16 : index
    %get3A_1319 = arith.constant 0 : index
    %get3A_1320 = arith.constant 0 : index
    %get3A_1321 = vector.load %arg6[%get3A_1318, %get3A_1319, %get3A_1320] : memref<20x256x16xf32, #tpu.memory_space<vmem>>, vector<1x256x16xf32>
    %get3A_1322 = vector.shape_cast %get3A_1321 : vector<1x256x16xf32> to vector<256x16xf32>
    %get3A_1323 = arith.constant 256 : index
    %get3A_1324 = arith.constant 0 : index
    %get3A_1325 = vector.load %arg10[%get3A_1323, %get3A_1324] : memref<272x256xf32, #tpu.memory_space<vmem>>, vector<16x256xf32>
    %dot_general3A_1326 = arith.constant dense<0.000000e+00> : vector<256x256xf32>
    %dot_general3A_1327 = tpu.matmul %get3A_1322, %get3A_1325, %dot_general3A_1326 {dimension_numbers = #tpu.dot_dimension_numbers<[1], [0], [0], [1], [0, 0, 1, 1], [], []>, transpose_lhs_hint = false} : vector<256x16xf32>, vector<16x256xf32>, vector<256x256xf32> -> vector<256x256xf32>
    %add3A_1328 = arith.addf %add3A_1317, %dot_general3A_1327 : vector<256x256xf32>
    %slice3A_1329 = vector.extract_strided_slice %add3A_1328 {offsets = [0, 0], sizes = [256, 128], strides = [1, 1]} : vector<256x256xf32> to vector<256x128xf32>
    %slice3A_1330 = vector.extract_strided_slice %add3A_1328 {offsets = [0, 128], sizes = [256, 128], strides = [1, 1]} : vector<256x256xf32> to vector<256x128xf32>
    %slice3A_1331 = vector.extract_strided_slice %slice3A_1329 {offsets = [0, 0], sizes = [256, 64], strides = [1, 1]} : vector<256x128xf32> to vector<256x64xf32>
    %mul3A_1332 = arith.mulf %slice3A, %slice3A_1331 : vector<256x64xf32>
    %reduce_sum3A_1333 = arith.constant dense<0.000000e+00> : vector<256xf32>
    %reduce_sum3A_1334 = vector.multi_reduction <add>, %mul3A_1332, %reduce_sum3A_1333 [1] : vector<256x64xf32> to vector<256xf32>
    %broadcast_in_dim3A_1335 = vector.shape_cast %reduce_sum3A_1334 : vector<256xf32> to vector<256x1xf32>
    %slice3A_1336 = vector.extract_strided_slice %slice3A_1329 {offsets = [0, 64], sizes = [256, 64], strides = [1, 1]} : vector<256x128xf32> to vector<256x64xf32>
    %mul3A_1337 = arith.mulf %slice3A_32, %slice3A_1336 : vector<256x64xf32>
    %reduce_sum3A_1338 = arith.constant dense<0.000000e+00> : vector<256xf32>
    %reduce_sum3A_1339 = vector.multi_reduction <add>, %mul3A_1337, %reduce_sum3A_1338 [1] : vector<256x64xf32> to vector<256xf32>
    %broadcast_in_dim3A_1340 = vector.shape_cast %reduce_sum3A_1339 : vector<256xf32> to vector<256x1xf32>
    %slice3A_1341 = vector.extract_strided_slice %sub3A_24 {offsets = [0, 17], sizes = [256, 1], strides = [1, 1]} : vector<256x20xf32> to vector<256x1xf32>
    %mul3A_1342 = vector.broadcast %slice3A_1341 : vector<256x1xf32> to vector<256x128xf32>
    %mul3A_1343 = vector.broadcast %get3A_4 : vector<1x128xf32> to vector<256x128xf32>
    %mul3A_1344 = arith.mulf %mul3A_1342, %mul3A_1343 : vector<256x128xf32>
    %add3A_1345 = vector.broadcast %get3A_7 : vector<1x128xf32> to vector<256x128xf32>
    %add3A_1346 = arith.addf %mul3A_1344, %add3A_1345 : vector<256x128xf32>
    %mul3A_1347 = arith.constant 0.159154937 : f32
    %mul3A_1348 = vector.broadcast %mul3A_1347 : f32 to vector<256x128xf32>
    %mul3A_1349 = arith.mulf %add3A_1346, %mul3A_1348 : vector<256x128xf32>
    %round3A_1350 = math.roundeven %mul3A_1349 : vector<256x128xf32>
    %sub3A_1351 = arith.subf %mul3A_1349, %round3A_1350 : vector<256x128xf32>
    %mul3A_1352 = arith.mulf %sub3A_1351, %sub3A_1351 : vector<256x128xf32>
    %broadcast_in_dim3A_1353 = arith.constant 6.57552814 : f32
    %broadcast_in_dim3A_1354 = vector.broadcast %broadcast_in_dim3A_1353 : f32 to vector<256x128xf32>
    %mul3A_1355 = arith.mulf %broadcast_in_dim3A_1354, %mul3A_1352 : vector<256x128xf32>
    %add3A_1356 = arith.constant -26.0039749 : f32
    %add3A_1357 = vector.broadcast %add3A_1356 : f32 to vector<256x128xf32>
    %add3A_1358 = arith.addf %mul3A_1355, %add3A_1357 : vector<256x128xf32>
    %mul3A_1359 = arith.mulf %add3A_1358, %mul3A_1352 : vector<256x128xf32>
    %add3A_1360 = arith.constant 60.1782913 : f32
    %add3A_1361 = vector.broadcast %add3A_1360 : f32 to vector<256x128xf32>
    %add3A_1362 = arith.addf %mul3A_1359, %add3A_1361 : vector<256x128xf32>
    %mul3A_1363 = arith.mulf %add3A_1362, %mul3A_1352 : vector<256x128xf32>
    %add3A_1364 = arith.constant -85.4515915 : f32
    %add3A_1365 = vector.broadcast %add3A_1364 : f32 to vector<256x128xf32>
    %add3A_1366 = arith.addf %mul3A_1363, %add3A_1365 : vector<256x128xf32>
    %mul3A_1367 = arith.mulf %add3A_1366, %mul3A_1352 : vector<256x128xf32>
    %add3A_1368 = arith.constant 64.939209 : f32
    %add3A_1369 = vector.broadcast %add3A_1368 : f32 to vector<256x128xf32>
    %add3A_1370 = arith.addf %mul3A_1367, %add3A_1369 : vector<256x128xf32>
    %mul3A_1371 = arith.mulf %add3A_1370, %mul3A_1352 : vector<256x128xf32>
    %add3A_1372 = arith.constant -19.7392063 : f32
    %add3A_1373 = vector.broadcast %add3A_1372 : f32 to vector<256x128xf32>
    %add3A_1374 = arith.addf %mul3A_1371, %add3A_1373 : vector<256x128xf32>
    %mul3A_1375 = arith.mulf %add3A_1374, %mul3A_1352 : vector<256x128xf32>
    %add3A_1376 = arith.constant 1.000000e+00 : f32
    %add3A_1377 = vector.broadcast %add3A_1376 : f32 to vector<256x128xf32>
    %add3A_1378 = arith.addf %mul3A_1375, %add3A_1377 : vector<256x128xf32>
    %get3A_1379 = arith.constant 17 : index
    %get3A_1380 = arith.constant 0 : index
    %get3A_1381 = arith.constant 0 : index
    %get3A_1382 = vector.load %arg5[%get3A_1379, %get3A_1380, %get3A_1381] : memref<20x256x128xf32, #tpu.memory_space<vmem>>, vector<1x256x128xf32>
    %get3A_1383 = vector.shape_cast %get3A_1382 : vector<1x256x128xf32> to vector<256x128xf32>
    %get3A_1384 = arith.constant 0 : index
    %get3A_1385 = arith.constant 0 : index
    %get3A_1386 = vector.load %arg10[%get3A_1384, %get3A_1385] : memref<272x256xf32, #tpu.memory_space<vmem>>, vector<128x256xf32>
    %dot_general3A_1387 = arith.constant dense<0.000000e+00> : vector<256x256xf32>
    %dot_general3A_1388 = tpu.matmul %get3A_1383, %get3A_1386, %dot_general3A_1387 {dimension_numbers = #tpu.dot_dimension_numbers<[1], [0], [0], [1], [0, 0, 1, 1], [], []>, transpose_lhs_hint = false} : vector<256x128xf32>, vector<128x256xf32>, vector<256x256xf32> -> vector<256x256xf32>
    %get3A_1389 = arith.constant 128 : index
    %get3A_1390 = arith.constant 0 : index
    %get3A_1391 = vector.load %arg10[%get3A_1389, %get3A_1390] : memref<272x256xf32, #tpu.memory_space<vmem>>, vector<128x256xf32>
    %dot_general3A_1392 = arith.constant dense<0.000000e+00> : vector<256x256xf32>
    %dot_general3A_1393 = tpu.matmul %add3A_1378, %get3A_1391, %dot_general3A_1392 {dimension_numbers = #tpu.dot_dimension_numbers<[1], [0], [0], [1], [0, 0, 1, 1], [], []>, transpose_lhs_hint = false} : vector<256x128xf32>, vector<128x256xf32>, vector<256x256xf32> -> vector<256x256xf32>
    %add3A_1394 = arith.addf %dot_general3A_1388, %dot_general3A_1393 : vector<256x256xf32>
    %get3A_1395 = arith.constant 17 : index
    %get3A_1396 = arith.constant 0 : index
    %get3A_1397 = arith.constant 0 : index
    %get3A_1398 = vector.load %arg6[%get3A_1395, %get3A_1396, %get3A_1397] : memref<20x256x16xf32, #tpu.memory_space<vmem>>, vector<1x256x16xf32>
    %get3A_1399 = vector.shape_cast %get3A_1398 : vector<1x256x16xf32> to vector<256x16xf32>
    %get3A_1400 = arith.constant 256 : index
    %get3A_1401 = arith.constant 0 : index
    %get3A_1402 = vector.load %arg10[%get3A_1400, %get3A_1401] : memref<272x256xf32, #tpu.memory_space<vmem>>, vector<16x256xf32>
    %dot_general3A_1403 = arith.constant dense<0.000000e+00> : vector<256x256xf32>
    %dot_general3A_1404 = tpu.matmul %get3A_1399, %get3A_1402, %dot_general3A_1403 {dimension_numbers = #tpu.dot_dimension_numbers<[1], [0], [0], [1], [0, 0, 1, 1], [], []>, transpose_lhs_hint = false} : vector<256x16xf32>, vector<16x256xf32>, vector<256x256xf32> -> vector<256x256xf32>
    %add3A_1405 = arith.addf %add3A_1394, %dot_general3A_1404 : vector<256x256xf32>
    %slice3A_1406 = vector.extract_strided_slice %add3A_1405 {offsets = [0, 0], sizes = [256, 128], strides = [1, 1]} : vector<256x256xf32> to vector<256x128xf32>
    %slice3A_1407 = vector.extract_strided_slice %add3A_1405 {offsets = [0, 128], sizes = [256, 128], strides = [1, 1]} : vector<256x256xf32> to vector<256x128xf32>
    %slice3A_1408 = vector.extract_strided_slice %slice3A_1406 {offsets = [0, 0], sizes = [256, 64], strides = [1, 1]} : vector<256x128xf32> to vector<256x64xf32>
    %mul3A_1409 = arith.mulf %slice3A, %slice3A_1408 : vector<256x64xf32>
    %reduce_sum3A_1410 = arith.constant dense<0.000000e+00> : vector<256xf32>
    %reduce_sum3A_1411 = vector.multi_reduction <add>, %mul3A_1409, %reduce_sum3A_1410 [1] : vector<256x64xf32> to vector<256xf32>
    %broadcast_in_dim3A_1412 = vector.shape_cast %reduce_sum3A_1411 : vector<256xf32> to vector<256x1xf32>
    %slice3A_1413 = vector.extract_strided_slice %slice3A_1406 {offsets = [0, 64], sizes = [256, 64], strides = [1, 1]} : vector<256x128xf32> to vector<256x64xf32>
    %mul3A_1414 = arith.mulf %slice3A_32, %slice3A_1413 : vector<256x64xf32>
    %reduce_sum3A_1415 = arith.constant dense<0.000000e+00> : vector<256xf32>
    %reduce_sum3A_1416 = vector.multi_reduction <add>, %mul3A_1414, %reduce_sum3A_1415 [1] : vector<256x64xf32> to vector<256xf32>
    %broadcast_in_dim3A_1417 = vector.shape_cast %reduce_sum3A_1416 : vector<256xf32> to vector<256x1xf32>
    %slice3A_1418 = vector.extract_strided_slice %sub3A_24 {offsets = [0, 18], sizes = [256, 1], strides = [1, 1]} : vector<256x20xf32> to vector<256x1xf32>
    %mul3A_1419 = vector.broadcast %slice3A_1418 : vector<256x1xf32> to vector<256x128xf32>
    %mul3A_1420 = vector.broadcast %get3A_4 : vector<1x128xf32> to vector<256x128xf32>
    %mul3A_1421 = arith.mulf %mul3A_1419, %mul3A_1420 : vector<256x128xf32>
    %add3A_1422 = vector.broadcast %get3A_7 : vector<1x128xf32> to vector<256x128xf32>
    %add3A_1423 = arith.addf %mul3A_1421, %add3A_1422 : vector<256x128xf32>
    %mul3A_1424 = arith.constant 0.159154937 : f32
    %mul3A_1425 = vector.broadcast %mul3A_1424 : f32 to vector<256x128xf32>
    %mul3A_1426 = arith.mulf %add3A_1423, %mul3A_1425 : vector<256x128xf32>
    %round3A_1427 = math.roundeven %mul3A_1426 : vector<256x128xf32>
    %sub3A_1428 = arith.subf %mul3A_1426, %round3A_1427 : vector<256x128xf32>
    %mul3A_1429 = arith.mulf %sub3A_1428, %sub3A_1428 : vector<256x128xf32>
    %broadcast_in_dim3A_1430 = arith.constant 6.57552814 : f32
    %broadcast_in_dim3A_1431 = vector.broadcast %broadcast_in_dim3A_1430 : f32 to vector<256x128xf32>
    %mul3A_1432 = arith.mulf %broadcast_in_dim3A_1431, %mul3A_1429 : vector<256x128xf32>
    %add3A_1433 = arith.constant -26.0039749 : f32
    %add3A_1434 = vector.broadcast %add3A_1433 : f32 to vector<256x128xf32>
    %add3A_1435 = arith.addf %mul3A_1432, %add3A_1434 : vector<256x128xf32>
    %mul3A_1436 = arith.mulf %add3A_1435, %mul3A_1429 : vector<256x128xf32>
    %add3A_1437 = arith.constant 60.1782913 : f32
    %add3A_1438 = vector.broadcast %add3A_1437 : f32 to vector<256x128xf32>
    %add3A_1439 = arith.addf %mul3A_1436, %add3A_1438 : vector<256x128xf32>
    %mul3A_1440 = arith.mulf %add3A_1439, %mul3A_1429 : vector<256x128xf32>
    %add3A_1441 = arith.constant -85.4515915 : f32
    %add3A_1442 = vector.broadcast %add3A_1441 : f32 to vector<256x128xf32>
    %add3A_1443 = arith.addf %mul3A_1440, %add3A_1442 : vector<256x128xf32>
    %mul3A_1444 = arith.mulf %add3A_1443, %mul3A_1429 : vector<256x128xf32>
    %add3A_1445 = arith.constant 64.939209 : f32
    %add3A_1446 = vector.broadcast %add3A_1445 : f32 to vector<256x128xf32>
    %add3A_1447 = arith.addf %mul3A_1444, %add3A_1446 : vector<256x128xf32>
    %mul3A_1448 = arith.mulf %add3A_1447, %mul3A_1429 : vector<256x128xf32>
    %add3A_1449 = arith.constant -19.7392063 : f32
    %add3A_1450 = vector.broadcast %add3A_1449 : f32 to vector<256x128xf32>
    %add3A_1451 = arith.addf %mul3A_1448, %add3A_1450 : vector<256x128xf32>
    %mul3A_1452 = arith.mulf %add3A_1451, %mul3A_1429 : vector<256x128xf32>
    %add3A_1453 = arith.constant 1.000000e+00 : f32
    %add3A_1454 = vector.broadcast %add3A_1453 : f32 to vector<256x128xf32>
    %add3A_1455 = arith.addf %mul3A_1452, %add3A_1454 : vector<256x128xf32>
    %get3A_1456 = arith.constant 18 : index
    %get3A_1457 = arith.constant 0 : index
    %get3A_1458 = arith.constant 0 : index
    %get3A_1459 = vector.load %arg5[%get3A_1456, %get3A_1457, %get3A_1458] : memref<20x256x128xf32, #tpu.memory_space<vmem>>, vector<1x256x128xf32>
    %get3A_1460 = vector.shape_cast %get3A_1459 : vector<1x256x128xf32> to vector<256x128xf32>
    %get3A_1461 = arith.constant 0 : index
    %get3A_1462 = arith.constant 0 : index
    %get3A_1463 = vector.load %arg10[%get3A_1461, %get3A_1462] : memref<272x256xf32, #tpu.memory_space<vmem>>, vector<128x256xf32>
    %dot_general3A_1464 = arith.constant dense<0.000000e+00> : vector<256x256xf32>
    %dot_general3A_1465 = tpu.matmul %get3A_1460, %get3A_1463, %dot_general3A_1464 {dimension_numbers = #tpu.dot_dimension_numbers<[1], [0], [0], [1], [0, 0, 1, 1], [], []>, transpose_lhs_hint = false} : vector<256x128xf32>, vector<128x256xf32>, vector<256x256xf32> -> vector<256x256xf32>
    %get3A_1466 = arith.constant 128 : index
    %get3A_1467 = arith.constant 0 : index
    %get3A_1468 = vector.load %arg10[%get3A_1466, %get3A_1467] : memref<272x256xf32, #tpu.memory_space<vmem>>, vector<128x256xf32>
    %dot_general3A_1469 = arith.constant dense<0.000000e+00> : vector<256x256xf32>
    %dot_general3A_1470 = tpu.matmul %add3A_1455, %get3A_1468, %dot_general3A_1469 {dimension_numbers = #tpu.dot_dimension_numbers<[1], [0], [0], [1], [0, 0, 1, 1], [], []>, transpose_lhs_hint = false} : vector<256x128xf32>, vector<128x256xf32>, vector<256x256xf32> -> vector<256x256xf32>
    %add3A_1471 = arith.addf %dot_general3A_1465, %dot_general3A_1470 : vector<256x256xf32>
    %get3A_1472 = arith.constant 18 : index
    %get3A_1473 = arith.constant 0 : index
    %get3A_1474 = arith.constant 0 : index
    %get3A_1475 = vector.load %arg6[%get3A_1472, %get3A_1473, %get3A_1474] : memref<20x256x16xf32, #tpu.memory_space<vmem>>, vector<1x256x16xf32>
    %get3A_1476 = vector.shape_cast %get3A_1475 : vector<1x256x16xf32> to vector<256x16xf32>
    %get3A_1477 = arith.constant 256 : index
    %get3A_1478 = arith.constant 0 : index
    %get3A_1479 = vector.load %arg10[%get3A_1477, %get3A_1478] : memref<272x256xf32, #tpu.memory_space<vmem>>, vector<16x256xf32>
    %dot_general3A_1480 = arith.constant dense<0.000000e+00> : vector<256x256xf32>
    %dot_general3A_1481 = tpu.matmul %get3A_1476, %get3A_1479, %dot_general3A_1480 {dimension_numbers = #tpu.dot_dimension_numbers<[1], [0], [0], [1], [0, 0, 1, 1], [], []>, transpose_lhs_hint = false} : vector<256x16xf32>, vector<16x256xf32>, vector<256x256xf32> -> vector<256x256xf32>
    %add3A_1482 = arith.addf %add3A_1471, %dot_general3A_1481 : vector<256x256xf32>
    %slice3A_1483 = vector.extract_strided_slice %add3A_1482 {offsets = [0, 0], sizes = [256, 128], strides = [1, 1]} : vector<256x256xf32> to vector<256x128xf32>
    %slice3A_1484 = vector.extract_strided_slice %add3A_1482 {offsets = [0, 128], sizes = [256, 128], strides = [1, 1]} : vector<256x256xf32> to vector<256x128xf32>
    %slice3A_1485 = vector.extract_strided_slice %slice3A_1483 {offsets = [0, 0], sizes = [256, 64], strides = [1, 1]} : vector<256x128xf32> to vector<256x64xf32>
    %mul3A_1486 = arith.mulf %slice3A, %slice3A_1485 : vector<256x64xf32>
    %reduce_sum3A_1487 = arith.constant dense<0.000000e+00> : vector<256xf32>
    %reduce_sum3A_1488 = vector.multi_reduction <add>, %mul3A_1486, %reduce_sum3A_1487 [1] : vector<256x64xf32> to vector<256xf32>
    %broadcast_in_dim3A_1489 = vector.shape_cast %reduce_sum3A_1488 : vector<256xf32> to vector<256x1xf32>
    %slice3A_1490 = vector.extract_strided_slice %slice3A_1483 {offsets = [0, 64], sizes = [256, 64], strides = [1, 1]} : vector<256x128xf32> to vector<256x64xf32>
    %mul3A_1491 = arith.mulf %slice3A_32, %slice3A_1490 : vector<256x64xf32>
    %reduce_sum3A_1492 = arith.constant dense<0.000000e+00> : vector<256xf32>
    %reduce_sum3A_1493 = vector.multi_reduction <add>, %mul3A_1491, %reduce_sum3A_1492 [1] : vector<256x64xf32> to vector<256xf32>
    %broadcast_in_dim3A_1494 = vector.shape_cast %reduce_sum3A_1493 : vector<256xf32> to vector<256x1xf32>
    %slice3A_1495 = vector.extract_strided_slice %sub3A_24 {offsets = [0, 19], sizes = [256, 1], strides = [1, 1]} : vector<256x20xf32> to vector<256x1xf32>
    %mul3A_1496 = vector.broadcast %slice3A_1495 : vector<256x1xf32> to vector<256x128xf32>
    %mul3A_1497 = vector.broadcast %get3A_4 : vector<1x128xf32> to vector<256x128xf32>
    %mul3A_1498 = arith.mulf %mul3A_1496, %mul3A_1497 : vector<256x128xf32>
    %add3A_1499 = vector.broadcast %get3A_7 : vector<1x128xf32> to vector<256x128xf32>
    %add3A_1500 = arith.addf %mul3A_1498, %add3A_1499 : vector<256x128xf32>
    %mul3A_1501 = arith.constant 0.159154937 : f32
    %mul3A_1502 = vector.broadcast %mul3A_1501 : f32 to vector<256x128xf32>
    %mul3A_1503 = arith.mulf %add3A_1500, %mul3A_1502 : vector<256x128xf32>
    %round3A_1504 = math.roundeven %mul3A_1503 : vector<256x128xf32>
    %sub3A_1505 = arith.subf %mul3A_1503, %round3A_1504 : vector<256x128xf32>
    %mul3A_1506 = arith.mulf %sub3A_1505, %sub3A_1505 : vector<256x128xf32>
    %broadcast_in_dim3A_1507 = arith.constant 6.57552814 : f32
    %broadcast_in_dim3A_1508 = vector.broadcast %broadcast_in_dim3A_1507 : f32 to vector<256x128xf32>
    %mul3A_1509 = arith.mulf %broadcast_in_dim3A_1508, %mul3A_1506 : vector<256x128xf32>
    %add3A_1510 = arith.constant -26.0039749 : f32
    %add3A_1511 = vector.broadcast %add3A_1510 : f32 to vector<256x128xf32>
    %add3A_1512 = arith.addf %mul3A_1509, %add3A_1511 : vector<256x128xf32>
    %mul3A_1513 = arith.mulf %add3A_1512, %mul3A_1506 : vector<256x128xf32>
    %add3A_1514 = arith.constant 60.1782913 : f32
    %add3A_1515 = vector.broadcast %add3A_1514 : f32 to vector<256x128xf32>
    %add3A_1516 = arith.addf %mul3A_1513, %add3A_1515 : vector<256x128xf32>
    %mul3A_1517 = arith.mulf %add3A_1516, %mul3A_1506 : vector<256x128xf32>
    %add3A_1518 = arith.constant -85.4515915 : f32
    %add3A_1519 = vector.broadcast %add3A_1518 : f32 to vector<256x128xf32>
    %add3A_1520 = arith.addf %mul3A_1517, %add3A_1519 : vector<256x128xf32>
    %mul3A_1521 = arith.mulf %add3A_1520, %mul3A_1506 : vector<256x128xf32>
    %add3A_1522 = arith.constant 64.939209 : f32
    %add3A_1523 = vector.broadcast %add3A_1522 : f32 to vector<256x128xf32>
    %add3A_1524 = arith.addf %mul3A_1521, %add3A_1523 : vector<256x128xf32>
    %mul3A_1525 = arith.mulf %add3A_1524, %mul3A_1506 : vector<256x128xf32>
    %add3A_1526 = arith.constant -19.7392063 : f32
    %add3A_1527 = vector.broadcast %add3A_1526 : f32 to vector<256x128xf32>
    %add3A_1528 = arith.addf %mul3A_1525, %add3A_1527 : vector<256x128xf32>
    %mul3A_1529 = arith.mulf %add3A_1528, %mul3A_1506 : vector<256x128xf32>
    %add3A_1530 = arith.constant 1.000000e+00 : f32
    %add3A_1531 = vector.broadcast %add3A_1530 : f32 to vector<256x128xf32>
    %add3A_1532 = arith.addf %mul3A_1529, %add3A_1531 : vector<256x128xf32>
    %get3A_1533 = arith.constant 19 : index
    %get3A_1534 = arith.constant 0 : index
    %get3A_1535 = arith.constant 0 : index
    %get3A_1536 = vector.load %arg5[%get3A_1533, %get3A_1534, %get3A_1535] : memref<20x256x128xf32, #tpu.memory_space<vmem>>, vector<1x256x128xf32>
    %get3A_1537 = vector.shape_cast %get3A_1536 : vector<1x256x128xf32> to vector<256x128xf32>
    %get3A_1538 = arith.constant 0 : index
    %get3A_1539 = arith.constant 0 : index
    %get3A_1540 = vector.load %arg10[%get3A_1538, %get3A_1539] : memref<272x256xf32, #tpu.memory_space<vmem>>, vector<128x256xf32>
    %dot_general3A_1541 = arith.constant dense<0.000000e+00> : vector<256x256xf32>
    %dot_general3A_1542 = tpu.matmul %get3A_1537, %get3A_1540, %dot_general3A_1541 {dimension_numbers = #tpu.dot_dimension_numbers<[1], [0], [0], [1], [0, 0, 1, 1], [], []>, transpose_lhs_hint = false} : vector<256x128xf32>, vector<128x256xf32>, vector<256x256xf32> -> vector<256x256xf32>
    %get3A_1543 = arith.constant 128 : index
    %get3A_1544 = arith.constant 0 : index
    %get3A_1545 = vector.load %arg10[%get3A_1543, %get3A_1544] : memref<272x256xf32, #tpu.memory_space<vmem>>, vector<128x256xf32>
    %dot_general3A_1546 = arith.constant dense<0.000000e+00> : vector<256x256xf32>
    %dot_general3A_1547 = tpu.matmul %add3A_1532, %get3A_1545, %dot_general3A_1546 {dimension_numbers = #tpu.dot_dimension_numbers<[1], [0], [0], [1], [0, 0, 1, 1], [], []>, transpose_lhs_hint = false} : vector<256x128xf32>, vector<128x256xf32>, vector<256x256xf32> -> vector<256x256xf32>
    %add3A_1548 = arith.addf %dot_general3A_1542, %dot_general3A_1547 : vector<256x256xf32>
    %get3A_1549 = arith.constant 19 : index
    %get3A_1550 = arith.constant 0 : index
    %get3A_1551 = arith.constant 0 : index
    %get3A_1552 = vector.load %arg6[%get3A_1549, %get3A_1550, %get3A_1551] : memref<20x256x16xf32, #tpu.memory_space<vmem>>, vector<1x256x16xf32>
    %get3A_1553 = vector.shape_cast %get3A_1552 : vector<1x256x16xf32> to vector<256x16xf32>
    %get3A_1554 = arith.constant 256 : index
    %get3A_1555 = arith.constant 0 : index
    %get3A_1556 = vector.load %arg10[%get3A_1554, %get3A_1555] : memref<272x256xf32, #tpu.memory_space<vmem>>, vector<16x256xf32>
    %dot_general3A_1557 = arith.constant dense<0.000000e+00> : vector<256x256xf32>
    %dot_general3A_1558 = tpu.matmul %get3A_1553, %get3A_1556, %dot_general3A_1557 {dimension_numbers = #tpu.dot_dimension_numbers<[1], [0], [0], [1], [0, 0, 1, 1], [], []>, transpose_lhs_hint = false} : vector<256x16xf32>, vector<16x256xf32>, vector<256x256xf32> -> vector<256x256xf32>
    %add3A_1559 = arith.addf %add3A_1548, %dot_general3A_1558 : vector<256x256xf32>
    %slice3A_1560 = vector.extract_strided_slice %add3A_1559 {offsets = [0, 0], sizes = [256, 128], strides = [1, 1]} : vector<256x256xf32> to vector<256x128xf32>
    %slice3A_1561 = vector.extract_strided_slice %add3A_1559 {offsets = [0, 128], sizes = [256, 128], strides = [1, 1]} : vector<256x256xf32> to vector<256x128xf32>
    %slice3A_1562 = vector.extract_strided_slice %slice3A_1560 {offsets = [0, 0], sizes = [256, 64], strides = [1, 1]} : vector<256x128xf32> to vector<256x64xf32>
    %mul3A_1563 = arith.mulf %slice3A, %slice3A_1562 : vector<256x64xf32>
    %reduce_sum3A_1564 = arith.constant dense<0.000000e+00> : vector<256xf32>
    %reduce_sum3A_1565 = vector.multi_reduction <add>, %mul3A_1563, %reduce_sum3A_1564 [1] : vector<256x64xf32> to vector<256xf32>
    %broadcast_in_dim3A_1566 = vector.shape_cast %reduce_sum3A_1565 : vector<256xf32> to vector<256x1xf32>
    %slice3A_1567 = vector.extract_strided_slice %slice3A_1560 {offsets = [0, 64], sizes = [256, 64], strides = [1, 1]} : vector<256x128xf32> to vector<256x64xf32>
    %mul3A_1568 = arith.mulf %slice3A_32, %slice3A_1567 : vector<256x64xf32>
    %reduce_sum3A_1569 = arith.constant dense<0.000000e+00> : vector<256xf32>
    %reduce_sum3A_1570 = vector.multi_reduction <add>, %mul3A_1568, %reduce_sum3A_1569 [1] : vector<256x64xf32> to vector<256xf32>
    %broadcast_in_dim3A_1571 = vector.shape_cast %reduce_sum3A_1570 : vector<256xf32> to vector<256x1xf32>
    %concatenate3A = tpu.concatenate %broadcast_in_dim3A_103, %broadcast_in_dim3A_180, %broadcast_in_dim3A_257, %broadcast_in_dim3A_334, %broadcast_in_dim3A_411, %broadcast_in_dim3A_488, %broadcast_in_dim3A_565, %broadcast_in_dim3A_642, %broadcast_in_dim3A_719, %broadcast_in_dim3A_796, %broadcast_in_dim3A_873, %broadcast_in_dim3A_950, %broadcast_in_dim3A_1027, %broadcast_in_dim3A_1104, %broadcast_in_dim3A_1181, %broadcast_in_dim3A_1258, %broadcast_in_dim3A_1335, %broadcast_in_dim3A_1412, %broadcast_in_dim3A_1489, %broadcast_in_dim3A_1566 in 1 : vector<256x1xf32>, vector<256x1xf32>, vector<256x1xf32>, vector<256x1xf32>, vector<256x1xf32>, vector<256x1xf32>, vector<256x1xf32>, vector<256x1xf32>, vector<256x1xf32>, vector<256x1xf32>, vector<256x1xf32>, vector<256x1xf32>, vector<256x1xf32>, vector<256x1xf32>, vector<256x1xf32>, vector<256x1xf32>, vector<256x1xf32>, vector<256x1xf32>, vector<256x1xf32>, vector<256x1xf32> -> vector<256x20xf32>
    %mul3A_1572 = vector.broadcast %div3A_34 : f32 to vector<256x20xf32>
    %mul3A_1573 = arith.mulf %concatenate3A, %mul3A_1572 : vector<256x20xf32>
    %add3A_1574 = arith.addf %mul3A_1573, %select_n3A : vector<256x20xf32>
    %concatenate3A_1575 = tpu.concatenate %broadcast_in_dim3A_108, %broadcast_in_dim3A_185, %broadcast_in_dim3A_262, %broadcast_in_dim3A_339, %broadcast_in_dim3A_416, %broadcast_in_dim3A_493, %broadcast_in_dim3A_570, %broadcast_in_dim3A_647, %broadcast_in_dim3A_724, %broadcast_in_dim3A_801, %broadcast_in_dim3A_878, %broadcast_in_dim3A_955, %broadcast_in_dim3A_1032, %broadcast_in_dim3A_1109, %broadcast_in_dim3A_1186, %broadcast_in_dim3A_1263, %broadcast_in_dim3A_1340, %broadcast_in_dim3A_1417, %broadcast_in_dim3A_1494, %broadcast_in_dim3A_1571 in 1 : vector<256x1xf32>, vector<256x1xf32>, vector<256x1xf32>, vector<256x1xf32>, vector<256x1xf32>, vector<256x1xf32>, vector<256x1xf32>, vector<256x1xf32>, vector<256x1xf32>, vector<256x1xf32>, vector<256x1xf32>, vector<256x1xf32>, vector<256x1xf32>, vector<256x1xf32>, vector<256x1xf32>, vector<256x1xf32>, vector<256x1xf32>, vector<256x1xf32>, vector<256x1xf32>, vector<256x1xf32> -> vector<256x20xf32>
    %mul3A_1576 = vector.broadcast %div3A_34 : f32 to vector<256x20xf32>
    %mul3A_1577 = arith.mulf %concatenate3A_1575, %mul3A_1576 : vector<256x20xf32>
    %add3A_1578 = arith.addf %mul3A_1577, %select_n3A : vector<256x20xf32>
    %reduce_max3A = arith.constant dense<0xFF800000> : vector<256xf32>
    %reduce_max3A_1579 = vector.multi_reduction <maximumf>, %add3A_1574, %reduce_max3A [1] : vector<256x20xf32> to vector<256xf32>
    %broadcast_in_dim3A_1580 = vector.shape_cast %reduce_max3A_1579 : vector<256xf32> to vector<256x1xf32>
    %sub3A_1581 = vector.broadcast %broadcast_in_dim3A_1580 : vector<256x1xf32> to vector<256x20xf32>
    %sub3A_1582 = arith.subf %add3A_1574, %sub3A_1581 : vector<256x20xf32>
    %exp3A = math.exp %sub3A_1582 : vector<256x20xf32>
    %reduce_sum3A_1583 = arith.constant dense<0.000000e+00> : vector<256xf32>
    %reduce_sum3A_1584 = vector.multi_reduction <add>, %exp3A, %reduce_sum3A_1583 [1] : vector<256x20xf32> to vector<256xf32>
    %broadcast_in_dim3A_1585 = vector.shape_cast %reduce_sum3A_1584 : vector<256xf32> to vector<256x1xf32>
    %div3A_1586 = vector.broadcast %broadcast_in_dim3A_1585 : vector<256x1xf32> to vector<256x20xf32>
    %div3A_1587 = arith.divf %exp3A, %div3A_1586 : vector<256x20xf32>
    %reduce_max3A_1588 = arith.constant dense<0xFF800000> : vector<256xf32>
    %reduce_max3A_1589 = vector.multi_reduction <maximumf>, %add3A_1578, %reduce_max3A_1588 [1] : vector<256x20xf32> to vector<256xf32>
    %broadcast_in_dim3A_1590 = vector.shape_cast %reduce_max3A_1589 : vector<256xf32> to vector<256x1xf32>
    %sub3A_1591 = vector.broadcast %broadcast_in_dim3A_1590 : vector<256x1xf32> to vector<256x20xf32>
    %sub3A_1592 = arith.subf %add3A_1578, %sub3A_1591 : vector<256x20xf32>
    %exp3A_1593 = math.exp %sub3A_1592 : vector<256x20xf32>
    %reduce_sum3A_1594 = arith.constant dense<0.000000e+00> : vector<256xf32>
    %reduce_sum3A_1595 = vector.multi_reduction <add>, %exp3A_1593, %reduce_sum3A_1594 [1] : vector<256x20xf32> to vector<256xf32>
    %broadcast_in_dim3A_1596 = vector.shape_cast %reduce_sum3A_1595 : vector<256xf32> to vector<256x1xf32>
    %div3A_1597 = vector.broadcast %broadcast_in_dim3A_1596 : vector<256x1xf32> to vector<256x20xf32>
    %div3A_1598 = arith.divf %exp3A_1593, %div3A_1597 : vector<256x20xf32>
    %broadcast_in_dim3A_1599 = arith.constant 0.000000e+00 : f32
    %broadcast_in_dim3A_1600 = vector.broadcast %broadcast_in_dim3A_1599 : f32 to vector<256x128xf32>
    %slice3A_1601 = vector.extract_strided_slice %div3A_1587 {offsets = [0, 0], sizes = [256, 1], strides = [1, 1]} : vector<256x20xf32> to vector<256x1xf32>
    %slice3A_1602 = vector.extract_strided_slice %slice3A_99 {offsets = [0, 0], sizes = [256, 64], strides = [1, 1]} : vector<256x128xf32> to vector<256x64xf32>
    %mul3A_1603 = vector.broadcast %slice3A_1601 : vector<256x1xf32> to vector<256x64xf32>
    %mul3A_1604 = arith.mulf %mul3A_1603, %slice3A_1602 : vector<256x64xf32>
    %slice3A_1605 = vector.extract_strided_slice %div3A_1598 {offsets = [0, 0], sizes = [256, 1], strides = [1, 1]} : vector<256x20xf32> to vector<256x1xf32>
    %slice3A_1606 = vector.extract_strided_slice %slice3A_99 {offsets = [0, 64], sizes = [256, 64], strides = [1, 1]} : vector<256x128xf32> to vector<256x64xf32>
    %mul3A_1607 = vector.broadcast %slice3A_1605 : vector<256x1xf32> to vector<256x64xf32>
    %mul3A_1608 = arith.mulf %mul3A_1607, %slice3A_1606 : vector<256x64xf32>
    %concatenate3A_1609 = tpu.concatenate %mul3A_1604, %mul3A_1608 in 1 : vector<256x64xf32>, vector<256x64xf32> -> vector<256x128xf32>
    %add3A_1610 = arith.addf %broadcast_in_dim3A_1600, %concatenate3A_1609 : vector<256x128xf32>
    %slice3A_1611 = vector.extract_strided_slice %div3A_1587 {offsets = [0, 1], sizes = [256, 1], strides = [1, 1]} : vector<256x20xf32> to vector<256x1xf32>
    %slice3A_1612 = vector.extract_strided_slice %slice3A_175 {offsets = [0, 0], sizes = [256, 64], strides = [1, 1]} : vector<256x128xf32> to vector<256x64xf32>
    %mul3A_1613 = vector.broadcast %slice3A_1611 : vector<256x1xf32> to vector<256x64xf32>
    %mul3A_1614 = arith.mulf %mul3A_1613, %slice3A_1612 : vector<256x64xf32>
    %slice3A_1615 = vector.extract_strided_slice %div3A_1598 {offsets = [0, 1], sizes = [256, 1], strides = [1, 1]} : vector<256x20xf32> to vector<256x1xf32>
    %slice3A_1616 = vector.extract_strided_slice %slice3A_175 {offsets = [0, 64], sizes = [256, 64], strides = [1, 1]} : vector<256x128xf32> to vector<256x64xf32>
    %mul3A_1617 = vector.broadcast %slice3A_1615 : vector<256x1xf32> to vector<256x64xf32>
    %mul3A_1618 = arith.mulf %mul3A_1617, %slice3A_1616 : vector<256x64xf32>
    %concatenate3A_1619 = tpu.concatenate %mul3A_1614, %mul3A_1618 in 1 : vector<256x64xf32>, vector<256x64xf32> -> vector<256x128xf32>
    %add3A_1620 = arith.addf %add3A_1610, %concatenate3A_1619 : vector<256x128xf32>
    %slice3A_1621 = vector.extract_strided_slice %div3A_1587 {offsets = [0, 2], sizes = [256, 1], strides = [1, 1]} : vector<256x20xf32> to vector<256x1xf32>
    %slice3A_1622 = vector.extract_strided_slice %slice3A_252 {offsets = [0, 0], sizes = [256, 64], strides = [1, 1]} : vector<256x128xf32> to vector<256x64xf32>
    %mul3A_1623 = vector.broadcast %slice3A_1621 : vector<256x1xf32> to vector<256x64xf32>
    %mul3A_1624 = arith.mulf %mul3A_1623, %slice3A_1622 : vector<256x64xf32>
    %slice3A_1625 = vector.extract_strided_slice %div3A_1598 {offsets = [0, 2], sizes = [256, 1], strides = [1, 1]} : vector<256x20xf32> to vector<256x1xf32>
    %slice3A_1626 = vector.extract_strided_slice %slice3A_252 {offsets = [0, 64], sizes = [256, 64], strides = [1, 1]} : vector<256x128xf32> to vector<256x64xf32>
    %mul3A_1627 = vector.broadcast %slice3A_1625 : vector<256x1xf32> to vector<256x64xf32>
    %mul3A_1628 = arith.mulf %mul3A_1627, %slice3A_1626 : vector<256x64xf32>
    %concatenate3A_1629 = tpu.concatenate %mul3A_1624, %mul3A_1628 in 1 : vector<256x64xf32>, vector<256x64xf32> -> vector<256x128xf32>
    %add3A_1630 = arith.addf %add3A_1620, %concatenate3A_1629 : vector<256x128xf32>
    %slice3A_1631 = vector.extract_strided_slice %div3A_1587 {offsets = [0, 3], sizes = [256, 1], strides = [1, 1]} : vector<256x20xf32> to vector<256x1xf32>
    %slice3A_1632 = vector.extract_strided_slice %slice3A_329 {offsets = [0, 0], sizes = [256, 64], strides = [1, 1]} : vector<256x128xf32> to vector<256x64xf32>
    %mul3A_1633 = vector.broadcast %slice3A_1631 : vector<256x1xf32> to vector<256x64xf32>
    %mul3A_1634 = arith.mulf %mul3A_1633, %slice3A_1632 : vector<256x64xf32>
    %slice3A_1635 = vector.extract_strided_slice %div3A_1598 {offsets = [0, 3], sizes = [256, 1], strides = [1, 1]} : vector<256x20xf32> to vector<256x1xf32>
    %slice3A_1636 = vector.extract_strided_slice %slice3A_329 {offsets = [0, 64], sizes = [256, 64], strides = [1, 1]} : vector<256x128xf32> to vector<256x64xf32>
    %mul3A_1637 = vector.broadcast %slice3A_1635 : vector<256x1xf32> to vector<256x64xf32>
    %mul3A_1638 = arith.mulf %mul3A_1637, %slice3A_1636 : vector<256x64xf32>
    %concatenate3A_1639 = tpu.concatenate %mul3A_1634, %mul3A_1638 in 1 : vector<256x64xf32>, vector<256x64xf32> -> vector<256x128xf32>
    %add3A_1640 = arith.addf %add3A_1630, %concatenate3A_1639 : vector<256x128xf32>
    %slice3A_1641 = vector.extract_strided_slice %div3A_1587 {offsets = [0, 4], sizes = [256, 1], strides = [1, 1]} : vector<256x20xf32> to vector<256x1xf32>
    %slice3A_1642 = vector.extract_strided_slice %slice3A_406 {offsets = [0, 0], sizes = [256, 64], strides = [1, 1]} : vector<256x128xf32> to vector<256x64xf32>
    %mul3A_1643 = vector.broadcast %slice3A_1641 : vector<256x1xf32> to vector<256x64xf32>
    %mul3A_1644 = arith.mulf %mul3A_1643, %slice3A_1642 : vector<256x64xf32>
    %slice3A_1645 = vector.extract_strided_slice %div3A_1598 {offsets = [0, 4], sizes = [256, 1], strides = [1, 1]} : vector<256x20xf32> to vector<256x1xf32>
    %slice3A_1646 = vector.extract_strided_slice %slice3A_406 {offsets = [0, 64], sizes = [256, 64], strides = [1, 1]} : vector<256x128xf32> to vector<256x64xf32>
    %mul3A_1647 = vector.broadcast %slice3A_1645 : vector<256x1xf32> to vector<256x64xf32>
    %mul3A_1648 = arith.mulf %mul3A_1647, %slice3A_1646 : vector<256x64xf32>
    %concatenate3A_1649 = tpu.concatenate %mul3A_1644, %mul3A_1648 in 1 : vector<256x64xf32>, vector<256x64xf32> -> vector<256x128xf32>
    %add3A_1650 = arith.addf %add3A_1640, %concatenate3A_1649 : vector<256x128xf32>
    %slice3A_1651 = vector.extract_strided_slice %div3A_1587 {offsets = [0, 5], sizes = [256, 1], strides = [1, 1]} : vector<256x20xf32> to vector<256x1xf32>
    %slice3A_1652 = vector.extract_strided_slice %slice3A_483 {offsets = [0, 0], sizes = [256, 64], strides = [1, 1]} : vector<256x128xf32> to vector<256x64xf32>
    %mul3A_1653 = vector.broadcast %slice3A_1651 : vector<256x1xf32> to vector<256x64xf32>
    %mul3A_1654 = arith.mulf %mul3A_1653, %slice3A_1652 : vector<256x64xf32>
    %slice3A_1655 = vector.extract_strided_slice %div3A_1598 {offsets = [0, 5], sizes = [256, 1], strides = [1, 1]} : vector<256x20xf32> to vector<256x1xf32>
    %slice3A_1656 = vector.extract_strided_slice %slice3A_483 {offsets = [0, 64], sizes = [256, 64], strides = [1, 1]} : vector<256x128xf32> to vector<256x64xf32>
    %mul3A_1657 = vector.broadcast %slice3A_1655 : vector<256x1xf32> to vector<256x64xf32>
    %mul3A_1658 = arith.mulf %mul3A_1657, %slice3A_1656 : vector<256x64xf32>
    %concatenate3A_1659 = tpu.concatenate %mul3A_1654, %mul3A_1658 in 1 : vector<256x64xf32>, vector<256x64xf32> -> vector<256x128xf32>
    %add3A_1660 = arith.addf %add3A_1650, %concatenate3A_1659 : vector<256x128xf32>
    %slice3A_1661 = vector.extract_strided_slice %div3A_1587 {offsets = [0, 6], sizes = [256, 1], strides = [1, 1]} : vector<256x20xf32> to vector<256x1xf32>
    %slice3A_1662 = vector.extract_strided_slice %slice3A_560 {offsets = [0, 0], sizes = [256, 64], strides = [1, 1]} : vector<256x128xf32> to vector<256x64xf32>
    %mul3A_1663 = vector.broadcast %slice3A_1661 : vector<256x1xf32> to vector<256x64xf32>
    %mul3A_1664 = arith.mulf %mul3A_1663, %slice3A_1662 : vector<256x64xf32>
    %slice3A_1665 = vector.extract_strided_slice %div3A_1598 {offsets = [0, 6], sizes = [256, 1], strides = [1, 1]} : vector<256x20xf32> to vector<256x1xf32>
    %slice3A_1666 = vector.extract_strided_slice %slice3A_560 {offsets = [0, 64], sizes = [256, 64], strides = [1, 1]} : vector<256x128xf32> to vector<256x64xf32>
    %mul3A_1667 = vector.broadcast %slice3A_1665 : vector<256x1xf32> to vector<256x64xf32>
    %mul3A_1668 = arith.mulf %mul3A_1667, %slice3A_1666 : vector<256x64xf32>
    %concatenate3A_1669 = tpu.concatenate %mul3A_1664, %mul3A_1668 in 1 : vector<256x64xf32>, vector<256x64xf32> -> vector<256x128xf32>
    %add3A_1670 = arith.addf %add3A_1660, %concatenate3A_1669 : vector<256x128xf32>
    %slice3A_1671 = vector.extract_strided_slice %div3A_1587 {offsets = [0, 7], sizes = [256, 1], strides = [1, 1]} : vector<256x20xf32> to vector<256x1xf32>
    %slice3A_1672 = vector.extract_strided_slice %slice3A_637 {offsets = [0, 0], sizes = [256, 64], strides = [1, 1]} : vector<256x128xf32> to vector<256x64xf32>
    %mul3A_1673 = vector.broadcast %slice3A_1671 : vector<256x1xf32> to vector<256x64xf32>
    %mul3A_1674 = arith.mulf %mul3A_1673, %slice3A_1672 : vector<256x64xf32>
    %slice3A_1675 = vector.extract_strided_slice %div3A_1598 {offsets = [0, 7], sizes = [256, 1], strides = [1, 1]} : vector<256x20xf32> to vector<256x1xf32>
    %slice3A_1676 = vector.extract_strided_slice %slice3A_637 {offsets = [0, 64], sizes = [256, 64], strides = [1, 1]} : vector<256x128xf32> to vector<256x64xf32>
    %mul3A_1677 = vector.broadcast %slice3A_1675 : vector<256x1xf32> to vector<256x64xf32>
    %mul3A_1678 = arith.mulf %mul3A_1677, %slice3A_1676 : vector<256x64xf32>
    %concatenate3A_1679 = tpu.concatenate %mul3A_1674, %mul3A_1678 in 1 : vector<256x64xf32>, vector<256x64xf32> -> vector<256x128xf32>
    %add3A_1680 = arith.addf %add3A_1670, %concatenate3A_1679 : vector<256x128xf32>
    %slice3A_1681 = vector.extract_strided_slice %div3A_1587 {offsets = [0, 8], sizes = [256, 1], strides = [1, 1]} : vector<256x20xf32> to vector<256x1xf32>
    %slice3A_1682 = vector.extract_strided_slice %slice3A_714 {offsets = [0, 0], sizes = [256, 64], strides = [1, 1]} : vector<256x128xf32> to vector<256x64xf32>
    %mul3A_1683 = vector.broadcast %slice3A_1681 : vector<256x1xf32> to vector<256x64xf32>
    %mul3A_1684 = arith.mulf %mul3A_1683, %slice3A_1682 : vector<256x64xf32>
    %slice3A_1685 = vector.extract_strided_slice %div3A_1598 {offsets = [0, 8], sizes = [256, 1], strides = [1, 1]} : vector<256x20xf32> to vector<256x1xf32>
    %slice3A_1686 = vector.extract_strided_slice %slice3A_714 {offsets = [0, 64], sizes = [256, 64], strides = [1, 1]} : vector<256x128xf32> to vector<256x64xf32>
    %mul3A_1687 = vector.broadcast %slice3A_1685 : vector<256x1xf32> to vector<256x64xf32>
    %mul3A_1688 = arith.mulf %mul3A_1687, %slice3A_1686 : vector<256x64xf32>
    %concatenate3A_1689 = tpu.concatenate %mul3A_1684, %mul3A_1688 in 1 : vector<256x64xf32>, vector<256x64xf32> -> vector<256x128xf32>
    %add3A_1690 = arith.addf %add3A_1680, %concatenate3A_1689 : vector<256x128xf32>
    %slice3A_1691 = vector.extract_strided_slice %div3A_1587 {offsets = [0, 9], sizes = [256, 1], strides = [1, 1]} : vector<256x20xf32> to vector<256x1xf32>
    %slice3A_1692 = vector.extract_strided_slice %slice3A_791 {offsets = [0, 0], sizes = [256, 64], strides = [1, 1]} : vector<256x128xf32> to vector<256x64xf32>
    %mul3A_1693 = vector.broadcast %slice3A_1691 : vector<256x1xf32> to vector<256x64xf32>
    %mul3A_1694 = arith.mulf %mul3A_1693, %slice3A_1692 : vector<256x64xf32>
    %slice3A_1695 = vector.extract_strided_slice %div3A_1598 {offsets = [0, 9], sizes = [256, 1], strides = [1, 1]} : vector<256x20xf32> to vector<256x1xf32>
    %slice3A_1696 = vector.extract_strided_slice %slice3A_791 {offsets = [0, 64], sizes = [256, 64], strides = [1, 1]} : vector<256x128xf32> to vector<256x64xf32>
    %mul3A_1697 = vector.broadcast %slice3A_1695 : vector<256x1xf32> to vector<256x64xf32>
    %mul3A_1698 = arith.mulf %mul3A_1697, %slice3A_1696 : vector<256x64xf32>
    %concatenate3A_1699 = tpu.concatenate %mul3A_1694, %mul3A_1698 in 1 : vector<256x64xf32>, vector<256x64xf32> -> vector<256x128xf32>
    %add3A_1700 = arith.addf %add3A_1690, %concatenate3A_1699 : vector<256x128xf32>
    %slice3A_1701 = vector.extract_strided_slice %div3A_1587 {offsets = [0, 10], sizes = [256, 1], strides = [1, 1]} : vector<256x20xf32> to vector<256x1xf32>
    %slice3A_1702 = vector.extract_strided_slice %slice3A_868 {offsets = [0, 0], sizes = [256, 64], strides = [1, 1]} : vector<256x128xf32> to vector<256x64xf32>
    %mul3A_1703 = vector.broadcast %slice3A_1701 : vector<256x1xf32> to vector<256x64xf32>
    %mul3A_1704 = arith.mulf %mul3A_1703, %slice3A_1702 : vector<256x64xf32>
    %slice3A_1705 = vector.extract_strided_slice %div3A_1598 {offsets = [0, 10], sizes = [256, 1], strides = [1, 1]} : vector<256x20xf32> to vector<256x1xf32>
    %slice3A_1706 = vector.extract_strided_slice %slice3A_868 {offsets = [0, 64], sizes = [256, 64], strides = [1, 1]} : vector<256x128xf32> to vector<256x64xf32>
    %mul3A_1707 = vector.broadcast %slice3A_1705 : vector<256x1xf32> to vector<256x64xf32>
    %mul3A_1708 = arith.mulf %mul3A_1707, %slice3A_1706 : vector<256x64xf32>
    %concatenate3A_1709 = tpu.concatenate %mul3A_1704, %mul3A_1708 in 1 : vector<256x64xf32>, vector<256x64xf32> -> vector<256x128xf32>
    %add3A_1710 = arith.addf %add3A_1700, %concatenate3A_1709 : vector<256x128xf32>
    %slice3A_1711 = vector.extract_strided_slice %div3A_1587 {offsets = [0, 11], sizes = [256, 1], strides = [1, 1]} : vector<256x20xf32> to vector<256x1xf32>
    %slice3A_1712 = vector.extract_strided_slice %slice3A_945 {offsets = [0, 0], sizes = [256, 64], strides = [1, 1]} : vector<256x128xf32> to vector<256x64xf32>
    %mul3A_1713 = vector.broadcast %slice3A_1711 : vector<256x1xf32> to vector<256x64xf32>
    %mul3A_1714 = arith.mulf %mul3A_1713, %slice3A_1712 : vector<256x64xf32>
    %slice3A_1715 = vector.extract_strided_slice %div3A_1598 {offsets = [0, 11], sizes = [256, 1], strides = [1, 1]} : vector<256x20xf32> to vector<256x1xf32>
    %slice3A_1716 = vector.extract_strided_slice %slice3A_945 {offsets = [0, 64], sizes = [256, 64], strides = [1, 1]} : vector<256x128xf32> to vector<256x64xf32>
    %mul3A_1717 = vector.broadcast %slice3A_1715 : vector<256x1xf32> to vector<256x64xf32>
    %mul3A_1718 = arith.mulf %mul3A_1717, %slice3A_1716 : vector<256x64xf32>
    %concatenate3A_1719 = tpu.concatenate %mul3A_1714, %mul3A_1718 in 1 : vector<256x64xf32>, vector<256x64xf32> -> vector<256x128xf32>
    %add3A_1720 = arith.addf %add3A_1710, %concatenate3A_1719 : vector<256x128xf32>
    %slice3A_1721 = vector.extract_strided_slice %div3A_1587 {offsets = [0, 12], sizes = [256, 1], strides = [1, 1]} : vector<256x20xf32> to vector<256x1xf32>
    %slice3A_1722 = vector.extract_strided_slice %slice3A_1022 {offsets = [0, 0], sizes = [256, 64], strides = [1, 1]} : vector<256x128xf32> to vector<256x64xf32>
    %mul3A_1723 = vector.broadcast %slice3A_1721 : vector<256x1xf32> to vector<256x64xf32>
    %mul3A_1724 = arith.mulf %mul3A_1723, %slice3A_1722 : vector<256x64xf32>
    %slice3A_1725 = vector.extract_strided_slice %div3A_1598 {offsets = [0, 12], sizes = [256, 1], strides = [1, 1]} : vector<256x20xf32> to vector<256x1xf32>
    %slice3A_1726 = vector.extract_strided_slice %slice3A_1022 {offsets = [0, 64], sizes = [256, 64], strides = [1, 1]} : vector<256x128xf32> to vector<256x64xf32>
    %mul3A_1727 = vector.broadcast %slice3A_1725 : vector<256x1xf32> to vector<256x64xf32>
    %mul3A_1728 = arith.mulf %mul3A_1727, %slice3A_1726 : vector<256x64xf32>
    %concatenate3A_1729 = tpu.concatenate %mul3A_1724, %mul3A_1728 in 1 : vector<256x64xf32>, vector<256x64xf32> -> vector<256x128xf32>
    %add3A_1730 = arith.addf %add3A_1720, %concatenate3A_1729 : vector<256x128xf32>
    %slice3A_1731 = vector.extract_strided_slice %div3A_1587 {offsets = [0, 13], sizes = [256, 1], strides = [1, 1]} : vector<256x20xf32> to vector<256x1xf32>
    %slice3A_1732 = vector.extract_strided_slice %slice3A_1099 {offsets = [0, 0], sizes = [256, 64], strides = [1, 1]} : vector<256x128xf32> to vector<256x64xf32>
    %mul3A_1733 = vector.broadcast %slice3A_1731 : vector<256x1xf32> to vector<256x64xf32>
    %mul3A_1734 = arith.mulf %mul3A_1733, %slice3A_1732 : vector<256x64xf32>
    %slice3A_1735 = vector.extract_strided_slice %div3A_1598 {offsets = [0, 13], sizes = [256, 1], strides = [1, 1]} : vector<256x20xf32> to vector<256x1xf32>
    %slice3A_1736 = vector.extract_strided_slice %slice3A_1099 {offsets = [0, 64], sizes = [256, 64], strides = [1, 1]} : vector<256x128xf32> to vector<256x64xf32>
    %mul3A_1737 = vector.broadcast %slice3A_1735 : vector<256x1xf32> to vector<256x64xf32>
    %mul3A_1738 = arith.mulf %mul3A_1737, %slice3A_1736 : vector<256x64xf32>
    %concatenate3A_1739 = tpu.concatenate %mul3A_1734, %mul3A_1738 in 1 : vector<256x64xf32>, vector<256x64xf32> -> vector<256x128xf32>
    %add3A_1740 = arith.addf %add3A_1730, %concatenate3A_1739 : vector<256x128xf32>
    %slice3A_1741 = vector.extract_strided_slice %div3A_1587 {offsets = [0, 14], sizes = [256, 1], strides = [1, 1]} : vector<256x20xf32> to vector<256x1xf32>
    %slice3A_1742 = vector.extract_strided_slice %slice3A_1176 {offsets = [0, 0], sizes = [256, 64], strides = [1, 1]} : vector<256x128xf32> to vector<256x64xf32>
    %mul3A_1743 = vector.broadcast %slice3A_1741 : vector<256x1xf32> to vector<256x64xf32>
    %mul3A_1744 = arith.mulf %mul3A_1743, %slice3A_1742 : vector<256x64xf32>
    %slice3A_1745 = vector.extract_strided_slice %div3A_1598 {offsets = [0, 14], sizes = [256, 1], strides = [1, 1]} : vector<256x20xf32> to vector<256x1xf32>
    %slice3A_1746 = vector.extract_strided_slice %slice3A_1176 {offsets = [0, 64], sizes = [256, 64], strides = [1, 1]} : vector<256x128xf32> to vector<256x64xf32>
    %mul3A_1747 = vector.broadcast %slice3A_1745 : vector<256x1xf32> to vector<256x64xf32>
    %mul3A_1748 = arith.mulf %mul3A_1747, %slice3A_1746 : vector<256x64xf32>
    %concatenate3A_1749 = tpu.concatenate %mul3A_1744, %mul3A_1748 in 1 : vector<256x64xf32>, vector<256x64xf32> -> vector<256x128xf32>
    %add3A_1750 = arith.addf %add3A_1740, %concatenate3A_1749 : vector<256x128xf32>
    %slice3A_1751 = vector.extract_strided_slice %div3A_1587 {offsets = [0, 15], sizes = [256, 1], strides = [1, 1]} : vector<256x20xf32> to vector<256x1xf32>
    %slice3A_1752 = vector.extract_strided_slice %slice3A_1253 {offsets = [0, 0], sizes = [256, 64], strides = [1, 1]} : vector<256x128xf32> to vector<256x64xf32>
    %mul3A_1753 = vector.broadcast %slice3A_1751 : vector<256x1xf32> to vector<256x64xf32>
    %mul3A_1754 = arith.mulf %mul3A_1753, %slice3A_1752 : vector<256x64xf32>
    %slice3A_1755 = vector.extract_strided_slice %div3A_1598 {offsets = [0, 15], sizes = [256, 1], strides = [1, 1]} : vector<256x20xf32> to vector<256x1xf32>
    %slice3A_1756 = vector.extract_strided_slice %slice3A_1253 {offsets = [0, 64], sizes = [256, 64], strides = [1, 1]} : vector<256x128xf32> to vector<256x64xf32>
    %mul3A_1757 = vector.broadcast %slice3A_1755 : vector<256x1xf32> to vector<256x64xf32>
    %mul3A_1758 = arith.mulf %mul3A_1757, %slice3A_1756 : vector<256x64xf32>
    %concatenate3A_1759 = tpu.concatenate %mul3A_1754, %mul3A_1758 in 1 : vector<256x64xf32>, vector<256x64xf32> -> vector<256x128xf32>
    %add3A_1760 = arith.addf %add3A_1750, %concatenate3A_1759 : vector<256x128xf32>
    %slice3A_1761 = vector.extract_strided_slice %div3A_1587 {offsets = [0, 16], sizes = [256, 1], strides = [1, 1]} : vector<256x20xf32> to vector<256x1xf32>
    %slice3A_1762 = vector.extract_strided_slice %slice3A_1330 {offsets = [0, 0], sizes = [256, 64], strides = [1, 1]} : vector<256x128xf32> to vector<256x64xf32>
    %mul3A_1763 = vector.broadcast %slice3A_1761 : vector<256x1xf32> to vector<256x64xf32>
    %mul3A_1764 = arith.mulf %mul3A_1763, %slice3A_1762 : vector<256x64xf32>
    %slice3A_1765 = vector.extract_strided_slice %div3A_1598 {offsets = [0, 16], sizes = [256, 1], strides = [1, 1]} : vector<256x20xf32> to vector<256x1xf32>
    %slice3A_1766 = vector.extract_strided_slice %slice3A_1330 {offsets = [0, 64], sizes = [256, 64], strides = [1, 1]} : vector<256x128xf32> to vector<256x64xf32>
    %mul3A_1767 = vector.broadcast %slice3A_1765 : vector<256x1xf32> to vector<256x64xf32>
    %mul3A_1768 = arith.mulf %mul3A_1767, %slice3A_1766 : vector<256x64xf32>
    %concatenate3A_1769 = tpu.concatenate %mul3A_1764, %mul3A_1768 in 1 : vector<256x64xf32>, vector<256x64xf32> -> vector<256x128xf32>
    %add3A_1770 = arith.addf %add3A_1760, %concatenate3A_1769 : vector<256x128xf32>
    %slice3A_1771 = vector.extract_strided_slice %div3A_1587 {offsets = [0, 17], sizes = [256, 1], strides = [1, 1]} : vector<256x20xf32> to vector<256x1xf32>
    %slice3A_1772 = vector.extract_strided_slice %slice3A_1407 {offsets = [0, 0], sizes = [256, 64], strides = [1, 1]} : vector<256x128xf32> to vector<256x64xf32>
    %mul3A_1773 = vector.broadcast %slice3A_1771 : vector<256x1xf32> to vector<256x64xf32>
    %mul3A_1774 = arith.mulf %mul3A_1773, %slice3A_1772 : vector<256x64xf32>
    %slice3A_1775 = vector.extract_strided_slice %div3A_1598 {offsets = [0, 17], sizes = [256, 1], strides = [1, 1]} : vector<256x20xf32> to vector<256x1xf32>
    %slice3A_1776 = vector.extract_strided_slice %slice3A_1407 {offsets = [0, 64], sizes = [256, 64], strides = [1, 1]} : vector<256x128xf32> to vector<256x64xf32>
    %mul3A_1777 = vector.broadcast %slice3A_1775 : vector<256x1xf32> to vector<256x64xf32>
    %mul3A_1778 = arith.mulf %mul3A_1777, %slice3A_1776 : vector<256x64xf32>
    %concatenate3A_1779 = tpu.concatenate %mul3A_1774, %mul3A_1778 in 1 : vector<256x64xf32>, vector<256x64xf32> -> vector<256x128xf32>
    %add3A_1780 = arith.addf %add3A_1770, %concatenate3A_1779 : vector<256x128xf32>
    %slice3A_1781 = vector.extract_strided_slice %div3A_1587 {offsets = [0, 18], sizes = [256, 1], strides = [1, 1]} : vector<256x20xf32> to vector<256x1xf32>
    %slice3A_1782 = vector.extract_strided_slice %slice3A_1484 {offsets = [0, 0], sizes = [256, 64], strides = [1, 1]} : vector<256x128xf32> to vector<256x64xf32>
    %mul3A_1783 = vector.broadcast %slice3A_1781 : vector<256x1xf32> to vector<256x64xf32>
    %mul3A_1784 = arith.mulf %mul3A_1783, %slice3A_1782 : vector<256x64xf32>
    %slice3A_1785 = vector.extract_strided_slice %div3A_1598 {offsets = [0, 18], sizes = [256, 1], strides = [1, 1]} : vector<256x20xf32> to vector<256x1xf32>
    %slice3A_1786 = vector.extract_strided_slice %slice3A_1484 {offsets = [0, 64], sizes = [256, 64], strides = [1, 1]} : vector<256x128xf32> to vector<256x64xf32>
    %mul3A_1787 = vector.broadcast %slice3A_1785 : vector<256x1xf32> to vector<256x64xf32>
    %mul3A_1788 = arith.mulf %mul3A_1787, %slice3A_1786 : vector<256x64xf32>
    %concatenate3A_1789 = tpu.concatenate %mul3A_1784, %mul3A_1788 in 1 : vector<256x64xf32>, vector<256x64xf32> -> vector<256x128xf32>
    %add3A_1790 = arith.addf %add3A_1780, %concatenate3A_1789 : vector<256x128xf32>
    %slice3A_1791 = vector.extract_strided_slice %div3A_1587 {offsets = [0, 19], sizes = [256, 1], strides = [1, 1]} : vector<256x20xf32> to vector<256x1xf32>
    %slice3A_1792 = vector.extract_strided_slice %slice3A_1561 {offsets = [0, 0], sizes = [256, 64], strides = [1, 1]} : vector<256x128xf32> to vector<256x64xf32>
    %mul3A_1793 = vector.broadcast %slice3A_1791 : vector<256x1xf32> to vector<256x64xf32>
    %mul3A_1794 = arith.mulf %mul3A_1793, %slice3A_1792 : vector<256x64xf32>
    %slice3A_1795 = vector.extract_strided_slice %div3A_1598 {offsets = [0, 19], sizes = [256, 1], strides = [1, 1]} : vector<256x20xf32> to vector<256x1xf32>
    %slice3A_1796 = vector.extract_strided_slice %slice3A_1561 {offsets = [0, 64], sizes = [256, 64], strides = [1, 1]} : vector<256x128xf32> to vector<256x64xf32>
    %mul3A_1797 = vector.broadcast %slice3A_1795 : vector<256x1xf32> to vector<256x64xf32>
    %mul3A_1798 = arith.mulf %mul3A_1797, %slice3A_1796 : vector<256x64xf32>
    %concatenate3A_1799 = tpu.concatenate %mul3A_1794, %mul3A_1798 in 1 : vector<256x64xf32>, vector<256x64xf32> -> vector<256x128xf32>
    %add3A_1800 = arith.addf %add3A_1790, %concatenate3A_1799 : vector<256x128xf32>
    %get3A_1801 = arith.constant 0 : index
    %get3A_1802 = arith.constant 0 : index
    %get3A_1803 = vector.load %arg11[%get3A_1801, %get3A_1802] : memref<256x128xf32, #tpu.memory_space<vmem>>, vector<128x128xf32>
    %dot_general3A_1804 = arith.constant dense<0.000000e+00> : vector<256x128xf32>
    %dot_general3A_1805 = tpu.matmul %add3A_1800, %get3A_1803, %dot_general3A_1804 {dimension_numbers = #tpu.dot_dimension_numbers<[1], [0], [0], [1], [0, 0, 1, 1], [], []>, transpose_lhs_hint = false} : vector<256x128xf32>, vector<128x128xf32>, vector<256x128xf32> -> vector<256x128xf32>
    %get3A_1806 = arith.constant 128 : index
    %get3A_1807 = arith.constant 0 : index
    %get3A_1808 = vector.load %arg11[%get3A_1806, %get3A_1807] : memref<256x128xf32, #tpu.memory_space<vmem>>, vector<128x128xf32>
    %dot_general3A_1809 = arith.constant dense<0.000000e+00> : vector<256x128xf32>
    %dot_general3A_1810 = tpu.matmul %get3A_1, %get3A_1808, %dot_general3A_1809 {dimension_numbers = #tpu.dot_dimension_numbers<[1], [0], [0], [1], [0, 0, 1, 1], [], []>, transpose_lhs_hint = false} : vector<256x128xf32>, vector<128x128xf32>, vector<256x128xf32> -> vector<256x128xf32>
    %add3A_1811 = arith.addf %dot_general3A_1805, %dot_general3A_1810 : vector<256x128xf32>
    %get3A_1812 = arith.constant 0 : index
    %get3A_1813 = arith.constant 0 : index
    %get3A_1814 = vector.load %arg12[%get3A_1812, %get3A_1813] : memref<1x128xf32, #tpu.memory_space<vmem>>, vector<1x128xf32>
    %add3A_1815 = vector.broadcast %get3A_1814 : vector<1x128xf32> to vector<256x128xf32>
    %add3A_1816 = arith.addf %add3A_1811, %add3A_1815 : vector<256x128xf32>
    %max3A = arith.constant 0.000000e+00 : f32
    %max3A_1817 = vector.broadcast %max3A : f32 to vector<256x128xf32>
    %max3A_1818 = arith.maximumf %add3A_1816, %max3A_1817 : vector<256x128xf32>
    %get3A_1819 = arith.constant 0 : index
    %get3A_1820 = arith.constant 0 : index
    %get3A_1821 = vector.load %arg13[%get3A_1819, %get3A_1820] : memref<128x128xf32, #tpu.memory_space<vmem>>, vector<128x128xf32>
    %dot_general3A_1822 = arith.constant dense<0.000000e+00> : vector<256x128xf32>
    %dot_general3A_1823 = tpu.matmul %max3A_1818, %get3A_1821, %dot_general3A_1822 {dimension_numbers = #tpu.dot_dimension_numbers<[1], [0], [0], [1], [0, 0, 1, 1], [], []>, transpose_lhs_hint = false} : vector<256x128xf32>, vector<128x128xf32>, vector<256x128xf32> -> vector<256x128xf32>
    %get3A_1824 = arith.constant 0 : index
    %get3A_1825 = arith.constant 0 : index
    %get3A_1826 = vector.load %arg14[%get3A_1824, %get3A_1825] : memref<1x128xf32, #tpu.memory_space<vmem>>, vector<1x128xf32>
    %add3A_1827 = vector.broadcast %get3A_1826 : vector<1x128xf32> to vector<256x128xf32>
    %add3A_1828 = arith.addf %dot_general3A_1823, %add3A_1827 : vector<256x128xf32>
    %swap3A = arith.constant 0 : index
    %swap3A_1829 = arith.constant 0 : index
    %swap3A_1830 = vector.load %arg15[%swap3A, %swap3A_1829] : memref<256x128xf32, #tpu.memory_space<vmem>>, vector<256x128xf32>
    tpu.vector_store %arg15[%swap3A, %swap3A_1829], %add3A_1828 {strides = array<i32>} : memref<256x128xf32, #tpu.memory_space<vmem>>, vector<256x128xf32>,
    return
  }
  func.func @transform_0(%arg0: i32) -> (i32, i32) {
    %c0_i32 = arith.constant 0 : i32
    %c0_i32_0 = arith.constant 0 : i32
    return %arg0, %c0_i32 : i32, i32
  }
  func.func @transform_1(%arg0: i32) -> (i32, i32) {
    %c0_i32 = arith.constant 0 : i32
    %c0_i32_0 = arith.constant 0 : i32
    return %arg0, %c0_i32 : i32, i32
  }
  func.func @transform_2(%arg0: i32) -> (i32, i32) {
    %c0_i32 = arith.constant 0 : i32
    %c0_i32_0 = arith.constant 0 : i32
    return %arg0, %c0_i32 : i32, i32
  }
  func.func @transform_3(%arg0: i32) -> (i32, i32) {
    %c0_i32 = arith.constant 0 : i32
    %c0_i32_0 = arith.constant 0 : i32
    return %arg0, %c0_i32 : i32, i32
  }
  func.func @transform_4(%arg0: i32) -> (i32, i32, i32) {
    %c0_i32 = arith.constant 0 : i32
    %c0_i32_0 = arith.constant 0 : i32
    %c0_i32_1 = arith.constant 0 : i32
    return %c0_i32, %arg0, %c0_i32_0 : i32, i32, i32
  }
  func.func @transform_5(%arg0: i32) -> (i32, i32, i32) {
    %c0_i32 = arith.constant 0 : i32
    %c0_i32_0 = arith.constant 0 : i32
    %c0_i32_1 = arith.constant 0 : i32
    return %c0_i32, %arg0, %c0_i32_0 : i32, i32, i32
  }
  func.func @transform_6(%arg0: i32) -> (i32, i32) {
    %c0_i32 = arith.constant 0 : i32
    %c0_i32_0 = arith.constant 0 : i32
    %c0_i32_1 = arith.constant 0 : i32
    return %c0_i32, %c0_i32_0 : i32, i32
  }
  func.func @transform_7(%arg0: i32) -> (i32, i32) {
    %c0_i32 = arith.constant 0 : i32
    %c0_i32_0 = arith.constant 0 : i32
    %c0_i32_1 = arith.constant 0 : i32
    return %c0_i32, %c0_i32_0 : i32, i32
  }
  func.func @transform_8(%arg0: i32) -> (i32, i32) {
    %c0_i32 = arith.constant 0 : i32
    %c0_i32_0 = arith.constant 0 : i32
    %c0_i32_1 = arith.constant 0 : i32
    return %c0_i32, %c0_i32_0 : i32, i32
  }
  func.func @transform_9(%arg0: i32) -> (i32, i32) {
    %c0_i32 = arith.constant 0 : i32
    %c0_i32_0 = arith.constant 0 : i32
    %c0_i32_1 = arith.constant 0 : i32
    return %c0_i32, %c0_i32_0 : i32, i32
  }
  func.func @transform_10(%arg0: i32) -> (i32, i32) {
    %c0_i32 = arith.constant 0 : i32
    %c0_i32_0 = arith.constant 0 : i32
    %c0_i32_1 = arith.constant 0 : i32
    return %c0_i32, %c0_i32_0 : i32, i32
  }
  func.func @transform_11(%arg0: i32) -> (i32, i32) {
    %c0_i32 = arith.constant 0 : i32
    %c0_i32_0 = arith.constant 0 : i32
    %c0_i32_1 = arith.constant 0 : i32
    return %c0_i32, %c0_i32_0 : i32, i32
  }
  func.func @transform_12(%arg0: i32) -> (i32, i32) {
    %c0_i32 = arith.constant 0 : i32
    %c0_i32_0 = arith.constant 0 : i32
    %c0_i32_1 = arith.constant 0 : i32
    return %c0_i32, %c0_i32_0 : i32, i32
  }
  func.func @transform_13(%arg0: i32) -> (i32, i32) {
    %c0_i32 = arith.constant 0 : i32
    %c0_i32_0 = arith.constant 0 : i32
    %c0_i32_1 = arith.constant 0 : i32
    return %c0_i32, %c0_i32_0 : i32, i32
  }
  func.func @transform_14(%arg0: i32) -> (i32, i32) {
    %c0_i32 = arith.constant 0 : i32
    %c0_i32_0 = arith.constant 0 : i32
    return %arg0, %c0_i32 : i32, i32
  }
}

</mosaic_0001>

<sc_bundles>
// kernel: kernel.5.cloned.1.call-start
scs
__scs_entry_jumppad:
0x0: {  	(pc) =	sbr.rel $0x88, $3  }
0x1: {  	(tag) =	ssettag $0x0;
	lr =	simm.s32 $0x1  }
0x2: {  	[smem:$0x3F90] =	sst lr;
	_ =	strace $0xD0000000  }
0x3: {  	_ = 	snop  }
0x4: {  	_ = 	snop  }
0x5: {  	_ = 	snop  }
0x6: {  	_ = 	snop  }
0x7: {  	_ = 	snop  }
__scs_overlays_trampoline_lowered:
0x8: {  	[smem:$0x3F9F] =	sst s0  }
0x9: {  	[smem:$0x3FA0] =	sst s1  }
0xa: {  	[smem:$0x3FA1] =	sst s2  }
0xb: {  	[smem:$0x3FA2] =	sst s3  }
0xc: {  	[smem:$0x3FA3] =	sst s4  }
0xd: {  	[smem:$0x3FA4] =	sst s5  }
0xe: {  	[smem:$0x3FA5] =	sst s6  }
0xf: {  	[smem:$0x3FA6] =	sst s7  }
0x10: {  	[smem:$0x3FA7] =	sst s8  }
0x11: {  	[smem:$0x3FA8] =	sst s9;
	s0 =	simm.s32 @!p0 $0x0  }
0x12: {  	s1 =	sld [smem:$0x3F8E];
	s0 =	simm.s32 @p0 $0x1  }
0x13: {  	[smem:$0x3FA9] =	sst s0;
	s0 =	simm.s32 @!p1 $0x0  }
0x14: {  	s2 =	sld [smem:$0x3F8D];
	s0 =	simm.s32 @p1 $0x1  }
0x15: {  	[smem:$0x3FAA] =	sst s0;
	s0 =	simm.s32 @!p2 $0x0  }
0x16: {  	s3 =	sld [smem:$0x3FDB];
	s0 =	simm.s32 @p2 $0x1  }
0x17: {  	s4 =	simm.s32 $0x1BF5;
	[smem:$0x3FAC] =	sst s0  }
0x18: {  	s0 =	sld [smem:$0x3F8F];
	_ =	swait.ge [sflag:s4], $0x0  }
0x19: {  	s7 =	sld [smem:$0x3F90]  }
0x1a: {  	s8 =	sadd.s32 $0xFFFFE003, lr  }
0x1b: {  	s9 =	sadd.s32 $0xFFFFFEF7, lr;
	s5 =	simm.s32 $0xFFFFFFFF;
	p2 =	slt.u32 s8, $0xFFFFF086  }
0x1c: {  	p1 =	slt.u32 s9, $0xF7A;
	s5 =	simm.s32 @!p2 $0x0  }
0x1d: {  	s5 =	simm.s32 @p1 $0x1;
	p0 =	seq.s32 s7, s2  }
0x1e: {  	s7 =	smul.u32 @!p0 $0xF7A, s2;
	p2 =	seq.s32 @!p0 s5, $0x0  }
0x1f: {  	s9 =	smul.u32 $0xF7A, s1;
	s8 =	simm.s32 @!p0 $0x1BF5;
	p2 =	por !p2, p0  }
0x20: {  	[sflag:s8] =	ssyncset.s32 @!p0 $0xFFFFF086;
	s6 =	sadd.s32 @!p0 s3, s7;
	s7 =	simm.s32 @!p0 $0x108  }
0x21: {  	s3 =	sadd.s32 s3, s9;
	s6 =	sadd.s32 @!p0 $0x88, s6;
	s7 =	simm.s32 @p2 $0x1082  }
0x22: {  	[simem:s7], [sflag:s8] =	dma.local @!p0 [hbm:s6], $0xF7A  }
0x23: {  	s9 =	sor.u32 $0xD0000000, s2;
	s6 =	simm.s32 $0x108;
	_ =	swait.ge @!p0 [sflag:s8], $0x0  }
0x24: {  	s3 =	sadd.s32 $0x88, s3;
	s6 =	simm.s32 @!p1 $0x1082;
	[sflag:s4] =	ssyncset.s32 $0xFFFFF086  }
0x25: {  	[simem:s6], [sflag:s4] =	dma.local [hbm:s3], $0xF7A  }
0x26: {  	[smem:$0x3F90] =	sst s1;
	(tag) =	ssettag s2;
	_ =	strace s9  }
0x27: {  	s1 =	sld [smem:$0x3FA0]  }
0x28: {  	s2 =	sld [smem:$0x3FA1]  }
0x29: {  	s4 =	sld [smem:$0x3FA3]  }
0x2a: {  	p0 =	seq.s32 s5, $0x0;
	s5 =	sld [smem:$0x3FA4]  }
0x2b: {  	s6 =	sld [smem:$0x3FA5]  }
0x2c: {  	s7 =	sld [smem:$0x3FA6]  }
0x2d: {  	s3 =	simm.s32 $0x108;
	s8 =	sld [smem:$0x3FA7]  }
0x2e: {  	s3 =	simm.s32 @!p0 $0x1082;
	s9 =	sld [smem:$0x3FA8]  }
0x2f: {  	lr =	sadd.s32 s0, s3;
	s0 =	sld [smem:$0x3F9F]  }
0x30: {  	s3 =	sld [smem:$0x3FA2]  }
0x31: {  	[smem:$0x3FAB] =	sst s10  }
0x32: {  	s10 =	sld [smem:$0x3FA9];
	_ =	sdelay $0x3  }
0x33: {  	p0 =	seq.s32 s10, $0x1;
	s10 =	sld [smem:$0x3FAB];
	_ =	sdelay $0x3  }
0x34: {  	[smem:$0x3FAB] =	sst s10  }
0x35: {  	s10 =	sld [smem:$0x3FAA];
	_ =	sdelay $0x3  }
0x36: {  	p1 =	seq.s32 s10, $0x1;
	s10 =	sld [smem:$0x3FAB];
	_ =	sdelay $0x3  }
0x37: {  	[smem:$0x3FAB] =	sst s10  }
0x38: {  	s10 =	sld [smem:$0x3FAC]  }
0x39: {  	_ = 	snop;
	(pc) =	sbr.ind lr, $3  }
0x3a: {  	_ = 	snop  }
0x3b: {  	_ = 	snop  }
0x3c: {  	p2 =	seq.s32 s10, $0x1;
	s10 =	sld [smem:$0x3FAB]  }
0x3d: {  	_ =	shalt  }
0x3e: {  	_ =	shalt  }
0x3f: {  	_ =	shalt  }
0x40: {  	_ =	shalt  }
0x41: {  	_ =	shalt  }
0x42: {  	_ =	shalt  }
0x43: {  	_ =	shalt  }
0x44: {  	_ =	shalt  }
0x45: {  	_ =	shalt  }
0x46: {  	_ =	shalt  }
0x47: {  	_ =	shalt  }
0x48: {  	_ =	shalt  }
0x49: {  	_ =	shalt  }
0x4a: {  	_ =	shalt  }
0x4b: {  	_ =	shalt  }
0x4c: {  	_ =	shalt  }
0x4d: {  	_ =	shalt  }
0x4e: {  	_ =	shalt  }
0x4f: {  	_ =	shalt  }
0x50: {  	_ =	shalt  }
0x51: {  	_ =	shalt  }
0x52: {  	_ =	shalt  }
0x53: {  	_ =	shalt  }
0x54: {  	_ =	shalt  }
0x55: {  	_ =	shalt  }
0x56: {  	_ =	shalt  }
0x57: {  	_ =	shalt  }
0x58: {  	_ =	shalt  }
0x59: {  	_ =	shalt  }
0x5a: {  	_ =	shalt  }
0x5b: {  	_ =	shalt  }
0x5c: {  	_ =	shalt  }
0x5d: {  	_ =	shalt  }
0x5e: {  	_ =	shalt  }
0x5f: {  	_ =	shalt  }
0x60: {  	_ =	shalt  }
0x61: {  	_ =	shalt  }
0x62: {  	_ =	shalt  }
0x63: {  	_ =	shalt  }
0x64: {  	_ =	shalt  }
0x65: {  	_ =	shalt  }
0x66: {  	_ =	shalt  }
0x67: {  	_ =	shalt  }
0x68: {  	_ =	shalt  }
0x69: {  	_ =	shalt  }
0x6a: {  	_ =	shalt  }
0x6b: {  	_ =	shalt  }
0x6c: {  	_ =	shalt  }
0x6d: {  	_ =	shalt  }
0x6e: {  	_ =	shalt  }
0x6f: {  	_ =	shalt  }
0x70: {  	_ =	shalt  }
0x71: {  	_ =	shalt  }
0x72: {  	_ =	shalt  }
0x73: {  	_ =	shalt  }
0x74: {  	_ =	shalt  }
0x75: {  	_ =	shalt  }
0x76: {  	_ =	shalt  }
0x77: {  	_ =	shalt  }
0x78: {  	_ =	shalt  }
0x79: {  	_ =	shalt  }
0x7a: {  	_ =	shalt  }
0x7b: {  	_ =	shalt  }
0x7c: {  	_ =	shalt  }
0x7d: {  	_ =	shalt  }
0x7e: {  	_ =	shalt  }
0x7f: {  	_ =	shalt  }
0x80: {  	_ =	shalt  }
0x81: {  	_ =	shalt  }
0x82: {  	_ =	shalt  }
0x83: {  	_ =	shalt  }
0x84: {  	_ =	shalt  }
0x85: {  	_ =	shalt  }
0x86: {  	_ =	shalt  }
0x87: {  	_ =	shalt  }
.Lfunc_end0:
.L_simem_size_0:
called_computation_lowered:
.L_overlay_start_0:
0x88: {  	s2 =	sld [smem:$0x3FD9]  }
0x89: {  	s3 =	sld [smem:$0x3FFE];
	_ =	sdelay $0x1  }
0x8a: {  	s1 =	srdreg.scid  }
0x8b: {  	s0 =	sand.u32 $0x1, s1  }
0x8c: {  	s17 =	sshll.u32 s0, $0xA;
	s2 =	sadd.s32 s3, s2  }
0x8d: {  	s2 =	sadd.s32 s2, s17  }
0x8e: {  	[smem:$0x3FB7] =	sst s2  }
0x8f: {  	_ = 	snop  }
0x90: {  	s2 =	sld [smem:$0x3FC6]  }
0x91: {  	s18 =	sld [smem:$0x3FD0];
	(tm) =	ssettm $0x1  }
0x92: {  	s4 =	sld [smem:$0x3FFB];
	_ =	sdelay $0x3  }
0x93: {  	_ =	strace s4  }
0x94: {  	s4 =	sld [smem:$0x3FFC];
	_ =	sdelay $0x3  }
0x95: {  	_ =	strace s4  }
0x96: {  	s4 =	sld [smem:$0x3FFD];
	_ =	sdelay $0x3  }
0x97: {  	_ =	strace s4  }
0x98: {  	_ =	strace $0x8FFFFFFF  }
0x99: {  	s19 =	sld [smem:$0x3FDB];
	_ =	sdelay $0x1  }
0x9a: {  	s5 =	simm.s32 $_scs_section_size  }
0x9b: {  	s6 =	simm.s32 $_size__tile_overlayer_lowered;
	s7 =	simm.s32 $_tile_overlayer_lowered  }
0x9c: {  	s22 =	simm.s32 $0x1BFF;
	s21 =	sshll.u32 s7, $0x1;
	s4 =	sadd.s32 s5, s19  }
0x9d: {  	s8 =	simm.s32 $0x0;
	s20 =	sshll.u32 s6, $0x1;
	s6 =	sadd.s32 s21, s4  }
0x9e: {  	[timem:s8], [sflag:s22] =	dma.local [hbm:s6], s20  }
0x9f: {  	_ =	swait.ge [sflag:s22], s20  }
0xa0: {  	s5 =	ssub.s32 $0x0, s20;
	[sflag:s22] =	ssyncset.done $0x0  }
0xa1: {  	[sflag:s22] =	ssyncadd.s32 s5;
	_ =	sdelay $0x1  }
0xa2: {  	s23 =	simm.s32 $0x1B8B  }
0xa3: {  	_ =	swait.ge [sflag:s23], $0x1  }
0xa4: {  	[sflag:s23] =	ssyncset.done $0x0  }
0xa5: {  	s25 =	simm.s32 $0x1B8E;
	s24 =	sld [smem:$0x3FFE];
	[sflag:s23] =	ssyncadd.s32 $0xFFFFFFFF  }
0xa6: {  	s26 =	simm.s32 $execute0_lowered;
	[smem:$0x3FD2] =	sst s25  }
0xa7: {  	s6 =	sshll.u32 s26, $0x1;
	_ =	strace $0x80000046;
	[dreg:$0x1] =	wrdreg $0xFFFFFFFF  }
0xa8: {  	s28 =	simm.s32 $_size_execute0_lowered;
	s4 =	sadd.s32 s4, s6;
	[dreg:$0x0] =	wrdreg $0x0  }
0xa9: {  	s6 =	sshll.u32 s28, $0x1;
	[dreg:$0x2] =	wrdreg s4  }
0xaa: {  	[dreg:$0x3] =	wrdreg s6  }
0xab: {  	[dreg:$0x4] =	wrdreg $0xC0  }
0xac: {  	_ =	task [dreg:s8], $0x5FFFF  }
0xad: {  	[dreg:$0x1] =	wrdreg $0xFFFFFFFF  }
0xae: {  	[dreg:$0x0] =	wrdreg $0x60  }
0xaf: {  	[dreg:$0x2] =	wrdreg s18  }
0xb0: {  	[dreg:$0x3] =	wrdreg s24  }
0xb1: {  	[dreg:$0x4] =	wrdreg s2  }
0xb2: {  	[dreg:$0x5] =	wrdreg $0x9  }
0xb3: {  	_ =	task.clear_ibuf [dreg:s8], $0x6FFFF;
	_ =	strace $0x90000046  }
0xb4: {  	s29 =	simm.s32 $0x9;
	_ =	strace $0x80000048  }
0xb5: {  	_ =	swait.ge [sflag:s29], $0x1  }
0xb6: {  	[sflag:s29] =	ssyncadd.s32 $0xFFFFFFFF  }
0xb7: {  	_ =	strace $0x90000048  }
0xb8: {  	_ =	sfence  }
0xb9: {  	s30 =	sld [smem:$0x0];
	_ =	sdelay $0x2  }
0xba: {  	s31 =	sshll.u32 s1, $0xD;
	s1 =	sshrl.u32 s1, $0x2  }
0xbb: {  	s3 =	sand.u32 $0x4000, s31;
	s1 =	sadd.s32 s1, s30  }
0xbc: {  	s0 =	sor.u32 s3, s0;
	s1 =	sshll.u32 s1, $0x11  }
0xbd: {  	s0 =	sor.u32 s1, s0  }
0xbe: {  	s0 =	sadd.s32 $0x8F2B, s0  }
0xbf: {  	[sflag:s0] =	ssyncadd.remote.s32 $0x1  }
0xc0: {  	_ =	sfence.sel $0xFFFF  }
0xc1: {  	[dreg:$0x0] =	wrdreg $0xFFFFFFFF;
	(pc) =	sbr.abs _section_cstart, $3  }
0xc2: {  	[dreg:$0x1] =	wrdreg $0xFFFFFFFF  }
0xc3: {  	_ =	task.clear_ibuf [dreg:s8], $0x2FFFF;
	_ =	strace $0x9FFFFFFF  }
0xc4: {  	(tm) =	ssettm $0x7FFFFFFF  }
0xc5: {  	_ =	shalt  }
tec
execute0_lowered:
.L_overlay_start_1:
0x0: {  	(tag) =	ssettag $0x1  }
0x1: {  	s1 =	rddreg [dreg:$0x0]  }
0x2: {  	s0 =	srdreg.scid;
	s2 =	rddreg [dreg:$0x1]  }
0x3: {  	s18 =	stileid.u32;
	s7 =	rddreg [dreg:$0x2];
	s19 =	simm.s32 $0x5000  }
0x4: {  	s20 =	simm.s32 $0x80;
	s21 =	simm.s32 $0x5200;
	s26 =	smul.u32 $0x5000, s18  }
0x5: {  	s22 =	simm.s32 $0x9200;
	s23 =	simm.s32 $0x1;
	s16 =	smul.u32 $0x50000, s18  }
0x6: {  	s0 =	sand.u32 $0x1, s0;
	s3 =	sshll.u32 s18, $0x1;
	s18 =	smul.u32 $0xA000, s18  }
0x7: {  	s24 =	simm.s32 $0x2;
	s30 =	simm.s32 $0x5180;
	s11 =	smul.u32 $0x2800, s0  }
0x8: {  	s31 =	simm.s32 $0x0;
	s29 =	simm.s32 $0x0;
	s17 =	smul.u32 $0x28000, s0  }
0x9: {  	s6 =	sor.u32 s0, s3;
	s25 =	ssub.s32 $0x2, s0;
	s0 =	smul.u32 $0x5000, s0  }
0xa: {  	s14 =	sadd.s32 $0x581800, s2;
	s3 =	simm.s32 $0x0;
	s4 =	smul.u32 $0x2800, s6  }
0xb: {  	[smem:$0x7FF] =	sst s3;
	s8 =	sshll.u32 s6, $0xD;
	s10 =	sshrl.u32 s25, $0x1  }
0xc: {  	s13 =	sshll.u32 s6, $0x6;
	_ =	strace $0x80000047;
	s12 =	sadd.s32 s8, s2  }
0xd: {  	s10 =	ssub.s32 s25, s10;
	s7 =	sadd.s32 s7, s13;
	s11 =	sadd.s32 s11, s26  }
0xe: {  	s25 =	simm.s32 $0xD200;
	s26 =	simm.s32 $0xDA00;
	s5 =	sshrl.u32 s4, $0x3  }
0xf: {  	s4 =	sadd.s32 $0x4E5400, s2;
	s8 =	sadd.s32 $0xB7400, s12;
	s11 =	sor.u32 $0x80, s11  }
0x10: {  	s9 =	sadd.s32 s5, s2;
	s2 =	sadd.s32 $0x17400, s2;
	s15 =	sshrl.u32 s11, $0x7  }
0x11: {  	s11 =	sadd.s32 $0xB8400, s12;
	s5 =	sadd.s32 $0xD400, s9;
	s6 =	sadd.s32 $0x3400, s9  }
0x12: {  	s9 =	smax.u32 s10, $0x1;
	s10 =	sadd.s32 $0xB7C00, s12;
	s28 =	sshll.u32 s15, $0xB  }
0x13: {  	s12 =	sadd.s32 $0xB8C00, s12;
	s15 =	sshll.u32 s15, $0x8;
	s13 =	sadd.s32 s28, s14  }
0x14: {  	s14 =	sadd.s32 s16, s14;
	s15 =	sadd.s32 s15, s2;
	s2 =	sadd.s32 s18, s2  }
0x15: {  	s14 =	sadd.s32 s17, s14;
	s16 =	sadd.s32 s0, s2;
	s17 =	simm.s32 $0x3  }
.LBB2_1:
0x16: {  	[tilespmem:s3], [sflag:$0x3] =	stream.linear.gather [hbm4b:s5+s3], $0x2800, $0x38;
	[tilespmem:$0xE200] =	vst v63  }
0x17: {  	_ =	swait.ge [sflag:s17], $0x2800  }
0x18: {  	[sflag:s17] =	ssyncset.done $0x0  }
0x19: {  	s0 =	simm.s32 $0x2800;
	[sflag:s17] =	ssyncadd.s32 $0xFFFFD800  }
0x1a: {  	[tilespmem:s0], [sflag:$0x3] =	stream.linear.gather [hbm4b:s6+s3], $0x2800, $0x38;
	[tilespmem:$0xE200] =	vst v63  }
0x1b: {  	_ =	swait.ge [sflag:s17], $0x2800  }
0x1c: {  	[sflag:s17] =	ssyncset.done $0x0  }
0x1d: {  	[sflag:s17] =	ssyncadd.s32 $0xFFFFD800  }
0x1e: {  	[tilespmem:s19], [sflag:$0x3] =	stream.linear.gather [hbm4b:s7+s3], $0x200, $0x38;
	[tilespmem:$0xE200] =	vst v63  }
0x1f: {  	_ =	swait.ge [sflag:s17], $0x200  }
0x20: {  	[sflag:s17] =	ssyncset.done $0x0  }
0x21: {  	[sflag:s17] =	ssyncadd.s32 $0xFFFFFE00  }
0x22: {  	[tilespmem:s21], [sflag:$0x1] =	stream.indirect.gather [hbm4b:s1+s20], $0x80, s3, s20, $0xb8;
	[tilespmem:$0xE200] =	vst v63  }
0x23: {  	s2 =	simm.s32 $0x80  }
0x24: {  	[tilespmem:s22], [sflag:$0x2] =	stream.indirect.gather [hbm4b:s1+s20], $0x80, s2, s20, $0xb8;
	[tilespmem:$0xE200] =	vst v63  }
0x25: {  	_ =	swait.ge [sflag:s23], $0x4000  }
0x26: {  	[sflag:s23] =	ssyncset.done $0x0  }
0x27: {  	s18 =	sadd.s32 $0x0, s14;
	[sflag:s23] =	ssyncadd.s32 $0xFFFFC000  }
0x28: {  	[hbm4b:s18+s3] =	stream.linear.scatter [tilespmem:s21], [sflag:$0x3], $0x4000, $0x38;
	[tilespmem:$0xE200] =	vst v63  }
0x29: {  	_ =	swait.ge [sflag:s17], $0x4000  }
0x2a: {  	[sflag:s17] =	ssyncset.done $0x0  }
0x2b: {  	[sflag:s17] =	ssyncadd.s32 $0xFFFFC000  }
0x2c: {  	_ =	swait.ge [sflag:s24], $0x4000  }
0x2d: {  	[sflag:s24] =	ssyncset.done $0x0  }
0x2e: {  	s28 =	sadd.s32 $0x0, s13;
	[sflag:s24] =	ssyncadd.s32 $0xFFFFC000  }
0x2f: {  	[hbm4b:s28+s3] =	stream.linear.scatter [tilespmem:s22], [sflag:$0x3], $0x4000, $0x38;
	[tilespmem:$0xE200] =	vst v63  }
0x30: {  	_ =	swait.ge [sflag:s17], $0x4000  }
0x31: {  	s0 =	simm.s32 $0x0;
	s2 =	simm.s32 $0x1000;
	[sflag:s17] =	ssyncset.done $0x0  }
.LBB2_2:
0x32: {  	p0 =	sne.s32 s2, $0x27000;
	[sflag:s17] =	ssyncadd.s32 $0xFFFFC000;
	s0 =	sadd.s32 $0x100, s0  }
0x33: {  	[tilespmem:s21], [sflag:$0x1] =	stream.indirect.gather [hbm4b:s1+s20], $0x80, s0, s20, $0xb8;
	[tilespmem:$0xE200] =	vst v63  }
0x34: {  	s28 =	smov.u32 s2;
	s2 =	sadd.s32 $0x1000, s2;
	s18 =	sadd.s32 $0x80, s0  }
0x35: {  	[tilespmem:s22], [sflag:$0x2] =	stream.indirect.gather [hbm4b:s1+s20], $0x80, s18, s20, $0xb8;
	[tilespmem:$0xE200] =	vst v63  }
0x36: {  	_ =	swait.ge [sflag:s23], $0x4000  }
0x37: {  	[sflag:s23] =	ssyncset.done $0x0  }
0x38: {  	s18 =	sadd.s32 s28, s14;
	[sflag:s23] =	ssyncadd.s32 $0xFFFFC000  }
0x39: {  	[hbm4b:s18+s29] =	stream.linear.scatter [tilespmem:s21], [sflag:$0x3], $0x4000, $0x38;
	[tilespmem:$0xE200] =	vst v63  }
0x3a: {  	_ =	swait.ge [sflag:s17], $0x4000  }
0x3b: {  	[sflag:s17] =	ssyncset.done $0x0  }
0x3c: {  	[sflag:s17] =	ssyncadd.s32 $0xFFFFC000  }
0x3d: {  	_ =	swait.ge [sflag:s24], $0x4000  }
.Ltmp0:
0x3e: {  	[sflag:s24] =	ssyncset.done $0x0;
	(pc) =	sbr.rel @p0 .LBB2_2-.Ltmp0, $4  }
0x3f: {  	s18 =	sadd.s32 s28, s13;
	[sflag:s24] =	ssyncadd.s32 $0xFFFFC000  }
0x40: {  	[hbm4b:s18+s29] =	stream.linear.scatter [tilespmem:s22], [sflag:$0x3], $0x4000, $0x38;
	[tilespmem:$0xE200] =	vst v63  }
0x41: {  	_ =	swait.ge [sflag:s17], $0x4000  }
0x42: {  	[sflag:s17] =	ssyncset.done $0x0  }
0x43: {  	[sflag:s17] =	ssyncadd.s32 $0xFFFFC000;
	s2 =	simm.s32 $0x2800  }
0x44: {  	[tilespmem:s25], [sflag:$0x1] =	stream.indirect.gather [hbm4b:s4+s20], $0x10, s2, s20, $0xb8;
	[tilespmem:$0xE200] =	vst v63  }
0x45: {  	s0 =	simm.s32 $0x2880  }
0x46: {  	[tilespmem:s26], [sflag:$0x2] =	stream.indirect.gather [hbm4b:s4+s20], $0x10, s0, s20, $0xb8;
	[tilespmem:$0xE200] =	vst v63  }
0x47: {  	_ =	swait.ge [sflag:s23], $0x800  }
0x48: {  	[sflag:s23] =	ssyncset.done $0x0  }
0x49: {  	s18 =	sadd.s32 $0x0, s16;
	[sflag:s23] =	ssyncadd.s32 $0xFFFFF800  }
0x4a: {  	[hbm4b:s18+s3] =	stream.linear.scatter [tilespmem:s25], [sflag:$0x3], $0x800, $0x38;
	[tilespmem:$0xE200] =	vst v63  }
0x4b: {  	_ =	swait.ge [sflag:s17], $0x800  }
0x4c: {  	[sflag:s17] =	ssyncset.done $0x0  }
0x4d: {  	[sflag:s17] =	ssyncadd.s32 $0xFFFFF800  }
0x4e: {  	_ =	swait.ge [sflag:s24], $0x800  }
0x4f: {  	[sflag:s24] =	ssyncset.done $0x0  }
0x50: {  	s28 =	sadd.s32 $0x0, s15;
	[sflag:s24] =	ssyncadd.s32 $0xFFFFF800  }
0x51: {  	[hbm4b:s28+s3] =	stream.linear.scatter [tilespmem:s26], [sflag:$0x3], $0x800, $0x38;
	[tilespmem:$0xE200] =	vst v63  }
0x52: {  	_ =	swait.ge [sflag:s17], $0x800  }
0x53: {  	s0 =	simm.s32 $0x200;
	[sflag:s17] =	ssyncset.done $0x0  }
.LBB2_4:
0x54: {  	p0 =	sne.s32 s0, $0x4E00;
	[sflag:s17] =	ssyncadd.s32 $0xFFFFF800;
	s2 =	sadd.s32 $0x100, s2  }
0x55: {  	[tilespmem:s25], [sflag:$0x1] =	stream.indirect.gather [hbm4b:s4+s20], $0x10, s2, s20, $0xb8;
	[tilespmem:$0xE200] =	vst v63  }
0x56: {  	s28 =	smov.u32 s0;
	s0 =	sadd.s32 $0x200, s0;
	s18 =	sadd.s32 $0x80, s2  }
0x57: {  	[tilespmem:s26], [sflag:$0x2] =	stream.indirect.gather [hbm4b:s4+s20], $0x10, s18, s20, $0xb8;
	[tilespmem:$0xE200] =	vst v63  }
0x58: {  	_ =	swait.ge [sflag:s23], $0x800  }
0x59: {  	[sflag:s23] =	ssyncset.done $0x0  }
0x5a: {  	s18 =	sadd.s32 s28, s16;
	[sflag:s23] =	ssyncadd.s32 $0xFFFFF800  }
0x5b: {  	[hbm4b:s18+s3] =	stream.linear.scatter [tilespmem:s25], [sflag:$0x3], $0x800, $0x38;
	[tilespmem:$0xE200] =	vst v63  }
0x5c: {  	_ =	swait.ge [sflag:s17], $0x800  }
0x5d: {  	[sflag:s17] =	ssyncset.done $0x0  }
0x5e: {  	[sflag:s17] =	ssyncadd.s32 $0xFFFFF800  }
0x5f: {  	_ =	swait.ge [sflag:s24], $0x800  }
.Ltmp1:
0x60: {  	[sflag:s24] =	ssyncset.done $0x0;
	(pc) =	sbr.rel @p0 .LBB2_4-.Ltmp1, $4  }
0x61: {  	s18 =	sadd.s32 s28, s15;
	[sflag:s24] =	ssyncadd.s32 $0xFFFFF800  }
0x62: {  	[hbm4b:s18+s3] =	stream.linear.scatter [tilespmem:s26], [sflag:$0x3], $0x800, $0x38;
	[tilespmem:$0xE200] =	vst v63  }
0x63: {  	_ =	swait.ge [sflag:s17], $0x800  }
0x64: {  	[sflag:s17] =	ssyncset.done $0x0  }
0x65: {  	[sflag:s17] =	ssyncadd.s32 $0xFFFFF800  }
0x66: {  	[tilespmem:s21], [sflag:$0x1] =	stream.indirect.gather [hbm4b:s1+s20], $0x80, s19, s20, $0xb8;
	[tilespmem:$0xE200] =	vst v63  }
0x67: {  	_ =	swait.ge [sflag:s23], $0x4000  }
0x68: {  	[sflag:s23] =	ssyncset.done $0x0  }
0x69: {  	[sflag:s23] =	ssyncadd.s32 $0xFFFFC000  }
0x6a: {  	[hbm4b:s8+s3] =	stream.linear.scatter [tilespmem:s21], [sflag:$0x3], $0x4000, $0x38;
	[tilespmem:$0xE200] =	vst v63  }
0x6b: {  	_ =	swait.ge [sflag:s17], $0x4000  }
0x6c: {  	[sflag:s17] =	ssyncset.done $0x0  }
0x6d: {  	s0 =	simm.s32 $0x5080;
	[sflag:s17] =	ssyncadd.s32 $0xFFFFC000  }
0x6e: {  	[tilespmem:s21], [sflag:$0x1] =	stream.indirect.gather [hbm4b:s1+s20], $0x80, s0, s20, $0xb8;
	[tilespmem:$0xE200] =	vst v63  }
0x6f: {  	_ =	swait.ge [sflag:s23], $0x4000  }
0x70: {  	[sflag:s23] =	ssyncset.done $0x0  }
0x71: {  	[sflag:s23] =	ssyncadd.s32 $0xFFFFC000  }
0x72: {  	[hbm4b:s10+s3] =	stream.linear.scatter [tilespmem:s21], [sflag:$0x3], $0x4000, $0x38;
	[tilespmem:$0xE200] =	vst v63  }
0x73: {  	_ =	swait.ge [sflag:s17], $0x4000  }
0x74: {  	[sflag:s17] =	ssyncset.done $0x0  }
0x75: {  	s28 =	simm.s32 $0x5100;
	[sflag:s17] =	ssyncadd.s32 $0xFFFFC000  }
0x76: {  	[tilespmem:s21], [sflag:$0x1] =	stream.indirect.gather [hbm4b:s1+s20], $0x80, s28, s20, $0xb8;
	[tilespmem:$0xE200] =	vst v63  }
0x77: {  	_ =	swait.ge [sflag:s23], $0x4000  }
0x78: {  	[sflag:s23] =	ssyncset.done $0x0  }
0x79: {  	[sflag:s23] =	ssyncadd.s32 $0xFFFFC000  }
0x7a: {  	[hbm4b:s11+s3] =	stream.linear.scatter [tilespmem:s21], [sflag:$0x3], $0x4000, $0x38;
	[tilespmem:$0xE200] =	vst v63  }
0x7b: {  	_ =	swait.ge [sflag:s17], $0x4000  }
0x7c: {  	[sflag:s17] =	ssyncset.done $0x0  }
0x7d: {  	[sflag:s17] =	ssyncadd.s32 $0xFFFFC000  }
0x7e: {  	[tilespmem:s21], [sflag:$0x1] =	stream.indirect.gather [hbm4b:s1+s20], $0x80, s30, s20, $0xb8;
	[tilespmem:$0xE200] =	vst v63  }
0x7f: {  	s31 =	sadd.s32 $0x1, s31;
	_ =	swait.ge [sflag:s23], $0x4000  }
0x80: {  	p0 =	sne.s32 s31, s9;
	[sflag:s23] =	ssyncset.done $0x0  }
.Ltmp2:
0x81: {  	[sflag:s23] =	ssyncadd.s32 $0xFFFFC000;
	(pc) =	sbr.rel @p0 .LBB2_1-.Ltmp2, $4  }
0x82: {  	[hbm4b:s12+s3] =	stream.linear.scatter [tilespmem:s21], [sflag:$0x3], $0x4000, $0x38;
	[tilespmem:$0xE200] =	vst v63  }
0x83: {  	_ =	swait.ge [sflag:s17], $0x4000  }
0x84: {  	[sflag:s17] =	ssyncset.done $0x0  }
0x85: {  	[sflag:s17] =	ssyncadd.s32 $0xFFFFC000  }
0x86: {  	_ =	sfence.sel $0x180000  }
0x87: {  	[bflag:$0x0] =	sbarrier.arrive $0xFFFF  }
0x88: {  	_ =	strace $0x90000047  }
0x89: {  	s0 =	stileid.u32;
	[bflag:$0x2] =	sbarrier.arrive $0xFFFF  }
0x8a: {  	p0 =	sne.s32 s0, $0x0;
	s0 =	rddreg [dreg:$0x3]  }
0x8b: {  	s0 =	sadd.s32 @!p0 $0x100000, s0  }
0x8c: {  	[sflag:s0] =	ssyncadd.tile.s32 @!p0 $0x1;
	_ =	shalt  }
.Lfunc_end2:
_tile_overlayer_lowered:
.L_overlay_start_2:
0x8d: {  	(tag) =	ssettag $0x2  }
0x8e: {  	s0 =	rddreg [dreg:$0x0];
	s2 =	stileid.u32  }
0x8f: {  	s1 =	rddreg [dreg:$0x1];
	p0 =	sne.s32 s2, $0x0  }
0x90: {  	s3 =	rddreg [dreg:$0x2];
	[bflag:$0x3] =	sbarrier.arrive $0xFFFF;
	s2 =	simm.s32 @!p0 $0x1C03  }
0x91: {  	[timem:s3], [sflag:s2] =	dma.local @!p0 [hbm:s0], s1  }
0x92: {  	s0 =	simm.s32 @!p0 $0x3  }
0x93: {  	_ =	swait.ge @!p0 [sflag:s0], s1  }
0x94: {  	s1 =	ssub.s32 @!p0 $0x0, s1;
	[sflag:s0] =	ssyncset.done @!p0 $0x0  }
0x95: {  	[sflag:s0] =	ssyncadd.s32 @!p0 s1  }
0x96: {  	[bflag:$0x3] =	sbarrier.arrive $0xFFFF  }
0x97: {  	_ =	shalt  }

</sc_bundles>
